<compile_context>
chip_gen: v7x
topology: tpu7x:2x2x1
jax: 0.10.2.dev20260603
libtpu: 0.0.44.dev20260713+nightly
codegen_flags: <defaults>
</compile_context>

<pallas_src>
import functools

import jax
import jax.numpy as jnp
from jax import lax
from jax.experimental import pallas as pl
from jax.experimental.pallas import tpu as pltpu
from jax.experimental.pallas import tpu_sc as plsc

_NC = 2
_NS = 16
_NW = _NC * _NS
_IDXG = 128
_CHUNK = 512


@functools.lru_cache(maxsize=None)
def _make_sc_gather(v, d, n):
    gpc = _CHUNK // _IDXG
    rows_per_w = n // _NW
    nchunk = rows_per_w // _CHUNK
    assert rows_per_w * _NW == n and nchunk * _CHUNK == rows_per_w

    mesh = plsc.VectorSubcoreMesh(core_axis_name="c", subcore_axis_name="s")

    @functools.partial(
        pl.kernel,
        out_type=jax.ShapeDtypeStruct((n // 2, 2 * d), jnp.float32),
        mesh=mesh,
        scratch_types=[
            pltpu.VMEM((gpc, _IDXG), jnp.int32),
            pltpu.VMEM((_CHUNK, d), jnp.float32),
            pltpu.SemaphoreType.DMA,
        ],
        compiler_params=pltpu.CompilerParams(use_tc_tiling_on_sc=False),
    )
    def gather(table_hbm, idx_hbm, out_hbm, idx_v, rows_v, sem):
        wid = lax.axis_index("s") * _NC + lax.axis_index("c")

        def chunk(i, carry):
            g0 = (wid * nchunk + i) * gpc
            pltpu.sync_copy(idx_hbm.at[pl.ds(g0, gpc)], idx_v)
            cps = [
                pltpu.async_copy(
                    table_hbm.at[idx_v.at[j]],
                    rows_v.at[pl.ds(j * _IDXG, _IDXG)],
                    sem,
                )
                for j in range(gpc)
            ]
            for c in cps:
                c.wait()
            r0 = g0 * _IDXG // 2
            pltpu.sync_copy(
                rows_v.at[pl.ds(0, _CHUNK // 2)],
                out_hbm.at[pl.ds(r0, _CHUNK // 2), pl.ds(0, d)],
            )
            pltpu.sync_copy(
                rows_v.at[pl.ds(_CHUNK // 2, _CHUNK // 2)],
                out_hbm.at[pl.ds(r0, _CHUNK // 2), pl.ds(d, d)],
            )
            return carry

        lax.fori_loop(0, nchunk, chunk, 0)

    return gather


def _dense_t_body(x_ref, wpec_ref, w2t_ref, b_ref, g_ref, beta_ref, out_ref):
    bl, d2 = x_ref.shape
    dm = d2 // 2
    x = x_ref[...]
    w2t = w2t_ref[...]
    h_t = lax.dot_general(
        w2t, x, (((1,), (1,)), ((), ())),
        preferred_element_type=jnp.float32,
    )
    pqall = jnp.dot(w2t, wpec_ref[...], preferred_element_type=jnp.float32)
    sel = (
        lax.broadcasted_iota(jnp.int32, pqall.shape, 1) == pl.program_id(0)
    ).astype(jnp.float32)
    pqcol = jnp.sum(pqall * sel, axis=1, keepdims=True)
    h_t = h_t + pqcol + b_ref[...]
    h3 = h_t.reshape(2, dm, bl)
    m = jnp.mean(h3, axis=1, keepdims=True)
    hc = h3 - m
    v = jnp.mean(hc * hc, axis=1, keepdims=True)
    hn = (hc * lax.rsqrt(v + 1e-5)).reshape(d2, bl)
    hn = hn * g_ref[...] + beta_ref[...]
    out_ref[...] = (hn * jax.nn.sigmoid(hn)).reshape(2, dm, bl)


def _dense_t_body_c(x_ref, wpec_ref, w2t_ref, b_ref, g_ref, beta_ref,
                    carry_ref, out_ref):
    del carry_ref
    _dense_t_body(x_ref, wpec_ref, w2t_ref, b_ref, g_ref, beta_ref, out_ref)


def kernel(input_ids, wte, wpe, W, b, gamma, beta):
    B, S = input_ids.shape
    V, D = wte.shape
    N = B * S
    N2 = N // 2
    D2 = 2 * D

    ids_t = input_ids.T.astype(jnp.int32)
    h1 = ids_t[0::2].reshape(N2)
    h2 = ids_t[1::2].reshape(N2)
    half = _CHUNK // 2
    idx = (
        jnp.stack([h1.reshape(-1, half), h2.reshape(-1, half)], axis=1)
        .reshape(N // _IDXG, _IDXG)
    )
    z = jnp.zeros((D, D), jnp.float32)
    w2t = jnp.block([[W, z], [z, W]])
    bcol = jnp.concatenate([b, b]).reshape(D2, 1)
    gcol = jnp.concatenate([gamma, gamma]).reshape(D2, 1)
    betacol = jnp.concatenate([beta, beta]).reshape(D2, 1)
    wpec = jnp.transpose(wpe[:S].reshape(S // 2, D2))

    P = 5
    sp = S // 2 // P
    irows = N // _IDXG // P
    sc_gather = _make_sc_gather(V, D, N // P)
    x2s = [sc_gather(wte, idx[irows * p:irows * (p + 1)]) for p in range(P)]

    out_t = None
    for p in range(P):
        specs = [
            pl.BlockSpec((B, D2), lambda i: (i, 0)),
            pl.BlockSpec((D2, sp), lambda i: (0, 0)),
            pl.BlockSpec((D2, D2), lambda i: (0, 0)),
            pl.BlockSpec((D2, 1), lambda i: (0, 0)),
            pl.BlockSpec((D2, 1), lambda i: (0, 0)),
            pl.BlockSpec((D2, 1), lambda i: (0, 0)),
        ]
        args = [x2s[p], wpec[:, sp * p:sp * (p + 1)], w2t, bcol, gcol, betacol]
        out_spec = pl.BlockSpec((2, D, B), lambda i, pp=p: (sp * pp + i, 0, 0))
        if p == 0:
            out_t = pl.pallas_call(
                _dense_t_body,
                grid=(sp,),
                in_specs=specs,
                out_specs=out_spec,
                out_shape=jax.ShapeDtypeStruct((S, D, B), jnp.float32),
            )(*args)
        else:
            out_t = pl.pallas_call(
                _dense_t_body_c,
                grid=(sp,),
                in_specs=specs + [pl.BlockSpec(memory_space=pl.ANY)],
                out_specs=out_spec,
                out_shape=jax.ShapeDtypeStruct((S, D, B), jnp.float32),
                input_output_aliases={6: 0},
            )(*args, out_t)
    return jnp.transpose(out_t, (2, 0, 1))

# --- scband reference (transcript-rebuilt; emitter-appended) ---
"""Pipeline reference for scband-reading-49306224558607 (READ-ONLY COPY).

The authoritative reference and input builder live on the scoring server;
editing this copy changes nothing except your own understanding.
"""

import jax, jax.numpy as jnp
import numpy as np

N_VOCAB = 1000000
N_POS = 2048
D = 64
B = 4096
S = 200

def setup_inputs(seed: int = 0) -> dict:
    key = jax.random.key(seed)
    k1, k2, k3, k4, k5 = jax.random.split(key, 5)
    input_ids = jax.random.randint(k1, (B, S), 0, N_VOCAB, dtype=jnp.int64) if jax.config.jax_enable_x64 else jax.random.randint(k1, (B, S), 0, N_VOCAB, dtype=jnp.int32)
    wte = jax.random.normal(k2, (N_VOCAB, D), dtype=jnp.float32) * 0.02
    wpe = jax.random.normal(k3, (N_POS, D), dtype=jnp.float32) * 0.02
    W = jax.random.normal(k4, (D, D), dtype=jnp.float32) * (1.0 / np.sqrt(D))
    b = jnp.zeros((D,), dtype=jnp.float32)
    gamma = jnp.ones((D,), dtype=jnp.float32)
    beta = jnp.zeros((D,), dtype=jnp.float32)
    return {"input_ids": input_ids, "wte": wte, "wpe": wpe, "W": W, "b": b, "gamma": gamma, "beta": beta}

def reference(input_ids, wte, wpe, W, b, gamma, beta):
    seq_len = input_ids.shape[-1]
    position_ids = jnp.arange(seq_len)[None, :]
    inputs_embeds = jnp.take(wte, input_ids, axis=0)
    position_embeds = jnp.take(wpe, position_ids, axis=0)
    h = inputs_embeds + position_embeds
    h = h @ W.T + b
    mean = jnp.mean(h, axis=-1, keepdims=True)
    var = jnp.mean(jnp.square(h - mean), axis=-1, keepdims=True)
    h = (h - mean) / jnp.sqrt(var + 1e-5)
    h = h * gamma + beta
    h = h * jax.nn.sigmoid(h)  # SiLU
    return h

if __name__ == "__main__":
    import jax
    _d = setup_inputs()
    print(jax.jit(kernel)(*tuple(_d.values())))

</pallas_src>

<mosaic_0001>
#map = affine_map<(d0, d1) -> (0, 0)>
module attributes {stable_mosaic.version = 14 : i64} {
  func.func @gather(%arg0: i32, %arg1: i32, %arg2: memref<1000000x64xf32, #tpu.memory_space<hbm>>, %arg3: memref<1280x128xi32, #tpu.memory_space<hbm>>, %arg4: memref<81920x128xf32, #tpu.memory_space<hbm>>, %arg5: memref<4x128xi32, #tpu.memory_space<vmem>>, %arg6: memref<512x64xf32, #tpu.memory_space<vmem>>, %arg7: memref<!tpu.dma_semaphore, #tpu.memory_space<semaphore_mem>>) attributes {dimension_semantics = [#tpu.dimension_semantics<core_parallel>, #tpu.dimension_semantics<subcore_parallel>], iteration_bounds = array<i64: 2, 16>, scalar_prefetch = 0 : i64, scratch_operands = 3 : i64, tpu.core_type = #tpu.core_type<sc_vector_subcore>, window_params = [{transform_indices = #map}, {transform_indices = #map}, {transform_indices = #map}]} {
    %mul3A = arith.constant 2 : i32
    %mul3A_0 = arith.muli %arg1, %mul3A : i32
    %add3A = arith.addi %mul3A_0, %arg0 : i32
    %scan3A = arith.constant 0 : i32
    %scan3A_1 = arith.constant 0 : i32
    %scan3A_2 = arith.constant 10 : i32
    %scan3A_3 = arith.addi %scan3A_1, %scan3A_2 : i32
    %scan3A_4 = arith.constant 1 : i32
    scf.for %scan3A_6 = %scan3A_1 to %scan3A_3 step %scan3A_4  : i32 {
      %mul3A_7 = arith.constant 10 : i32
      %mul3A_8 = arith.muli %add3A, %mul3A_7 : i32
      %add3A_9 = arith.addi %mul3A_8, %scan3A_6 : i32
      %mul3A_10 = arith.constant 4 : i32
      %mul3A_11 = arith.muli %add3A_9, %mul3A_10 : i32
      "tpu.region"() ({
        %run_scoped3A = tpu.sem_alloc : memref<!tpu.dma_semaphore, #tpu.memory_space<semaphore_mem>>
        %dma_start3A_108 = arith.constant 0 : i32
        %dma_start3A_109 = tpu.memref_slice %arg3[%mul3A_11, %dma_start3A_108] : memref<1280x128xi32, #tpu.memory_space<hbm>> -> memref<4x128xi32, #tpu.memory_space<hbm>>
        %dma_start3A_110 = arith.constant 0 : i32
        %dma_start3A_111 = tpu.memref_slice %arg3[%mul3A_11, %dma_start3A_110] : memref<1280x128xi32, #tpu.memory_space<hbm>> -> memref<4x128xi32, #tpu.memory_space<hbm>>
        tpu.enqueue_dma source(%dma_start3A_111 : memref<4x128xi32, #tpu.memory_space<hbm>>) target(%arg5 : memref<4x128xi32, #tpu.memory_space<vmem>>) target_semaphore(%run_scoped3A : memref<!tpu.dma_semaphore, #tpu.memory_space<semaphore_mem>>)
        %dma_wait3A_112 = arith.constant 0 : i32
        %dma_wait3A_113 = tpu.memref_slice %arg3[%mul3A_11, %dma_wait3A_112] : memref<1280x128xi32, #tpu.memory_space<hbm>> -> memref<4x128xi32, #tpu.memory_space<hbm>>
        %dma_wait3A_114 = arith.constant 0 : i32
        %dma_wait3A_115 = tpu.memref_slice %arg3[%mul3A_11, %dma_wait3A_114] : memref<1280x128xi32, #tpu.memory_space<hbm>> -> memref<4x128xi32, #tpu.memory_space<hbm>>
        tpu.wait_dma2 semaphore(%run_scoped3A : memref<!tpu.dma_semaphore, #tpu.memory_space<semaphore_mem>>) src(%dma_wait3A_115 : memref<4x128xi32, #tpu.memory_space<hbm>>) dst(%arg5 : memref<4x128xi32, #tpu.memory_space<vmem>>)
        tpu.yield
      }) : () -> ()
      %dma_start3A = arith.constant 0 : i32
      %dma_start3A_12 = arith.constant 0 : i32
      %dma_start3A_13 = arith.constant 0 : i32
      %dma_start3A_14 = tpu.memref_slice %arg6[%dma_start3A_12, %dma_start3A_13] : memref<512x64xf32, #tpu.memory_space<vmem>> -> memref<128x64xf32, #tpu.memory_space<vmem>>
      %dma_start3A_15 = arith.constant 0 : i32
      %dma_start3A_16 = tpu.memref_slice %arg5[%dma_start3A, %dma_start3A_15] : memref<4x128xi32, #tpu.memory_space<vmem>> -> memref<1x128xi32, #tpu.memory_space<vmem>>
      %dma_start3A_17 = tpu.memref_squeeze %dma_start3A_16 : memref<1x128xi32, #tpu.memory_space<vmem>> -> memref<128xi32, #tpu.memory_space<vmem>>
      %dma_start3A_18 = arith.constant 0 : i32
      %dma_start3A_19 = arith.constant 0 : i32
      %dma_start3A_20 = tpu.memref_slice %arg2[%dma_start3A_18, %dma_start3A_19] : memref<1000000x64xf32, #tpu.memory_space<hbm>> -> memref<1000000x64xf32, #tpu.memory_space<hbm>>
      tpu.enqueue_indirect_dma source(%dma_start3A_20 : memref<1000000x64xf32, #tpu.memory_space<hbm>>) target(%dma_start3A_14 : memref<128x64xf32, #tpu.memory_space<vmem>>) offsets(%dma_start3A_17 : memref<128xi32, #tpu.memory_space<vmem>>) semaphore(%arg7 : memref<!tpu.dma_semaphore, #tpu.memory_space<semaphore_mem>>)
      %dma_start3A_21 = arith.constant 1 : i32
      %dma_start3A_22 = arith.constant 128 : i32
      %dma_start3A_23 = arith.constant 0 : i32
      %dma_start3A_24 = tpu.memref_slice %arg6[%dma_start3A_22, %dma_start3A_23] : memref<512x64xf32, #tpu.memory_space<vmem>> -> memref<128x64xf32, #tpu.memory_space<vmem>>
      %dma_start3A_25 = arith.constant 0 : i32
      %dma_start3A_26 = tpu.memref_slice %arg5[%dma_start3A_21, %dma_start3A_25] : memref<4x128xi32, #tpu.memory_space<vmem>> -> memref<1x128xi32, #tpu.memory_space<vmem>>
      %dma_start3A_27 = tpu.memref_squeeze %dma_start3A_26 : memref<1x128xi32, #tpu.memory_space<vmem>> -> memref<128xi32, #tpu.memory_space<vmem>>
      %dma_start3A_28 = arith.constant 0 : i32
      %dma_start3A_29 = arith.constant 0 : i32
      %dma_start3A_30 = tpu.memref_slice %arg2[%dma_start3A_28, %dma_start3A_29] : memref<1000000x64xf32, #tpu.memory_space<hbm>> -> memref<1000000x64xf32, #tpu.memory_space<hbm>>
      tpu.enqueue_indirect_dma source(%dma_start3A_30 : memref<1000000x64xf32, #tpu.memory_space<hbm>>) target(%dma_start3A_24 : memref<128x64xf32, #tpu.memory_space<vmem>>) offsets(%dma_start3A_27 : memref<128xi32, #tpu.memory_space<vmem>>) semaphore(%arg7 : memref<!tpu.dma_semaphore, #tpu.memory_space<semaphore_mem>>)
      %dma_start3A_31 = arith.constant 2 : i32
      %dma_start3A_32 = arith.constant 256 : i32
      %dma_start3A_33 = arith.constant 0 : i32
      %dma_start3A_34 = tpu.memref_slice %arg6[%dma_start3A_32, %dma_start3A_33] : memref<512x64xf32, #tpu.memory_space<vmem>> -> memref<128x64xf32, #tpu.memory_space<vmem>>
      %dma_start3A_35 = arith.constant 0 : i32
      %dma_start3A_36 = tpu.memref_slice %arg5[%dma_start3A_31, %dma_start3A_35] : memref<4x128xi32, #tpu.memory_space<vmem>> -> memref<1x128xi32, #tpu.memory_space<vmem>>
      %dma_start3A_37 = tpu.memref_squeeze %dma_start3A_36 : memref<1x128xi32, #tpu.memory_space<vmem>> -> memref<128xi32, #tpu.memory_space<vmem>>
      %dma_start3A_38 = arith.constant 0 : i32
      %dma_start3A_39 = arith.constant 0 : i32
      %dma_start3A_40 = tpu.memref_slice %arg2[%dma_start3A_38, %dma_start3A_39] : memref<1000000x64xf32, #tpu.memory_space<hbm>> -> memref<1000000x64xf32, #tpu.memory_space<hbm>>
      tpu.enqueue_indirect_dma source(%dma_start3A_40 : memref<1000000x64xf32, #tpu.memory_space<hbm>>) target(%dma_start3A_34 : memref<128x64xf32, #tpu.memory_space<vmem>>) offsets(%dma_start3A_37 : memref<128xi32, #tpu.memory_space<vmem>>) semaphore(%arg7 : memref<!tpu.dma_semaphore, #tpu.memory_space<semaphore_mem>>)
      %dma_start3A_41 = arith.constant 3 : i32
      %dma_start3A_42 = arith.constant 384 : i32
      %dma_start3A_43 = arith.constant 0 : i32
      %dma_start3A_44 = tpu.memref_slice %arg6[%dma_start3A_42, %dma_start3A_43] : memref<512x64xf32, #tpu.memory_space<vmem>> -> memref<128x64xf32, #tpu.memory_space<vmem>>
      %dma_start3A_45 = arith.constant 0 : i32
      %dma_start3A_46 = tpu.memref_slice %arg5[%dma_start3A_41, %dma_start3A_45] : memref<4x128xi32, #tpu.memory_space<vmem>> -> memref<1x128xi32, #tpu.memory_space<vmem>>
      %dma_start3A_47 = tpu.memref_squeeze %dma_start3A_46 : memref<1x128xi32, #tpu.memory_space<vmem>> -> memref<128xi32, #tpu.memory_space<vmem>>
      %dma_start3A_48 = arith.constant 0 : i32
      %dma_start3A_49 = arith.constant 0 : i32
      %dma_start3A_50 = tpu.memref_slice %arg2[%dma_start3A_48, %dma_start3A_49] : memref<1000000x64xf32, #tpu.memory_space<hbm>> -> memref<1000000x64xf32, #tpu.memory_space<hbm>>
      tpu.enqueue_indirect_dma source(%dma_start3A_50 : memref<1000000x64xf32, #tpu.memory_space<hbm>>) target(%dma_start3A_44 : memref<128x64xf32, #tpu.memory_space<vmem>>) offsets(%dma_start3A_47 : memref<128xi32, #tpu.memory_space<vmem>>) semaphore(%arg7 : memref<!tpu.dma_semaphore, #tpu.memory_space<semaphore_mem>>)
      %dma_wait3A = arith.constant 0 : i32
      %dma_wait3A_51 = arith.constant 0 : i32
      %dma_wait3A_52 = arith.constant 0 : i32
      %dma_wait3A_53 = tpu.memref_slice %arg6[%dma_wait3A_51, %dma_wait3A_52] : memref<512x64xf32, #tpu.memory_space<vmem>> -> memref<128x64xf32, #tpu.memory_space<vmem>>
      %dma_wait3A_54 = arith.constant 0 : i32
      %dma_wait3A_55 = tpu.memref_slice %arg5[%dma_wait3A, %dma_wait3A_54] : memref<4x128xi32, #tpu.memory_space<vmem>> -> memref<1x128xi32, #tpu.memory_space<vmem>>
      %dma_wait3A_56 = tpu.memref_squeeze %dma_wait3A_55 : memref<1x128xi32, #tpu.memory_space<vmem>> -> memref<128xi32, #tpu.memory_space<vmem>>
      %dma_wait3A_57 = arith.constant 0 : i32
      %dma_wait3A_58 = arith.constant 0 : i32
      %dma_wait3A_59 = tpu.memref_slice %arg2[%dma_wait3A_57, %dma_wait3A_58] : memref<1000000x64xf32, #tpu.memory_space<hbm>> -> memref<1000000x64xf32, #tpu.memory_space<hbm>>
      tpu.wait_indirect_dma semaphore(%arg7 : memref<!tpu.dma_semaphore, #tpu.memory_space<semaphore_mem>>) src(%dma_wait3A_59 : memref<1000000x64xf32, #tpu.memory_space<hbm>>) dst(%dma_wait3A_53 : memref<128x64xf32, #tpu.memory_space<vmem>>)
      %dma_wait3A_60 = arith.constant 1 : i32
      %dma_wait3A_61 = arith.constant 128 : i32
      %dma_wait3A_62 = arith.constant 0 : i32
      %dma_wait3A_63 = tpu.memref_slice %arg6[%dma_wait3A_61, %dma_wait3A_62] : memref<512x64xf32, #tpu.memory_space<vmem>> -> memref<128x64xf32, #tpu.memory_space<vmem>>
      %dma_wait3A_64 = arith.constant 0 : i32
      %dma_wait3A_65 = tpu.memref_slice %arg5[%dma_wait3A_60, %dma_wait3A_64] : memref<4x128xi32, #tpu.memory_space<vmem>> -> memref<1x128xi32, #tpu.memory_space<vmem>>
      %dma_wait3A_66 = tpu.memref_squeeze %dma_wait3A_65 : memref<1x128xi32, #tpu.memory_space<vmem>> -> memref<128xi32, #tpu.memory_space<vmem>>
      %dma_wait3A_67 = arith.constant 0 : i32
      %dma_wait3A_68 = arith.constant 0 : i32
      %dma_wait3A_69 = tpu.memref_slice %arg2[%dma_wait3A_67, %dma_wait3A_68] : memref<1000000x64xf32, #tpu.memory_space<hbm>> -> memref<1000000x64xf32, #tpu.memory_space<hbm>>
      tpu.wait_indirect_dma semaphore(%arg7 : memref<!tpu.dma_semaphore, #tpu.memory_space<semaphore_mem>>) src(%dma_wait3A_69 : memref<1000000x64xf32, #tpu.memory_space<hbm>>) dst(%dma_wait3A_63 : memref<128x64xf32, #tpu.memory_space<vmem>>)
      %dma_wait3A_70 = arith.constant 2 : i32
      %dma_wait3A_71 = arith.constant 256 : i32
      %dma_wait3A_72 = arith.constant 0 : i32
      %dma_wait3A_73 = tpu.memref_slice %arg6[%dma_wait3A_71, %dma_wait3A_72] : memref<512x64xf32, #tpu.memory_space<vmem>> -> memref<128x64xf32, #tpu.memory_space<vmem>>
      %dma_wait3A_74 = arith.constant 0 : i32
      %dma_wait3A_75 = tpu.memref_slice %arg5[%dma_wait3A_70, %dma_wait3A_74] : memref<4x128xi32, #tpu.memory_space<vmem>> -> memref<1x128xi32, #tpu.memory_space<vmem>>
      %dma_wait3A_76 = tpu.memref_squeeze %dma_wait3A_75 : memref<1x128xi32, #tpu.memory_space<vmem>> -> memref<128xi32, #tpu.memory_space<vmem>>
      %dma_wait3A_77 = arith.constant 0 : i32
      %dma_wait3A_78 = arith.constant 0 : i32
      %dma_wait3A_79 = tpu.memref_slice %arg2[%dma_wait3A_77, %dma_wait3A_78] : memref<1000000x64xf32, #tpu.memory_space<hbm>> -> memref<1000000x64xf32, #tpu.memory_space<hbm>>
      tpu.wait_indirect_dma semaphore(%arg7 : memref<!tpu.dma_semaphore, #tpu.memory_space<semaphore_mem>>) src(%dma_wait3A_79 : memref<1000000x64xf32, #tpu.memory_space<hbm>>) dst(%dma_wait3A_73 : memref<128x64xf32, #tpu.memory_space<vmem>>)
      %dma_wait3A_80 = arith.constant 3 : i32
      %dma_wait3A_81 = arith.constant 384 : i32
      %dma_wait3A_82 = arith.constant 0 : i32
      %dma_wait3A_83 = tpu.memref_slice %arg6[%dma_wait3A_81, %dma_wait3A_82] : memref<512x64xf32, #tpu.memory_space<vmem>> -> memref<128x64xf32, #tpu.memory_space<vmem>>
      %dma_wait3A_84 = arith.constant 0 : i32
      %dma_wait3A_85 = tpu.memref_slice %arg5[%dma_wait3A_80, %dma_wait3A_84] : memref<4x128xi32, #tpu.memory_space<vmem>> -> memref<1x128xi32, #tpu.memory_space<vmem>>
      %dma_wait3A_86 = tpu.memref_squeeze %dma_wait3A_85 : memref<1x128xi32, #tpu.memory_space<vmem>> -> memref<128xi32, #tpu.memory_space<vmem>>
      %dma_wait3A_87 = arith.constant 0 : i32
      %dma_wait3A_88 = arith.constant 0 : i32
      %dma_wait3A_89 = tpu.memref_slice %arg2[%dma_wait3A_87, %dma_wait3A_88] : memref<1000000x64xf32, #tpu.memory_space<hbm>> -> memref<1000000x64xf32, #tpu.memory_space<hbm>>
      tpu.wait_indirect_dma semaphore(%arg7 : memref<!tpu.dma_semaphore, #tpu.memory_space<semaphore_mem>>) src(%dma_wait3A_89 : memref<1000000x64xf32, #tpu.memory_space<hbm>>) dst(%dma_wait3A_83 : memref<128x64xf32, #tpu.memory_space<vmem>>)
      %mul3A_90 = arith.constant 128 : i32
      %mul3A_91 = arith.muli %mul3A_11, %mul3A_90 : i32
      %jit3A = arith.constant 2 : i32
      %div3A = arith.divsi %mul3A_91, %jit3A : i32
      %sign3A = arith.constant 0 : i32
      %sign3A_92 = arith.cmpi sgt, %mul3A_91, %sign3A : i32
      %sign3A_93 = arith.extui %sign3A_92 : i1 to i32
      %sign3A_94 = arith.constant 0 : i32
      %sign3A_95 = arith.cmpi slt, %mul3A_91, %sign3A_94 : i32
      %sign3A_96 = arith.extui %sign3A_95 : i1 to i32
      %sign3A_97 = arith.subi %sign3A_93, %sign3A_96 : i32
      %sign3A_98 = arith.constant 0 : i32
      %sign3A_99 = arith.cmpi sgt, %jit3A, %sign3A_98 : i32
      %sign3A_100 = arith.extui %sign3A_99 : i1 to i32
      %sign3A_101 = arith.constant 0 : i32
      %sign3A_102 = arith.cmpi slt, %jit3A, %sign3A_101 : i32
      %sign3A_103 = arith.extui %sign3A_102 : i1 to i32
      %sign3A_104 = arith.subi %sign3A_100, %sign3A_103 : i32
      %ne3A = arith.cmpi ne, %sign3A_97, %sign3A_104 : i32
      %rem3A = arith.remsi %mul3A_91, %jit3A : i32
      %ne3A_105 = arith.constant 0 : i32
      %ne3A_106 = arith.cmpi ne, %rem3A, %ne3A_105 : i32
      %and3A = arith.andi %ne3A, %ne3A_106 : i1
      %sub3A = arith.constant 1 : i32
      %sub3A_107 = arith.subi %div3A, %sub3A : i32
      %select_n3A = arith.select %and3A, %sub3A_107, %div3A : i32
      "tpu.region"() ({
        %run_scoped3A = tpu.sem_alloc : memref<!tpu.dma_semaphore, #tpu.memory_space<semaphore_mem>>
        %dma_start3A_108 = arith.constant 0 : i32
        %dma_start3A_109 = arith.constant 0 : i32
        %dma_start3A_110 = tpu.memref_slice %arg6[%dma_start3A_108, %dma_start3A_109] : memref<512x64xf32, #tpu.memory_space<vmem>> -> memref<256x64xf32, #tpu.memory_space<vmem>>
        %dma_start3A_111 = arith.constant 0 : i32
        %dma_start3A_112 = tpu.memref_slice %arg4[%select_n3A, %dma_start3A_111] : memref<81920x128xf32, #tpu.memory_space<hbm>> -> memref<256x64xf32, #tpu.memory_space<hbm>>
        %dma_start3A_113 = arith.constant 0 : i32
        %dma_start3A_114 = tpu.memref_slice %arg4[%select_n3A, %dma_start3A_113] : memref<81920x128xf32, #tpu.memory_space<hbm>> -> memref<256x64xf32, #tpu.memory_space<hbm>>
        %dma_start3A_115 = arith.constant 0 : i32
        %dma_start3A_116 = arith.constant 0 : i32
        %dma_start3A_117 = tpu.memref_slice %arg6[%dma_start3A_115, %dma_start3A_116] : memref<512x64xf32, #tpu.memory_space<vmem>> -> memref<256x64xf32, #tpu.memory_space<vmem>>
        tpu.enqueue_dma source(%dma_start3A_117 : memref<256x64xf32, #tpu.memory_space<vmem>>) target(%dma_start3A_114 : memref<256x64xf32, #tpu.memory_space<hbm>>) target_semaphore(%run_scoped3A : memref<!tpu.dma_semaphore, #tpu.memory_space<semaphore_mem>>)
        %dma_wait3A_118 = arith.constant 0 : i32
        %dma_wait3A_119 = arith.constant 0 : i32
        %dma_wait3A_120 = tpu.memref_slice %arg6[%dma_wait3A_118, %dma_wait3A_119] : memref<512x64xf32, #tpu.memory_space<vmem>> -> memref<256x64xf32, #tpu.memory_space<vmem>>
        %dma_wait3A_121 = arith.constant 0 : i32
        %dma_wait3A_122 = tpu.memref_slice %arg4[%select_n3A, %dma_wait3A_121] : memref<81920x128xf32, #tpu.memory_space<hbm>> -> memref<256x64xf32, #tpu.memory_space<hbm>>
        %dma_wait3A_123 = arith.constant 0 : i32
        %dma_wait3A_124 = tpu.memref_slice %arg4[%select_n3A, %dma_wait3A_123] : memref<81920x128xf32, #tpu.memory_space<hbm>> -> memref<256x64xf32, #tpu.memory_space<hbm>>
        %dma_wait3A_125 = arith.constant 0 : i32
        %dma_wait3A_126 = arith.constant 0 : i32
        %dma_wait3A_127 = tpu.memref_slice %arg6[%dma_wait3A_125, %dma_wait3A_126] : memref<512x64xf32, #tpu.memory_space<vmem>> -> memref<256x64xf32, #tpu.memory_space<vmem>>
        tpu.wait_dma2 semaphore(%run_scoped3A : memref<!tpu.dma_semaphore, #tpu.memory_space<semaphore_mem>>) src(%dma_wait3A_127 : memref<256x64xf32, #tpu.memory_space<vmem>>) dst(%dma_wait3A_124 : memref<256x64xf32, #tpu.memory_space<hbm>>)
        tpu.yield
      }) : () -> ()
      "tpu.region"() ({
        %run_scoped3A = tpu.sem_alloc : memref<!tpu.dma_semaphore, #tpu.memory_space<semaphore_mem>>
        %dma_start3A_108 = arith.constant 256 : i32
        %dma_start3A_109 = arith.constant 0 : i32
        %dma_start3A_110 = tpu.memref_slice %arg6[%dma_start3A_108, %dma_start3A_109] : memref<512x64xf32, #tpu.memory_space<vmem>> -> memref<256x64xf32, #tpu.memory_space<vmem>>
        %dma_start3A_111 = arith.constant 64 : i32
        %dma_start3A_112 = tpu.memref_slice %arg4[%select_n3A, %dma_start3A_111] : memref<81920x128xf32, #tpu.memory_space<hbm>> -> memref<256x64xf32, #tpu.memory_space<hbm>>
        %dma_start3A_113 = arith.constant 64 : i32
        %dma_start3A_114 = tpu.memref_slice %arg4[%select_n3A, %dma_start3A_113] : memref<81920x128xf32, #tpu.memory_space<hbm>> -> memref<256x64xf32, #tpu.memory_space<hbm>>
        %dma_start3A_115 = arith.constant 256 : i32
        %dma_start3A_116 = arith.constant 0 : i32
        %dma_start3A_117 = tpu.memref_slice %arg6[%dma_start3A_115, %dma_start3A_116] : memref<512x64xf32, #tpu.memory_space<vmem>> -> memref<256x64xf32, #tpu.memory_space<vmem>>
        tpu.enqueue_dma source(%dma_start3A_117 : memref<256x64xf32, #tpu.memory_space<vmem>>) target(%dma_start3A_114 : memref<256x64xf32, #tpu.memory_space<hbm>>) target_semaphore(%run_scoped3A : memref<!tpu.dma_semaphore, #tpu.memory_space<semaphore_mem>>)
        %dma_wait3A_118 = arith.constant 256 : i32
        %dma_wait3A_119 = arith.constant 0 : i32
        %dma_wait3A_120 = tpu.memref_slice %arg6[%dma_wait3A_118, %dma_wait3A_119] : memref<512x64xf32, #tpu.memory_space<vmem>> -> memref<256x64xf32, #tpu.memory_space<vmem>>
        %dma_wait3A_121 = arith.constant 64 : i32
        %dma_wait3A_122 = tpu.memref_slice %arg4[%select_n3A, %dma_wait3A_121] : memref<81920x128xf32, #tpu.memory_space<hbm>> -> memref<256x64xf32, #tpu.memory_space<hbm>>
        %dma_wait3A_123 = arith.constant 64 : i32
        %dma_wait3A_124 = tpu.memref_slice %arg4[%select_n3A, %dma_wait3A_123] : memref<81920x128xf32, #tpu.memory_space<hbm>> -> memref<256x64xf32, #tpu.memory_space<hbm>>
        %dma_wait3A_125 = arith.constant 256 : i32
        %dma_wait3A_126 = arith.constant 0 : i32
        %dma_wait3A_127 = tpu.memref_slice %arg6[%dma_wait3A_125, %dma_wait3A_126] : memref<512x64xf32, #tpu.memory_space<vmem>> -> memref<256x64xf32, #tpu.memory_space<vmem>>
        tpu.wait_dma2 semaphore(%run_scoped3A : memref<!tpu.dma_semaphore, #tpu.memory_space<semaphore_mem>>) src(%dma_wait3A_127 : memref<256x64xf32, #tpu.memory_space<vmem>>) dst(%dma_wait3A_124 : memref<256x64xf32, #tpu.memory_space<hbm>>)
        tpu.yield
      }) : () -> ()
    }
    %scan3A_5 = arith.constant 10 : i32
    return
  }
}

#map = affine_map<(d0, d1) -> (0, 0)>
module attributes {stable_mosaic.version = 14 : i64} {
  func.func @gather(%arg0: i32, %arg1: i32, %arg2: memref<1000000x64xf32, #tpu.memory_space<hbm>>, %arg3: memref<1280x128xi32, #tpu.memory_space<hbm>>, %arg4: memref<81920x128xf32, #tpu.memory_space<hbm>>, %arg5: memref<4x128xi32, #tpu.memory_space<vmem>>, %arg6: memref<512x64xf32, #tpu.memory_space<vmem>>, %arg7: memref<!tpu.dma_semaphore, #tpu.memory_space<semaphore_mem>>) attributes {dimension_semantics = [#tpu.dimension_semantics<core_parallel>, #tpu.dimension_semantics<subcore_parallel>], iteration_bounds = array<i64: 2, 16>, scalar_prefetch = 0 : i64, scratch_operands = 3 : i64, tpu.core_type = #tpu.core_type<sc_vector_subcore>, window_params = [{transform_indices = #map}, {transform_indices = #map}, {transform_indices = #map}]} {
    %mul3A = arith.constant 2 : i32
    %mul3A_0 = arith.muli %arg1, %mul3A : i32
    %add3A = arith.addi %mul3A_0, %arg0 : i32
    %scan3A = arith.constant 0 : i32
    %scan3A_1 = arith.constant 0 : i32
    %scan3A_2 = arith.constant 10 : i32
    %scan3A_3 = arith.addi %scan3A_1, %scan3A_2 : i32
    %scan3A_4 = arith.constant 1 : i32
    scf.for %scan3A_6 = %scan3A_1 to %scan3A_3 step %scan3A_4  : i32 {
      %mul3A_7 = arith.constant 10 : i32
      %mul3A_8 = arith.muli %add3A, %mul3A_7 : i32
      %add3A_9 = arith.addi %mul3A_8, %scan3A_6 : i32
      %mul3A_10 = arith.constant 4 : i32
      %mul3A_11 = arith.muli %add3A_9, %mul3A_10 : i32
      "tpu.region"() ({
        %run_scoped3A = tpu.sem_alloc : memref<!tpu.dma_semaphore, #tpu.memory_space<semaphore_mem>>
        %dma_start3A_108 = arith.constant 0 : i32
        %dma_start3A_109 = tpu.memref_slice %arg3[%mul3A_11, %dma_start3A_108] : memref<1280x128xi32, #tpu.memory_space<hbm>> -> memref<4x128xi32, #tpu.memory_space<hbm>>
        %dma_start3A_110 = arith.constant 0 : i32
        %dma_start3A_111 = tpu.memref_slice %arg3[%mul3A_11, %dma_start3A_110] : memref<1280x128xi32, #tpu.memory_space<hbm>> -> memref<4x128xi32, #tpu.memory_space<hbm>>
        tpu.enqueue_dma source(%dma_start3A_111 : memref<4x128xi32, #tpu.memory_space<hbm>>) target(%arg5 : memref<4x128xi32, #tpu.memory_space<vmem>>) target_semaphore(%run_scoped3A : memref<!tpu.dma_semaphore, #tpu.memory_space<semaphore_mem>>)
        %dma_wait3A_112 = arith.constant 0 : i32
        %dma_wait3A_113 = tpu.memref_slice %arg3[%mul3A_11, %dma_wait3A_112] : memref<1280x128xi32, #tpu.memory_space<hbm>> -> memref<4x128xi32, #tpu.memory_space<hbm>>
        %dma_wait3A_114 = arith.constant 0 : i32
        %dma_wait3A_115 = tpu.memref_slice %arg3[%mul3A_11, %dma_wait3A_114] : memref<1280x128xi32, #tpu.memory_space<hbm>> -> memref<4x128xi32, #tpu.memory_space<hbm>>
        tpu.wait_dma2 semaphore(%run_scoped3A : memref<!tpu.dma_semaphore, #tpu.memory_space<semaphore_mem>>) src(%dma_wait3A_115 : memref<4x128xi32, #tpu.memory_space<hbm>>) dst(%arg5 : memref<4x128xi32, #tpu.memory_space<vmem>>)
        tpu.yield
      }) : () -> ()
      %dma_start3A = arith.constant 0 : i32
      %dma_start3A_12 = arith.constant 0 : i32
      %dma_start3A_13 = arith.constant 0 : i32
      %dma_start3A_14 = tpu.memref_slice %arg6[%dma_start3A_12, %dma_start3A_13] : memref<512x64xf32, #tpu.memory_space<vmem>> -> memref<128x64xf32, #tpu.memory_space<vmem>>
      %dma_start3A_15 = arith.constant 0 : i32
      %dma_start3A_16 = tpu.memref_slice %arg5[%dma_start3A, %dma_start3A_15] : memref<4x128xi32, #tpu.memory_space<vmem>> -> memref<1x128xi32, #tpu.memory_space<vmem>>
      %dma_start3A_17 = tpu.memref_squeeze %dma_start3A_16 : memref<1x128xi32, #tpu.memory_space<vmem>> -> memref<128xi32, #tpu.memory_space<vmem>>
      %dma_start3A_18 = arith.constant 0 : i32
      %dma_start3A_19 = arith.constant 0 : i32
      %dma_start3A_20 = tpu.memref_slice %arg2[%dma_start3A_18, %dma_start3A_19] : memref<1000000x64xf32, #tpu.memory_space<hbm>> -> memref<1000000x64xf32, #tpu.memory_space<hbm>>
      tpu.enqueue_indirect_dma source(%dma_start3A_20 : memref<1000000x64xf32, #tpu.memory_space<hbm>>) target(%dma_start3A_14 : memref<128x64xf32, #tpu.memory_space<vmem>>) offsets(%dma_start3A_17 : memref<128xi32, #tpu.memory_space<vmem>>) semaphore(%arg7 : memref<!tpu.dma_semaphore, #tpu.memory_space<semaphore_mem>>)
      %dma_start3A_21 = arith.constant 1 : i32
      %dma_start3A_22 = arith.constant 128 : i32
      %dma_start3A_23 = arith.constant 0 : i32
      %dma_start3A_24 = tpu.memref_slice %arg6[%dma_start3A_22, %dma_start3A_23] : memref<512x64xf32, #tpu.memory_space<vmem>> -> memref<128x64xf32, #tpu.memory_space<vmem>>
      %dma_start3A_25 = arith.constant 0 : i32
      %dma_start3A_26 = tpu.memref_slice %arg5[%dma_start3A_21, %dma_start3A_25] : memref<4x128xi32, #tpu.memory_space<vmem>> -> memref<1x128xi32, #tpu.memory_space<vmem>>
      %dma_start3A_27 = tpu.memref_squeeze %dma_start3A_26 : memref<1x128xi32, #tpu.memory_space<vmem>> -> memref<128xi32, #tpu.memory_space<vmem>>
      %dma_start3A_28 = arith.constant 0 : i32
      %dma_start3A_29 = arith.constant 0 : i32
      %dma_start3A_30 = tpu.memref_slice %arg2[%dma_start3A_28, %dma_start3A_29] : memref<1000000x64xf32, #tpu.memory_space<hbm>> -> memref<1000000x64xf32, #tpu.memory_space<hbm>>
      tpu.enqueue_indirect_dma source(%dma_start3A_30 : memref<1000000x64xf32, #tpu.memory_space<hbm>>) target(%dma_start3A_24 : memref<128x64xf32, #tpu.memory_space<vmem>>) offsets(%dma_start3A_27 : memref<128xi32, #tpu.memory_space<vmem>>) semaphore(%arg7 : memref<!tpu.dma_semaphore, #tpu.memory_space<semaphore_mem>>)
      %dma_start3A_31 = arith.constant 2 : i32
      %dma_start3A_32 = arith.constant 256 : i32
      %dma_start3A_33 = arith.constant 0 : i32
      %dma_start3A_34 = tpu.memref_slice %arg6[%dma_start3A_32, %dma_start3A_33] : memref<512x64xf32, #tpu.memory_space<vmem>> -> memref<128x64xf32, #tpu.memory_space<vmem>>
      %dma_start3A_35 = arith.constant 0 : i32
      %dma_start3A_36 = tpu.memref_slice %arg5[%dma_start3A_31, %dma_start3A_35] : memref<4x128xi32, #tpu.memory_space<vmem>> -> memref<1x128xi32, #tpu.memory_space<vmem>>
      %dma_start3A_37 = tpu.memref_squeeze %dma_start3A_36 : memref<1x128xi32, #tpu.memory_space<vmem>> -> memref<128xi32, #tpu.memory_space<vmem>>
      %dma_start3A_38 = arith.constant 0 : i32
      %dma_start3A_39 = arith.constant 0 : i32
      %dma_start3A_40 = tpu.memref_slice %arg2[%dma_start3A_38, %dma_start3A_39] : memref<1000000x64xf32, #tpu.memory_space<hbm>> -> memref<1000000x64xf32, #tpu.memory_space<hbm>>
      tpu.enqueue_indirect_dma source(%dma_start3A_40 : memref<1000000x64xf32, #tpu.memory_space<hbm>>) target(%dma_start3A_34 : memref<128x64xf32, #tpu.memory_space<vmem>>) offsets(%dma_start3A_37 : memref<128xi32, #tpu.memory_space<vmem>>) semaphore(%arg7 : memref<!tpu.dma_semaphore, #tpu.memory_space<semaphore_mem>>)
      %dma_start3A_41 = arith.constant 3 : i32
      %dma_start3A_42 = arith.constant 384 : i32
      %dma_start3A_43 = arith.constant 0 : i32
      %dma_start3A_44 = tpu.memref_slice %arg6[%dma_start3A_42, %dma_start3A_43] : memref<512x64xf32, #tpu.memory_space<vmem>> -> memref<128x64xf32, #tpu.memory_space<vmem>>
      %dma_start3A_45 = arith.constant 0 : i32
      %dma_start3A_46 = tpu.memref_slice %arg5[%dma_start3A_41, %dma_start3A_45] : memref<4x128xi32, #tpu.memory_space<vmem>> -> memref<1x128xi32, #tpu.memory_space<vmem>>
      %dma_start3A_47 = tpu.memref_squeeze %dma_start3A_46 : memref<1x128xi32, #tpu.memory_space<vmem>> -> memref<128xi32, #tpu.memory_space<vmem>>
      %dma_start3A_48 = arith.constant 0 : i32
      %dma_start3A_49 = arith.constant 0 : i32
      %dma_start3A_50 = tpu.memref_slice %arg2[%dma_start3A_48, %dma_start3A_49] : memref<1000000x64xf32, #tpu.memory_space<hbm>> -> memref<1000000x64xf32, #tpu.memory_space<hbm>>
      tpu.enqueue_indirect_dma source(%dma_start3A_50 : memref<1000000x64xf32, #tpu.memory_space<hbm>>) target(%dma_start3A_44 : memref<128x64xf32, #tpu.memory_space<vmem>>) offsets(%dma_start3A_47 : memref<128xi32, #tpu.memory_space<vmem>>) semaphore(%arg7 : memref<!tpu.dma_semaphore, #tpu.memory_space<semaphore_mem>>)
      %dma_wait3A = arith.constant 0 : i32
      %dma_wait3A_51 = arith.constant 0 : i32
      %dma_wait3A_52 = arith.constant 0 : i32
      %dma_wait3A_53 = tpu.memref_slice %arg6[%dma_wait3A_51, %dma_wait3A_52] : memref<512x64xf32, #tpu.memory_space<vmem>> -> memref<128x64xf32, #tpu.memory_space<vmem>>
      %dma_wait3A_54 = arith.constant 0 : i32
      %dma_wait3A_55 = tpu.memref_slice %arg5[%dma_wait3A, %dma_wait3A_54] : memref<4x128xi32, #tpu.memory_space<vmem>> -> memref<1x128xi32, #tpu.memory_space<vmem>>
      %dma_wait3A_56 = tpu.memref_squeeze %dma_wait3A_55 : memref<1x128xi32, #tpu.memory_space<vmem>> -> memref<128xi32, #tpu.memory_space<vmem>>
      %dma_wait3A_57 = arith.constant 0 : i32
      %dma_wait3A_58 = arith.constant 0 : i32
      %dma_wait3A_59 = tpu.memref_slice %arg2[%dma_wait3A_57, %dma_wait3A_58] : memref<1000000x64xf32, #tpu.memory_space<hbm>> -> memref<1000000x64xf32, #tpu.memory_space<hbm>>
      tpu.wait_indirect_dma semaphore(%arg7 : memref<!tpu.dma_semaphore, #tpu.memory_space<semaphore_mem>>) src(%dma_wait3A_59 : memref<1000000x64xf32, #tpu.memory_space<hbm>>) dst(%dma_wait3A_53 : memref<128x64xf32, #tpu.memory_space<vmem>>)
      %dma_wait3A_60 = arith.constant 1 : i32
      %dma_wait3A_61 = arith.constant 128 : i32
      %dma_wait3A_62 = arith.constant 0 : i32
      %dma_wait3A_63 = tpu.memref_slice %arg6[%dma_wait3A_61, %dma_wait3A_62] : memref<512x64xf32, #tpu.memory_space<vmem>> -> memref<128x64xf32, #tpu.memory_space<vmem>>
      %dma_wait3A_64 = arith.constant 0 : i32
      %dma_wait3A_65 = tpu.memref_slice %arg5[%dma_wait3A_60, %dma_wait3A_64] : memref<4x128xi32, #tpu.memory_space<vmem>> -> memref<1x128xi32, #tpu.memory_space<vmem>>
      %dma_wait3A_66 = tpu.memref_squeeze %dma_wait3A_65 : memref<1x128xi32, #tpu.memory_space<vmem>> -> memref<128xi32, #tpu.memory_space<vmem>>
      %dma_wait3A_67 = arith.constant 0 : i32
      %dma_wait3A_68 = arith.constant 0 : i32
      %dma_wait3A_69 = tpu.memref_slice %arg2[%dma_wait3A_67, %dma_wait3A_68] : memref<1000000x64xf32, #tpu.memory_space<hbm>> -> memref<1000000x64xf32, #tpu.memory_space<hbm>>
      tpu.wait_indirect_dma semaphore(%arg7 : memref<!tpu.dma_semaphore, #tpu.memory_space<semaphore_mem>>) src(%dma_wait3A_69 : memref<1000000x64xf32, #tpu.memory_space<hbm>>) dst(%dma_wait3A_63 : memref<128x64xf32, #tpu.memory_space<vmem>>)
      %dma_wait3A_70 = arith.constant 2 : i32
      %dma_wait3A_71 = arith.constant 256 : i32
      %dma_wait3A_72 = arith.constant 0 : i32
      %dma_wait3A_73 = tpu.memref_slice %arg6[%dma_wait3A_71, %dma_wait3A_72] : memref<512x64xf32, #tpu.memory_space<vmem>> -> memref<128x64xf32, #tpu.memory_space<vmem>>
      %dma_wait3A_74 = arith.constant 0 : i32
      %dma_wait3A_75 = tpu.memref_slice %arg5[%dma_wait3A_70, %dma_wait3A_74] : memref<4x128xi32, #tpu.memory_space<vmem>> -> memref<1x128xi32, #tpu.memory_space<vmem>>
      %dma_wait3A_76 = tpu.memref_squeeze %dma_wait3A_75 : memref<1x128xi32, #tpu.memory_space<vmem>> -> memref<128xi32, #tpu.memory_space<vmem>>
      %dma_wait3A_77 = arith.constant 0 : i32
      %dma_wait3A_78 = arith.constant 0 : i32
      %dma_wait3A_79 = tpu.memref_slice %arg2[%dma_wait3A_77, %dma_wait3A_78] : memref<1000000x64xf32, #tpu.memory_space<hbm>> -> memref<1000000x64xf32, #tpu.memory_space<hbm>>
      tpu.wait_indirect_dma semaphore(%arg7 : memref<!tpu.dma_semaphore, #tpu.memory_space<semaphore_mem>>) src(%dma_wait3A_79 : memref<1000000x64xf32, #tpu.memory_space<hbm>>) dst(%dma_wait3A_73 : memref<128x64xf32, #tpu.memory_space<vmem>>)
      %dma_wait3A_80 = arith.constant 3 : i32
      %dma_wait3A_81 = arith.constant 384 : i32
      %dma_wait3A_82 = arith.constant 0 : i32
      %dma_wait3A_83 = tpu.memref_slice %arg6[%dma_wait3A_81, %dma_wait3A_82] : memref<512x64xf32, #tpu.memory_space<vmem>> -> memref<128x64xf32, #tpu.memory_space<vmem>>
      %dma_wait3A_84 = arith.constant 0 : i32
      %dma_wait3A_85 = tpu.memref_slice %arg5[%dma_wait3A_80, %dma_wait3A_84] : memref<4x128xi32, #tpu.memory_space<vmem>> -> memref<1x128xi32, #tpu.memory_space<vmem>>
      %dma_wait3A_86 = tpu.memref_squeeze %dma_wait3A_85 : memref<1x128xi32, #tpu.memory_space<vmem>> -> memref<128xi32, #tpu.memory_space<vmem>>
      %dma_wait3A_87 = arith.constant 0 : i32
      %dma_wait3A_88 = arith.constant 0 : i32
      %dma_wait3A_89 = tpu.memref_slice %arg2[%dma_wait3A_87, %dma_wait3A_88] : memref<1000000x64xf32, #tpu.memory_space<hbm>> -> memref<1000000x64xf32, #tpu.memory_space<hbm>>
      tpu.wait_indirect_dma semaphore(%arg7 : memref<!tpu.dma_semaphore, #tpu.memory_space<semaphore_mem>>) src(%dma_wait3A_89 : memref<1000000x64xf32, #tpu.memory_space<hbm>>) dst(%dma_wait3A_83 : memref<128x64xf32, #tpu.memory_space<vmem>>)
      %mul3A_90 = arith.constant 128 : i32
      %mul3A_91 = arith.muli %mul3A_11, %mul3A_90 : i32
      %jit3A = arith.constant 2 : i32
      %div3A = arith.divsi %mul3A_91, %jit3A : i32
      %sign3A = arith.constant 0 : i32
      %sign3A_92 = arith.cmpi sgt, %mul3A_91, %sign3A : i32
      %sign3A_93 = arith.extui %sign3A_92 : i1 to i32
      %sign3A_94 = arith.constant 0 : i32
      %sign3A_95 = arith.cmpi slt, %mul3A_91, %sign3A_94 : i32
      %sign3A_96 = arith.extui %sign3A_95 : i1 to i32
      %sign3A_97 = arith.subi %sign3A_93, %sign3A_96 : i32
      %sign3A_98 = arith.constant 0 : i32
      %sign3A_99 = arith.cmpi sgt, %jit3A, %sign3A_98 : i32
      %sign3A_100 = arith.extui %sign3A_99 : i1 to i32
      %sign3A_101 = arith.constant 0 : i32
      %sign3A_102 = arith.cmpi slt, %jit3A, %sign3A_101 : i32
      %sign3A_103 = arith.extui %sign3A_102 : i1 to i32
      %sign3A_104 = arith.subi %sign3A_100, %sign3A_103 : i32
      %ne3A = arith.cmpi ne, %sign3A_97, %sign3A_104 : i32
      %rem3A = arith.remsi %mul3A_91, %jit3A : i32
      %ne3A_105 = arith.constant 0 : i32
      %ne3A_106 = arith.cmpi ne, %rem3A, %ne3A_105 : i32
      %and3A = arith.andi %ne3A, %ne3A_106 : i1
      %sub3A = arith.constant 1 : i32
      %sub3A_107 = arith.subi %div3A, %sub3A : i32
      %select_n3A = arith.select %and3A, %sub3A_107, %div3A : i32
      "tpu.region"() ({
        %run_scoped3A = tpu.sem_alloc : memref<!tpu.dma_semaphore, #tpu.memory_space<semaphore_mem>>
        %dma_start3A_108 = arith.constant 0 : i32
        %dma_start3A_109 = arith.constant 0 : i32
        %dma_start3A_110 = tpu.memref_slice %arg6[%dma_start3A_108, %dma_start3A_109] : memref<512x64xf32, #tpu.memory_space<vmem>> -> memref<256x64xf32, #tpu.memory_space<vmem>>
        %dma_start3A_111 = arith.constant 0 : i32
        %dma_start3A_112 = tpu.memref_slice %arg4[%select_n3A, %dma_start3A_111] : memref<81920x128xf32, #tpu.memory_space<hbm>> -> memref<256x64xf32, #tpu.memory_space<hbm>>
        %dma_start3A_113 = arith.constant 0 : i32
        %dma_start3A_114 = tpu.memref_slice %arg4[%select_n3A, %dma_start3A_113] : memref<81920x128xf32, #tpu.memory_space<hbm>> -> memref<256x64xf32, #tpu.memory_space<hbm>>
        %dma_start3A_115 = arith.constant 0 : i32
        %dma_start3A_116 = arith.constant 0 : i32
        %dma_start3A_117 = tpu.memref_slice %arg6[%dma_start3A_115, %dma_start3A_116] : memref<512x64xf32, #tpu.memory_space<vmem>> -> memref<256x64xf32, #tpu.memory_space<vmem>>
        tpu.enqueue_dma source(%dma_start3A_117 : memref<256x64xf32, #tpu.memory_space<vmem>>) target(%dma_start3A_114 : memref<256x64xf32, #tpu.memory_space<hbm>>) target_semaphore(%run_scoped3A : memref<!tpu.dma_semaphore, #tpu.memory_space<semaphore_mem>>)
        %dma_wait3A_118 = arith.constant 0 : i32
        %dma_wait3A_119 = arith.constant 0 : i32
        %dma_wait3A_120 = tpu.memref_slice %arg6[%dma_wait3A_118, %dma_wait3A_119] : memref<512x64xf32, #tpu.memory_space<vmem>> -> memref<256x64xf32, #tpu.memory_space<vmem>>
        %dma_wait3A_121 = arith.constant 0 : i32
        %dma_wait3A_122 = tpu.memref_slice %arg4[%select_n3A, %dma_wait3A_121] : memref<81920x128xf32, #tpu.memory_space<hbm>> -> memref<256x64xf32, #tpu.memory_space<hbm>>
        %dma_wait3A_123 = arith.constant 0 : i32
        %dma_wait3A_124 = tpu.memref_slice %arg4[%select_n3A, %dma_wait3A_123] : memref<81920x128xf32, #tpu.memory_space<hbm>> -> memref<256x64xf32, #tpu.memory_space<hbm>>
        %dma_wait3A_125 = arith.constant 0 : i32
        %dma_wait3A_126 = arith.constant 0 : i32
        %dma_wait3A_127 = tpu.memref_slice %arg6[%dma_wait3A_125, %dma_wait3A_126] : memref<512x64xf32, #tpu.memory_space<vmem>> -> memref<256x64xf32, #tpu.memory_space<vmem>>
        tpu.wait_dma2 semaphore(%run_scoped3A : memref<!tpu.dma_semaphore, #tpu.memory_space<semaphore_mem>>) src(%dma_wait3A_127 : memref<256x64xf32, #tpu.memory_space<vmem>>) dst(%dma_wait3A_124 : memref<256x64xf32, #tpu.memory_space<hbm>>)
        tpu.yield
      }) : () -> ()
      "tpu.region"() ({
        %run_scoped3A = tpu.sem_alloc : memref<!tpu.dma_semaphore, #tpu.memory_space<semaphore_mem>>
        %dma_start3A_108 = arith.constant 256 : i32
        %dma_start3A_109 = arith.constant 0 : i32
        %dma_start3A_110 = tpu.memref_slice %arg6[%dma_start3A_108, %dma_start3A_109] : memref<512x64xf32, #tpu.memory_space<vmem>> -> memref<256x64xf32, #tpu.memory_space<vmem>>
        %dma_start3A_111 = arith.constant 64 : i32
        %dma_start3A_112 = tpu.memref_slice %arg4[%select_n3A, %dma_start3A_111] : memref<81920x128xf32, #tpu.memory_space<hbm>> -> memref<256x64xf32, #tpu.memory_space<hbm>>
        %dma_start3A_113 = arith.constant 64 : i32
        %dma_start3A_114 = tpu.memref_slice %arg4[%select_n3A, %dma_start3A_113] : memref<81920x128xf32, #tpu.memory_space<hbm>> -> memref<256x64xf32, #tpu.memory_space<hbm>>
        %dma_start3A_115 = arith.constant 256 : i32
        %dma_start3A_116 = arith.constant 0 : i32
        %dma_start3A_117 = tpu.memref_slice %arg6[%dma_start3A_115, %dma_start3A_116] : memref<512x64xf32, #tpu.memory_space<vmem>> -> memref<256x64xf32, #tpu.memory_space<vmem>>
        tpu.enqueue_dma source(%dma_start3A_117 : memref<256x64xf32, #tpu.memory_space<vmem>>) target(%dma_start3A_114 : memref<256x64xf32, #tpu.memory_space<hbm>>) target_semaphore(%run_scoped3A : memref<!tpu.dma_semaphore, #tpu.memory_space<semaphore_mem>>)
        %dma_wait3A_118 = arith.constant 256 : i32
        %dma_wait3A_119 = arith.constant 0 : i32
        %dma_wait3A_120 = tpu.memref_slice %arg6[%dma_wait3A_118, %dma_wait3A_119] : memref<512x64xf32, #tpu.memory_space<vmem>> -> memref<256x64xf32, #tpu.memory_space<vmem>>
        %dma_wait3A_121 = arith.constant 64 : i32
        %dma_wait3A_122 = tpu.memref_slice %arg4[%select_n3A, %dma_wait3A_121] : memref<81920x128xf32, #tpu.memory_space<hbm>> -> memref<256x64xf32, #tpu.memory_space<hbm>>
        %dma_wait3A_123 = arith.constant 64 : i32
        %dma_wait3A_124 = tpu.memref_slice %arg4[%select_n3A, %dma_wait3A_123] : memref<81920x128xf32, #tpu.memory_space<hbm>> -> memref<256x64xf32, #tpu.memory_space<hbm>>
        %dma_wait3A_125 = arith.constant 256 : i32
        %dma_wait3A_126 = arith.constant 0 : i32
        %dma_wait3A_127 = tpu.memref_slice %arg6[%dma_wait3A_125, %dma_wait3A_126] : memref<512x64xf32, #tpu.memory_space<vmem>> -> memref<256x64xf32, #tpu.memory_space<vmem>>
        tpu.wait_dma2 semaphore(%run_scoped3A : memref<!tpu.dma_semaphore, #tpu.memory_space<semaphore_mem>>) src(%dma_wait3A_127 : memref<256x64xf32, #tpu.memory_space<vmem>>) dst(%dma_wait3A_124 : memref<256x64xf32, #tpu.memory_space<hbm>>)
        tpu.yield
      }) : () -> ()
    }
    %scan3A_5 = arith.constant 10 : i32
    return
  }
}

#map = affine_map<(d0, d1) -> (0, 0)>
module attributes {stable_mosaic.version = 14 : i64} {
  func.func @gather(%arg0: i32, %arg1: i32, %arg2: memref<1000000x64xf32, #tpu.memory_space<hbm>>, %arg3: memref<1280x128xi32, #tpu.memory_space<hbm>>, %arg4: memref<81920x128xf32, #tpu.memory_space<hbm>>, %arg5: memref<4x128xi32, #tpu.memory_space<vmem>>, %arg6: memref<512x64xf32, #tpu.memory_space<vmem>>, %arg7: memref<!tpu.dma_semaphore, #tpu.memory_space<semaphore_mem>>) attributes {dimension_semantics = [#tpu.dimension_semantics<core_parallel>, #tpu.dimension_semantics<subcore_parallel>], iteration_bounds = array<i64: 2, 16>, scalar_prefetch = 0 : i64, scratch_operands = 3 : i64, tpu.core_type = #tpu.core_type<sc_vector_subcore>, window_params = [{transform_indices = #map}, {transform_indices = #map}, {transform_indices = #map}]} {
    %mul3A = arith.constant 2 : i32
    %mul3A_0 = arith.muli %arg1, %mul3A : i32
    %add3A = arith.addi %mul3A_0, %arg0 : i32
    %scan3A = arith.constant 0 : i32
    %scan3A_1 = arith.constant 0 : i32
    %scan3A_2 = arith.constant 10 : i32
    %scan3A_3 = arith.addi %scan3A_1, %scan3A_2 : i32
    %scan3A_4 = arith.constant 1 : i32
    scf.for %scan3A_6 = %scan3A_1 to %scan3A_3 step %scan3A_4  : i32 {
      %mul3A_7 = arith.constant 10 : i32
      %mul3A_8 = arith.muli %add3A, %mul3A_7 : i32
      %add3A_9 = arith.addi %mul3A_8, %scan3A_6 : i32
      %mul3A_10 = arith.constant 4 : i32
      %mul3A_11 = arith.muli %add3A_9, %mul3A_10 : i32
      "tpu.region"() ({
        %run_scoped3A = tpu.sem_alloc : memref<!tpu.dma_semaphore, #tpu.memory_space<semaphore_mem>>
        %dma_start3A_108 = arith.constant 0 : i32
        %dma_start3A_109 = tpu.memref_slice %arg3[%mul3A_11, %dma_start3A_108] : memref<1280x128xi32, #tpu.memory_space<hbm>> -> memref<4x128xi32, #tpu.memory_space<hbm>>
        %dma_start3A_110 = arith.constant 0 : i32
        %dma_start3A_111 = tpu.memref_slice %arg3[%mul3A_11, %dma_start3A_110] : memref<1280x128xi32, #tpu.memory_space<hbm>> -> memref<4x128xi32, #tpu.memory_space<hbm>>
        tpu.enqueue_dma source(%dma_start3A_111 : memref<4x128xi32, #tpu.memory_space<hbm>>) target(%arg5 : memref<4x128xi32, #tpu.memory_space<vmem>>) target_semaphore(%run_scoped3A : memref<!tpu.dma_semaphore, #tpu.memory_space<semaphore_mem>>)
        %dma_wait3A_112 = arith.constant 0 : i32
        %dma_wait3A_113 = tpu.memref_slice %arg3[%mul3A_11, %dma_wait3A_112] : memref<1280x128xi32, #tpu.memory_space<hbm>> -> memref<4x128xi32, #tpu.memory_space<hbm>>
        %dma_wait3A_114 = arith.constant 0 : i32
        %dma_wait3A_115 = tpu.memref_slice %arg3[%mul3A_11, %dma_wait3A_114] : memref<1280x128xi32, #tpu.memory_space<hbm>> -> memref<4x128xi32, #tpu.memory_space<hbm>>
        tpu.wait_dma2 semaphore(%run_scoped3A : memref<!tpu.dma_semaphore, #tpu.memory_space<semaphore_mem>>) src(%dma_wait3A_115 : memref<4x128xi32, #tpu.memory_space<hbm>>) dst(%arg5 : memref<4x128xi32, #tpu.memory_space<vmem>>)
        tpu.yield
      }) : () -> ()
      %dma_start3A = arith.constant 0 : i32
      %dma_start3A_12 = arith.constant 0 : i32
      %dma_start3A_13 = arith.constant 0 : i32
      %dma_start3A_14 = tpu.memref_slice %arg6[%dma_start3A_12, %dma_start3A_13] : memref<512x64xf32, #tpu.memory_space<vmem>> -> memref<128x64xf32, #tpu.memory_space<vmem>>
      %dma_start3A_15 = arith.constant 0 : i32
      %dma_start3A_16 = tpu.memref_slice %arg5[%dma_start3A, %dma_start3A_15] : memref<4x128xi32, #tpu.memory_space<vmem>> -> memref<1x128xi32, #tpu.memory_space<vmem>>
      %dma_start3A_17 = tpu.memref_squeeze %dma_start3A_16 : memref<1x128xi32, #tpu.memory_space<vmem>> -> memref<128xi32, #tpu.memory_space<vmem>>
      %dma_start3A_18 = arith.constant 0 : i32
      %dma_start3A_19 = arith.constant 0 : i32
      %dma_start3A_20 = tpu.memref_slice %arg2[%dma_start3A_18, %dma_start3A_19] : memref<1000000x64xf32, #tpu.memory_space<hbm>> -> memref<1000000x64xf32, #tpu.memory_space<hbm>>
      tpu.enqueue_indirect_dma source(%dma_start3A_20 : memref<1000000x64xf32, #tpu.memory_space<hbm>>) target(%dma_start3A_14 : memref<128x64xf32, #tpu.memory_space<vmem>>) offsets(%dma_start3A_17 : memref<128xi32, #tpu.memory_space<vmem>>) semaphore(%arg7 : memref<!tpu.dma_semaphore, #tpu.memory_space<semaphore_mem>>)
      %dma_start3A_21 = arith.constant 1 : i32
      %dma_start3A_22 = arith.constant 128 : i32
      %dma_start3A_23 = arith.constant 0 : i32
      %dma_start3A_24 = tpu.memref_slice %arg6[%dma_start3A_22, %dma_start3A_23] : memref<512x64xf32, #tpu.memory_space<vmem>> -> memref<128x64xf32, #tpu.memory_space<vmem>>
      %dma_start3A_25 = arith.constant 0 : i32
      %dma_start3A_26 = tpu.memref_slice %arg5[%dma_start3A_21, %dma_start3A_25] : memref<4x128xi32, #tpu.memory_space<vmem>> -> memref<1x128xi32, #tpu.memory_space<vmem>>
      %dma_start3A_27 = tpu.memref_squeeze %dma_start3A_26 : memref<1x128xi32, #tpu.memory_space<vmem>> -> memref<128xi32, #tpu.memory_space<vmem>>
      %dma_start3A_28 = arith.constant 0 : i32
      %dma_start3A_29 = arith.constant 0 : i32
      %dma_start3A_30 = tpu.memref_slice %arg2[%dma_start3A_28, %dma_start3A_29] : memref<1000000x64xf32, #tpu.memory_space<hbm>> -> memref<1000000x64xf32, #tpu.memory_space<hbm>>
      tpu.enqueue_indirect_dma source(%dma_start3A_30 : memref<1000000x64xf32, #tpu.memory_space<hbm>>) target(%dma_start3A_24 : memref<128x64xf32, #tpu.memory_space<vmem>>) offsets(%dma_start3A_27 : memref<128xi32, #tpu.memory_space<vmem>>) semaphore(%arg7 : memref<!tpu.dma_semaphore, #tpu.memory_space<semaphore_mem>>)
      %dma_start3A_31 = arith.constant 2 : i32
      %dma_start3A_32 = arith.constant 256 : i32
      %dma_start3A_33 = arith.constant 0 : i32
      %dma_start3A_34 = tpu.memref_slice %arg6[%dma_start3A_32, %dma_start3A_33] : memref<512x64xf32, #tpu.memory_space<vmem>> -> memref<128x64xf32, #tpu.memory_space<vmem>>
      %dma_start3A_35 = arith.constant 0 : i32
      %dma_start3A_36 = tpu.memref_slice %arg5[%dma_start3A_31, %dma_start3A_35] : memref<4x128xi32, #tpu.memory_space<vmem>> -> memref<1x128xi32, #tpu.memory_space<vmem>>
      %dma_start3A_37 = tpu.memref_squeeze %dma_start3A_36 : memref<1x128xi32, #tpu.memory_space<vmem>> -> memref<128xi32, #tpu.memory_space<vmem>>
      %dma_start3A_38 = arith.constant 0 : i32
      %dma_start3A_39 = arith.constant 0 : i32
      %dma_start3A_40 = tpu.memref_slice %arg2[%dma_start3A_38, %dma_start3A_39] : memref<1000000x64xf32, #tpu.memory_space<hbm>> -> memref<1000000x64xf32, #tpu.memory_space<hbm>>
      tpu.enqueue_indirect_dma source(%dma_start3A_40 : memref<1000000x64xf32, #tpu.memory_space<hbm>>) target(%dma_start3A_34 : memref<128x64xf32, #tpu.memory_space<vmem>>) offsets(%dma_start3A_37 : memref<128xi32, #tpu.memory_space<vmem>>) semaphore(%arg7 : memref<!tpu.dma_semaphore, #tpu.memory_space<semaphore_mem>>)
      %dma_start3A_41 = arith.constant 3 : i32
      %dma_start3A_42 = arith.constant 384 : i32
      %dma_start3A_43 = arith.constant 0 : i32
      %dma_start3A_44 = tpu.memref_slice %arg6[%dma_start3A_42, %dma_start3A_43] : memref<512x64xf32, #tpu.memory_space<vmem>> -> memref<128x64xf32, #tpu.memory_space<vmem>>
      %dma_start3A_45 = arith.constant 0 : i32
      %dma_start3A_46 = tpu.memref_slice %arg5[%dma_start3A_41, %dma_start3A_45] : memref<4x128xi32, #tpu.memory_space<vmem>> -> memref<1x128xi32, #tpu.memory_space<vmem>>
      %dma_start3A_47 = tpu.memref_squeeze %dma_start3A_46 : memref<1x128xi32, #tpu.memory_space<vmem>> -> memref<128xi32, #tpu.memory_space<vmem>>
      %dma_start3A_48 = arith.constant 0 : i32
      %dma_start3A_49 = arith.constant 0 : i32
      %dma_start3A_50 = tpu.memref_slice %arg2[%dma_start3A_48, %dma_start3A_49] : memref<1000000x64xf32, #tpu.memory_space<hbm>> -> memref<1000000x64xf32, #tpu.memory_space<hbm>>
      tpu.enqueue_indirect_dma source(%dma_start3A_50 : memref<1000000x64xf32, #tpu.memory_space<hbm>>) target(%dma_start3A_44 : memref<128x64xf32, #tpu.memory_space<vmem>>) offsets(%dma_start3A_47 : memref<128xi32, #tpu.memory_space<vmem>>) semaphore(%arg7 : memref<!tpu.dma_semaphore, #tpu.memory_space<semaphore_mem>>)
      %dma_wait3A = arith.constant 0 : i32
      %dma_wait3A_51 = arith.constant 0 : i32
      %dma_wait3A_52 = arith.constant 0 : i32
      %dma_wait3A_53 = tpu.memref_slice %arg6[%dma_wait3A_51, %dma_wait3A_52] : memref<512x64xf32, #tpu.memory_space<vmem>> -> memref<128x64xf32, #tpu.memory_space<vmem>>
      %dma_wait3A_54 = arith.constant 0 : i32
      %dma_wait3A_55 = tpu.memref_slice %arg5[%dma_wait3A, %dma_wait3A_54] : memref<4x128xi32, #tpu.memory_space<vmem>> -> memref<1x128xi32, #tpu.memory_space<vmem>>
      %dma_wait3A_56 = tpu.memref_squeeze %dma_wait3A_55 : memref<1x128xi32, #tpu.memory_space<vmem>> -> memref<128xi32, #tpu.memory_space<vmem>>
      %dma_wait3A_57 = arith.constant 0 : i32
      %dma_wait3A_58 = arith.constant 0 : i32
      %dma_wait3A_59 = tpu.memref_slice %arg2[%dma_wait3A_57, %dma_wait3A_58] : memref<1000000x64xf32, #tpu.memory_space<hbm>> -> memref<1000000x64xf32, #tpu.memory_space<hbm>>
      tpu.wait_indirect_dma semaphore(%arg7 : memref<!tpu.dma_semaphore, #tpu.memory_space<semaphore_mem>>) src(%dma_wait3A_59 : memref<1000000x64xf32, #tpu.memory_space<hbm>>) dst(%dma_wait3A_53 : memref<128x64xf32, #tpu.memory_space<vmem>>)
      %dma_wait3A_60 = arith.constant 1 : i32
      %dma_wait3A_61 = arith.constant 128 : i32
      %dma_wait3A_62 = arith.constant 0 : i32
      %dma_wait3A_63 = tpu.memref_slice %arg6[%dma_wait3A_61, %dma_wait3A_62] : memref<512x64xf32, #tpu.memory_space<vmem>> -> memref<128x64xf32, #tpu.memory_space<vmem>>
      %dma_wait3A_64 = arith.constant 0 : i32
      %dma_wait3A_65 = tpu.memref_slice %arg5[%dma_wait3A_60, %dma_wait3A_64] : memref<4x128xi32, #tpu.memory_space<vmem>> -> memref<1x128xi32, #tpu.memory_space<vmem>>
      %dma_wait3A_66 = tpu.memref_squeeze %dma_wait3A_65 : memref<1x128xi32, #tpu.memory_space<vmem>> -> memref<128xi32, #tpu.memory_space<vmem>>
      %dma_wait3A_67 = arith.constant 0 : i32
      %dma_wait3A_68 = arith.constant 0 : i32
      %dma_wait3A_69 = tpu.memref_slice %arg2[%dma_wait3A_67, %dma_wait3A_68] : memref<1000000x64xf32, #tpu.memory_space<hbm>> -> memref<1000000x64xf32, #tpu.memory_space<hbm>>
      tpu.wait_indirect_dma semaphore(%arg7 : memref<!tpu.dma_semaphore, #tpu.memory_space<semaphore_mem>>) src(%dma_wait3A_69 : memref<1000000x64xf32, #tpu.memory_space<hbm>>) dst(%dma_wait3A_63 : memref<128x64xf32, #tpu.memory_space<vmem>>)
      %dma_wait3A_70 = arith.constant 2 : i32
      %dma_wait3A_71 = arith.constant 256 : i32
      %dma_wait3A_72 = arith.constant 0 : i32
      %dma_wait3A_73 = tpu.memref_slice %arg6[%dma_wait3A_71, %dma_wait3A_72] : memref<512x64xf32, #tpu.memory_space<vmem>> -> memref<128x64xf32, #tpu.memory_space<vmem>>
      %dma_wait3A_74 = arith.constant 0 : i32
      %dma_wait3A_75 = tpu.memref_slice %arg5[%dma_wait3A_70, %dma_wait3A_74] : memref<4x128xi32, #tpu.memory_space<vmem>> -> memref<1x128xi32, #tpu.memory_space<vmem>>
      %dma_wait3A_76 = tpu.memref_squeeze %dma_wait3A_75 : memref<1x128xi32, #tpu.memory_space<vmem>> -> memref<128xi32, #tpu.memory_space<vmem>>
      %dma_wait3A_77 = arith.constant 0 : i32
      %dma_wait3A_78 = arith.constant 0 : i32
      %dma_wait3A_79 = tpu.memref_slice %arg2[%dma_wait3A_77, %dma_wait3A_78] : memref<1000000x64xf32, #tpu.memory_space<hbm>> -> memref<1000000x64xf32, #tpu.memory_space<hbm>>
      tpu.wait_indirect_dma semaphore(%arg7 : memref<!tpu.dma_semaphore, #tpu.memory_space<semaphore_mem>>) src(%dma_wait3A_79 : memref<1000000x64xf32, #tpu.memory_space<hbm>>) dst(%dma_wait3A_73 : memref<128x64xf32, #tpu.memory_space<vmem>>)
      %dma_wait3A_80 = arith.constant 3 : i32
      %dma_wait3A_81 = arith.constant 384 : i32
      %dma_wait3A_82 = arith.constant 0 : i32
      %dma_wait3A_83 = tpu.memref_slice %arg6[%dma_wait3A_81, %dma_wait3A_82] : memref<512x64xf32, #tpu.memory_space<vmem>> -> memref<128x64xf32, #tpu.memory_space<vmem>>
      %dma_wait3A_84 = arith.constant 0 : i32
      %dma_wait3A_85 = tpu.memref_slice %arg5[%dma_wait3A_80, %dma_wait3A_84] : memref<4x128xi32, #tpu.memory_space<vmem>> -> memref<1x128xi32, #tpu.memory_space<vmem>>
      %dma_wait3A_86 = tpu.memref_squeeze %dma_wait3A_85 : memref<1x128xi32, #tpu.memory_space<vmem>> -> memref<128xi32, #tpu.memory_space<vmem>>
      %dma_wait3A_87 = arith.constant 0 : i32
      %dma_wait3A_88 = arith.constant 0 : i32
      %dma_wait3A_89 = tpu.memref_slice %arg2[%dma_wait3A_87, %dma_wait3A_88] : memref<1000000x64xf32, #tpu.memory_space<hbm>> -> memref<1000000x64xf32, #tpu.memory_space<hbm>>
      tpu.wait_indirect_dma semaphore(%arg7 : memref<!tpu.dma_semaphore, #tpu.memory_space<semaphore_mem>>) src(%dma_wait3A_89 : memref<1000000x64xf32, #tpu.memory_space<hbm>>) dst(%dma_wait3A_83 : memref<128x64xf32, #tpu.memory_space<vmem>>)
      %mul3A_90 = arith.constant 128 : i32
      %mul3A_91 = arith.muli %mul3A_11, %mul3A_90 : i32
      %jit3A = arith.constant 2 : i32
      %div3A = arith.divsi %mul3A_91, %jit3A : i32
      %sign3A = arith.constant 0 : i32
      %sign3A_92 = arith.cmpi sgt, %mul3A_91, %sign3A : i32
      %sign3A_93 = arith.extui %sign3A_92 : i1 to i32
      %sign3A_94 = arith.constant 0 : i32
      %sign3A_95 = arith.cmpi slt, %mul3A_91, %sign3A_94 : i32
      %sign3A_96 = arith.extui %sign3A_95 : i1 to i32
      %sign3A_97 = arith.subi %sign3A_93, %sign3A_96 : i32
      %sign3A_98 = arith.constant 0 : i32
      %sign3A_99 = arith.cmpi sgt, %jit3A, %sign3A_98 : i32
      %sign3A_100 = arith.extui %sign3A_99 : i1 to i32
      %sign3A_101 = arith.constant 0 : i32
      %sign3A_102 = arith.cmpi slt, %jit3A, %sign3A_101 : i32
      %sign3A_103 = arith.extui %sign3A_102 : i1 to i32
      %sign3A_104 = arith.subi %sign3A_100, %sign3A_103 : i32
      %ne3A = arith.cmpi ne, %sign3A_97, %sign3A_104 : i32
      %rem3A = arith.remsi %mul3A_91, %jit3A : i32
      %ne3A_105 = arith.constant 0 : i32
      %ne3A_106 = arith.cmpi ne, %rem3A, %ne3A_105 : i32
      %and3A = arith.andi %ne3A, %ne3A_106 : i1
      %sub3A = arith.constant 1 : i32
      %sub3A_107 = arith.subi %div3A, %sub3A : i32
      %select_n3A = arith.select %and3A, %sub3A_107, %div3A : i32
      "tpu.region"() ({
        %run_scoped3A = tpu.sem_alloc : memref<!tpu.dma_semaphore, #tpu.memory_space<semaphore_mem>>
        %dma_start3A_108 = arith.constant 0 : i32
        %dma_start3A_109 = arith.constant 0 : i32
        %dma_start3A_110 = tpu.memref_slice %arg6[%dma_start3A_108, %dma_start3A_109] : memref<512x64xf32, #tpu.memory_space<vmem>> -> memref<256x64xf32, #tpu.memory_space<vmem>>
        %dma_start3A_111 = arith.constant 0 : i32
        %dma_start3A_112 = tpu.memref_slice %arg4[%select_n3A, %dma_start3A_111] : memref<81920x128xf32, #tpu.memory_space<hbm>> -> memref<256x64xf32, #tpu.memory_space<hbm>>
        %dma_start3A_113 = arith.constant 0 : i32
        %dma_start3A_114 = tpu.memref_slice %arg4[%select_n3A, %dma_start3A_113] : memref<81920x128xf32, #tpu.memory_space<hbm>> -> memref<256x64xf32, #tpu.memory_space<hbm>>
        %dma_start3A_115 = arith.constant 0 : i32
        %dma_start3A_116 = arith.constant 0 : i32
        %dma_start3A_117 = tpu.memref_slice %arg6[%dma_start3A_115, %dma_start3A_116] : memref<512x64xf32, #tpu.memory_space<vmem>> -> memref<256x64xf32, #tpu.memory_space<vmem>>
        tpu.enqueue_dma source(%dma_start3A_117 : memref<256x64xf32, #tpu.memory_space<vmem>>) target(%dma_start3A_114 : memref<256x64xf32, #tpu.memory_space<hbm>>) target_semaphore(%run_scoped3A : memref<!tpu.dma_semaphore, #tpu.memory_space<semaphore_mem>>)
        %dma_wait3A_118 = arith.constant 0 : i32
        %dma_wait3A_119 = arith.constant 0 : i32
        %dma_wait3A_120 = tpu.memref_slice %arg6[%dma_wait3A_118, %dma_wait3A_119] : memref<512x64xf32, #tpu.memory_space<vmem>> -> memref<256x64xf32, #tpu.memory_space<vmem>>
        %dma_wait3A_121 = arith.constant 0 : i32
        %dma_wait3A_122 = tpu.memref_slice %arg4[%select_n3A, %dma_wait3A_121] : memref<81920x128xf32, #tpu.memory_space<hbm>> -> memref<256x64xf32, #tpu.memory_space<hbm>>
        %dma_wait3A_123 = arith.constant 0 : i32
        %dma_wait3A_124 = tpu.memref_slice %arg4[%select_n3A, %dma_wait3A_123] : memref<81920x128xf32, #tpu.memory_space<hbm>> -> memref<256x64xf32, #tpu.memory_space<hbm>>
        %dma_wait3A_125 = arith.constant 0 : i32
        %dma_wait3A_126 = arith.constant 0 : i32
        %dma_wait3A_127 = tpu.memref_slice %arg6[%dma_wait3A_125, %dma_wait3A_126] : memref<512x64xf32, #tpu.memory_space<vmem>> -> memref<256x64xf32, #tpu.memory_space<vmem>>
        tpu.wait_dma2 semaphore(%run_scoped3A : memref<!tpu.dma_semaphore, #tpu.memory_space<semaphore_mem>>) src(%dma_wait3A_127 : memref<256x64xf32, #tpu.memory_space<vmem>>) dst(%dma_wait3A_124 : memref<256x64xf32, #tpu.memory_space<hbm>>)
        tpu.yield
      }) : () -> ()
      "tpu.region"() ({
        %run_scoped3A = tpu.sem_alloc : memref<!tpu.dma_semaphore, #tpu.memory_space<semaphore_mem>>
        %dma_start3A_108 = arith.constant 256 : i32
        %dma_start3A_109 = arith.constant 0 : i32
        %dma_start3A_110 = tpu.memref_slice %arg6[%dma_start3A_108, %dma_start3A_109] : memref<512x64xf32, #tpu.memory_space<vmem>> -> memref<256x64xf32, #tpu.memory_space<vmem>>
        %dma_start3A_111 = arith.constant 64 : i32
        %dma_start3A_112 = tpu.memref_slice %arg4[%select_n3A, %dma_start3A_111] : memref<81920x128xf32, #tpu.memory_space<hbm>> -> memref<256x64xf32, #tpu.memory_space<hbm>>
        %dma_start3A_113 = arith.constant 64 : i32
        %dma_start3A_114 = tpu.memref_slice %arg4[%select_n3A, %dma_start3A_113] : memref<81920x128xf32, #tpu.memory_space<hbm>> -> memref<256x64xf32, #tpu.memory_space<hbm>>
        %dma_start3A_115 = arith.constant 256 : i32
        %dma_start3A_116 = arith.constant 0 : i32
        %dma_start3A_117 = tpu.memref_slice %arg6[%dma_start3A_115, %dma_start3A_116] : memref<512x64xf32, #tpu.memory_space<vmem>> -> memref<256x64xf32, #tpu.memory_space<vmem>>
        tpu.enqueue_dma source(%dma_start3A_117 : memref<256x64xf32, #tpu.memory_space<vmem>>) target(%dma_start3A_114 : memref<256x64xf32, #tpu.memory_space<hbm>>) target_semaphore(%run_scoped3A : memref<!tpu.dma_semaphore, #tpu.memory_space<semaphore_mem>>)
        %dma_wait3A_118 = arith.constant 256 : i32
        %dma_wait3A_119 = arith.constant 0 : i32
        %dma_wait3A_120 = tpu.memref_slice %arg6[%dma_wait3A_118, %dma_wait3A_119] : memref<512x64xf32, #tpu.memory_space<vmem>> -> memref<256x64xf32, #tpu.memory_space<vmem>>
        %dma_wait3A_121 = arith.constant 64 : i32
        %dma_wait3A_122 = tpu.memref_slice %arg4[%select_n3A, %dma_wait3A_121] : memref<81920x128xf32, #tpu.memory_space<hbm>> -> memref<256x64xf32, #tpu.memory_space<hbm>>
        %dma_wait3A_123 = arith.constant 64 : i32
        %dma_wait3A_124 = tpu.memref_slice %arg4[%select_n3A, %dma_wait3A_123] : memref<81920x128xf32, #tpu.memory_space<hbm>> -> memref<256x64xf32, #tpu.memory_space<hbm>>
        %dma_wait3A_125 = arith.constant 256 : i32
        %dma_wait3A_126 = arith.constant 0 : i32
        %dma_wait3A_127 = tpu.memref_slice %arg6[%dma_wait3A_125, %dma_wait3A_126] : memref<512x64xf32, #tpu.memory_space<vmem>> -> memref<256x64xf32, #tpu.memory_space<vmem>>
        tpu.wait_dma2 semaphore(%run_scoped3A : memref<!tpu.dma_semaphore, #tpu.memory_space<semaphore_mem>>) src(%dma_wait3A_127 : memref<256x64xf32, #tpu.memory_space<vmem>>) dst(%dma_wait3A_124 : memref<256x64xf32, #tpu.memory_space<hbm>>)
        tpu.yield
      }) : () -> ()
    }
    %scan3A_5 = arith.constant 10 : i32
    return
  }
}

#map = affine_map<(d0, d1) -> (0, 0)>
module attributes {stable_mosaic.version = 14 : i64} {
  func.func @gather(%arg0: i32, %arg1: i32, %arg2: memref<1000000x64xf32, #tpu.memory_space<hbm>>, %arg3: memref<1280x128xi32, #tpu.memory_space<hbm>>, %arg4: memref<81920x128xf32, #tpu.memory_space<hbm>>, %arg5: memref<4x128xi32, #tpu.memory_space<vmem>>, %arg6: memref<512x64xf32, #tpu.memory_space<vmem>>, %arg7: memref<!tpu.dma_semaphore, #tpu.memory_space<semaphore_mem>>) attributes {dimension_semantics = [#tpu.dimension_semantics<core_parallel>, #tpu.dimension_semantics<subcore_parallel>], iteration_bounds = array<i64: 2, 16>, scalar_prefetch = 0 : i64, scratch_operands = 3 : i64, tpu.core_type = #tpu.core_type<sc_vector_subcore>, window_params = [{transform_indices = #map}, {transform_indices = #map}, {transform_indices = #map}]} {
    %mul3A = arith.constant 2 : i32
    %mul3A_0 = arith.muli %arg1, %mul3A : i32
    %add3A = arith.addi %mul3A_0, %arg0 : i32
    %scan3A = arith.constant 0 : i32
    %scan3A_1 = arith.constant 0 : i32
    %scan3A_2 = arith.constant 10 : i32
    %scan3A_3 = arith.addi %scan3A_1, %scan3A_2 : i32
    %scan3A_4 = arith.constant 1 : i32
    scf.for %scan3A_6 = %scan3A_1 to %scan3A_3 step %scan3A_4  : i32 {
      %mul3A_7 = arith.constant 10 : i32
      %mul3A_8 = arith.muli %add3A, %mul3A_7 : i32
      %add3A_9 = arith.addi %mul3A_8, %scan3A_6 : i32
      %mul3A_10 = arith.constant 4 : i32
      %mul3A_11 = arith.muli %add3A_9, %mul3A_10 : i32
      "tpu.region"() ({
        %run_scoped3A = tpu.sem_alloc : memref<!tpu.dma_semaphore, #tpu.memory_space<semaphore_mem>>
        %dma_start3A_108 = arith.constant 0 : i32
        %dma_start3A_109 = tpu.memref_slice %arg3[%mul3A_11, %dma_start3A_108] : memref<1280x128xi32, #tpu.memory_space<hbm>> -> memref<4x128xi32, #tpu.memory_space<hbm>>
        %dma_start3A_110 = arith.constant 0 : i32
        %dma_start3A_111 = tpu.memref_slice %arg3[%mul3A_11, %dma_start3A_110] : memref<1280x128xi32, #tpu.memory_space<hbm>> -> memref<4x128xi32, #tpu.memory_space<hbm>>
        tpu.enqueue_dma source(%dma_start3A_111 : memref<4x128xi32, #tpu.memory_space<hbm>>) target(%arg5 : memref<4x128xi32, #tpu.memory_space<vmem>>) target_semaphore(%run_scoped3A : memref<!tpu.dma_semaphore, #tpu.memory_space<semaphore_mem>>)
        %dma_wait3A_112 = arith.constant 0 : i32
        %dma_wait3A_113 = tpu.memref_slice %arg3[%mul3A_11, %dma_wait3A_112] : memref<1280x128xi32, #tpu.memory_space<hbm>> -> memref<4x128xi32, #tpu.memory_space<hbm>>
        %dma_wait3A_114 = arith.constant 0 : i32
        %dma_wait3A_115 = tpu.memref_slice %arg3[%mul3A_11, %dma_wait3A_114] : memref<1280x128xi32, #tpu.memory_space<hbm>> -> memref<4x128xi32, #tpu.memory_space<hbm>>
        tpu.wait_dma2 semaphore(%run_scoped3A : memref<!tpu.dma_semaphore, #tpu.memory_space<semaphore_mem>>) src(%dma_wait3A_115 : memref<4x128xi32, #tpu.memory_space<hbm>>) dst(%arg5 : memref<4x128xi32, #tpu.memory_space<vmem>>)
        tpu.yield
      }) : () -> ()
      %dma_start3A = arith.constant 0 : i32
      %dma_start3A_12 = arith.constant 0 : i32
      %dma_start3A_13 = arith.constant 0 : i32
      %dma_start3A_14 = tpu.memref_slice %arg6[%dma_start3A_12, %dma_start3A_13] : memref<512x64xf32, #tpu.memory_space<vmem>> -> memref<128x64xf32, #tpu.memory_space<vmem>>
      %dma_start3A_15 = arith.constant 0 : i32
      %dma_start3A_16 = tpu.memref_slice %arg5[%dma_start3A, %dma_start3A_15] : memref<4x128xi32, #tpu.memory_space<vmem>> -> memref<1x128xi32, #tpu.memory_space<vmem>>
      %dma_start3A_17 = tpu.memref_squeeze %dma_start3A_16 : memref<1x128xi32, #tpu.memory_space<vmem>> -> memref<128xi32, #tpu.memory_space<vmem>>
      %dma_start3A_18 = arith.constant 0 : i32
      %dma_start3A_19 = arith.constant 0 : i32
      %dma_start3A_20 = tpu.memref_slice %arg2[%dma_start3A_18, %dma_start3A_19] : memref<1000000x64xf32, #tpu.memory_space<hbm>> -> memref<1000000x64xf32, #tpu.memory_space<hbm>>
      tpu.enqueue_indirect_dma source(%dma_start3A_20 : memref<1000000x64xf32, #tpu.memory_space<hbm>>) target(%dma_start3A_14 : memref<128x64xf32, #tpu.memory_space<vmem>>) offsets(%dma_start3A_17 : memref<128xi32, #tpu.memory_space<vmem>>) semaphore(%arg7 : memref<!tpu.dma_semaphore, #tpu.memory_space<semaphore_mem>>)
      %dma_start3A_21 = arith.constant 1 : i32
      %dma_start3A_22 = arith.constant 128 : i32
      %dma_start3A_23 = arith.constant 0 : i32
      %dma_start3A_24 = tpu.memref_slice %arg6[%dma_start3A_22, %dma_start3A_23] : memref<512x64xf32, #tpu.memory_space<vmem>> -> memref<128x64xf32, #tpu.memory_space<vmem>>
      %dma_start3A_25 = arith.constant 0 : i32
      %dma_start3A_26 = tpu.memref_slice %arg5[%dma_start3A_21, %dma_start3A_25] : memref<4x128xi32, #tpu.memory_space<vmem>> -> memref<1x128xi32, #tpu.memory_space<vmem>>
      %dma_start3A_27 = tpu.memref_squeeze %dma_start3A_26 : memref<1x128xi32, #tpu.memory_space<vmem>> -> memref<128xi32, #tpu.memory_space<vmem>>
      %dma_start3A_28 = arith.constant 0 : i32
      %dma_start3A_29 = arith.constant 0 : i32
      %dma_start3A_30 = tpu.memref_slice %arg2[%dma_start3A_28, %dma_start3A_29] : memref<1000000x64xf32, #tpu.memory_space<hbm>> -> memref<1000000x64xf32, #tpu.memory_space<hbm>>
      tpu.enqueue_indirect_dma source(%dma_start3A_30 : memref<1000000x64xf32, #tpu.memory_space<hbm>>) target(%dma_start3A_24 : memref<128x64xf32, #tpu.memory_space<vmem>>) offsets(%dma_start3A_27 : memref<128xi32, #tpu.memory_space<vmem>>) semaphore(%arg7 : memref<!tpu.dma_semaphore, #tpu.memory_space<semaphore_mem>>)
      %dma_start3A_31 = arith.constant 2 : i32
      %dma_start3A_32 = arith.constant 256 : i32
      %dma_start3A_33 = arith.constant 0 : i32
      %dma_start3A_34 = tpu.memref_slice %arg6[%dma_start3A_32, %dma_start3A_33] : memref<512x64xf32, #tpu.memory_space<vmem>> -> memref<128x64xf32, #tpu.memory_space<vmem>>
      %dma_start3A_35 = arith.constant 0 : i32
      %dma_start3A_36 = tpu.memref_slice %arg5[%dma_start3A_31, %dma_start3A_35] : memref<4x128xi32, #tpu.memory_space<vmem>> -> memref<1x128xi32, #tpu.memory_space<vmem>>
      %dma_start3A_37 = tpu.memref_squeeze %dma_start3A_36 : memref<1x128xi32, #tpu.memory_space<vmem>> -> memref<128xi32, #tpu.memory_space<vmem>>
      %dma_start3A_38 = arith.constant 0 : i32
      %dma_start3A_39 = arith.constant 0 : i32
      %dma_start3A_40 = tpu.memref_slice %arg2[%dma_start3A_38, %dma_start3A_39] : memref<1000000x64xf32, #tpu.memory_space<hbm>> -> memref<1000000x64xf32, #tpu.memory_space<hbm>>
      tpu.enqueue_indirect_dma source(%dma_start3A_40 : memref<1000000x64xf32, #tpu.memory_space<hbm>>) target(%dma_start3A_34 : memref<128x64xf32, #tpu.memory_space<vmem>>) offsets(%dma_start3A_37 : memref<128xi32, #tpu.memory_space<vmem>>) semaphore(%arg7 : memref<!tpu.dma_semaphore, #tpu.memory_space<semaphore_mem>>)
      %dma_start3A_41 = arith.constant 3 : i32
      %dma_start3A_42 = arith.constant 384 : i32
      %dma_start3A_43 = arith.constant 0 : i32
      %dma_start3A_44 = tpu.memref_slice %arg6[%dma_start3A_42, %dma_start3A_43] : memref<512x64xf32, #tpu.memory_space<vmem>> -> memref<128x64xf32, #tpu.memory_space<vmem>>
      %dma_start3A_45 = arith.constant 0 : i32
      %dma_start3A_46 = tpu.memref_slice %arg5[%dma_start3A_41, %dma_start3A_45] : memref<4x128xi32, #tpu.memory_space<vmem>> -> memref<1x128xi32, #tpu.memory_space<vmem>>
      %dma_start3A_47 = tpu.memref_squeeze %dma_start3A_46 : memref<1x128xi32, #tpu.memory_space<vmem>> -> memref<128xi32, #tpu.memory_space<vmem>>
      %dma_start3A_48 = arith.constant 0 : i32
      %dma_start3A_49 = arith.constant 0 : i32
      %dma_start3A_50 = tpu.memref_slice %arg2[%dma_start3A_48, %dma_start3A_49] : memref<1000000x64xf32, #tpu.memory_space<hbm>> -> memref<1000000x64xf32, #tpu.memory_space<hbm>>
      tpu.enqueue_indirect_dma source(%dma_start3A_50 : memref<1000000x64xf32, #tpu.memory_space<hbm>>) target(%dma_start3A_44 : memref<128x64xf32, #tpu.memory_space<vmem>>) offsets(%dma_start3A_47 : memref<128xi32, #tpu.memory_space<vmem>>) semaphore(%arg7 : memref<!tpu.dma_semaphore, #tpu.memory_space<semaphore_mem>>)
      %dma_wait3A = arith.constant 0 : i32
      %dma_wait3A_51 = arith.constant 0 : i32
      %dma_wait3A_52 = arith.constant 0 : i32
      %dma_wait3A_53 = tpu.memref_slice %arg6[%dma_wait3A_51, %dma_wait3A_52] : memref<512x64xf32, #tpu.memory_space<vmem>> -> memref<128x64xf32, #tpu.memory_space<vmem>>
      %dma_wait3A_54 = arith.constant 0 : i32
      %dma_wait3A_55 = tpu.memref_slice %arg5[%dma_wait3A, %dma_wait3A_54] : memref<4x128xi32, #tpu.memory_space<vmem>> -> memref<1x128xi32, #tpu.memory_space<vmem>>
      %dma_wait3A_56 = tpu.memref_squeeze %dma_wait3A_55 : memref<1x128xi32, #tpu.memory_space<vmem>> -> memref<128xi32, #tpu.memory_space<vmem>>
      %dma_wait3A_57 = arith.constant 0 : i32
      %dma_wait3A_58 = arith.constant 0 : i32
      %dma_wait3A_59 = tpu.memref_slice %arg2[%dma_wait3A_57, %dma_wait3A_58] : memref<1000000x64xf32, #tpu.memory_space<hbm>> -> memref<1000000x64xf32, #tpu.memory_space<hbm>>
      tpu.wait_indirect_dma semaphore(%arg7 : memref<!tpu.dma_semaphore, #tpu.memory_space<semaphore_mem>>) src(%dma_wait3A_59 : memref<1000000x64xf32, #tpu.memory_space<hbm>>) dst(%dma_wait3A_53 : memref<128x64xf32, #tpu.memory_space<vmem>>)
      %dma_wait3A_60 = arith.constant 1 : i32
      %dma_wait3A_61 = arith.constant 128 : i32
      %dma_wait3A_62 = arith.constant 0 : i32
      %dma_wait3A_63 = tpu.memref_slice %arg6[%dma_wait3A_61, %dma_wait3A_62] : memref<512x64xf32, #tpu.memory_space<vmem>> -> memref<128x64xf32, #tpu.memory_space<vmem>>
      %dma_wait3A_64 = arith.constant 0 : i32
      %dma_wait3A_65 = tpu.memref_slice %arg5[%dma_wait3A_60, %dma_wait3A_64] : memref<4x128xi32, #tpu.memory_space<vmem>> -> memref<1x128xi32, #tpu.memory_space<vmem>>
      %dma_wait3A_66 = tpu.memref_squeeze %dma_wait3A_65 : memref<1x128xi32, #tpu.memory_space<vmem>> -> memref<128xi32, #tpu.memory_space<vmem>>
      %dma_wait3A_67 = arith.constant 0 : i32
      %dma_wait3A_68 = arith.constant 0 : i32
      %dma_wait3A_69 = tpu.memref_slice %arg2[%dma_wait3A_67, %dma_wait3A_68] : memref<1000000x64xf32, #tpu.memory_space<hbm>> -> memref<1000000x64xf32, #tpu.memory_space<hbm>>
      tpu.wait_indirect_dma semaphore(%arg7 : memref<!tpu.dma_semaphore, #tpu.memory_space<semaphore_mem>>) src(%dma_wait3A_69 : memref<1000000x64xf32, #tpu.memory_space<hbm>>) dst(%dma_wait3A_63 : memref<128x64xf32, #tpu.memory_space<vmem>>)
      %dma_wait3A_70 = arith.constant 2 : i32
      %dma_wait3A_71 = arith.constant 256 : i32
      %dma_wait3A_72 = arith.constant 0 : i32
      %dma_wait3A_73 = tpu.memref_slice %arg6[%dma_wait3A_71, %dma_wait3A_72] : memref<512x64xf32, #tpu.memory_space<vmem>> -> memref<128x64xf32, #tpu.memory_space<vmem>>
      %dma_wait3A_74 = arith.constant 0 : i32
      %dma_wait3A_75 = tpu.memref_slice %arg5[%dma_wait3A_70, %dma_wait3A_74] : memref<4x128xi32, #tpu.memory_space<vmem>> -> memref<1x128xi32, #tpu.memory_space<vmem>>
      %dma_wait3A_76 = tpu.memref_squeeze %dma_wait3A_75 : memref<1x128xi32, #tpu.memory_space<vmem>> -> memref<128xi32, #tpu.memory_space<vmem>>
      %dma_wait3A_77 = arith.constant 0 : i32
      %dma_wait3A_78 = arith.constant 0 : i32
      %dma_wait3A_79 = tpu.memref_slice %arg2[%dma_wait3A_77, %dma_wait3A_78] : memref<1000000x64xf32, #tpu.memory_space<hbm>> -> memref<1000000x64xf32, #tpu.memory_space<hbm>>
      tpu.wait_indirect_dma semaphore(%arg7 : memref<!tpu.dma_semaphore, #tpu.memory_space<semaphore_mem>>) src(%dma_wait3A_79 : memref<1000000x64xf32, #tpu.memory_space<hbm>>) dst(%dma_wait3A_73 : memref<128x64xf32, #tpu.memory_space<vmem>>)
      %dma_wait3A_80 = arith.constant 3 : i32
      %dma_wait3A_81 = arith.constant 384 : i32
      %dma_wait3A_82 = arith.constant 0 : i32
      %dma_wait3A_83 = tpu.memref_slice %arg6[%dma_wait3A_81, %dma_wait3A_82] : memref<512x64xf32, #tpu.memory_space<vmem>> -> memref<128x64xf32, #tpu.memory_space<vmem>>
      %dma_wait3A_84 = arith.constant 0 : i32
      %dma_wait3A_85 = tpu.memref_slice %arg5[%dma_wait3A_80, %dma_wait3A_84] : memref<4x128xi32, #tpu.memory_space<vmem>> -> memref<1x128xi32, #tpu.memory_space<vmem>>
      %dma_wait3A_86 = tpu.memref_squeeze %dma_wait3A_85 : memref<1x128xi32, #tpu.memory_space<vmem>> -> memref<128xi32, #tpu.memory_space<vmem>>
      %dma_wait3A_87 = arith.constant 0 : i32
      %dma_wait3A_88 = arith.constant 0 : i32
      %dma_wait3A_89 = tpu.memref_slice %arg2[%dma_wait3A_87, %dma_wait3A_88] : memref<1000000x64xf32, #tpu.memory_space<hbm>> -> memref<1000000x64xf32, #tpu.memory_space<hbm>>
      tpu.wait_indirect_dma semaphore(%arg7 : memref<!tpu.dma_semaphore, #tpu.memory_space<semaphore_mem>>) src(%dma_wait3A_89 : memref<1000000x64xf32, #tpu.memory_space<hbm>>) dst(%dma_wait3A_83 : memref<128x64xf32, #tpu.memory_space<vmem>>)
      %mul3A_90 = arith.constant 128 : i32
      %mul3A_91 = arith.muli %mul3A_11, %mul3A_90 : i32
      %jit3A = arith.constant 2 : i32
      %div3A = arith.divsi %mul3A_91, %jit3A : i32
      %sign3A = arith.constant 0 : i32
      %sign3A_92 = arith.cmpi sgt, %mul3A_91, %sign3A : i32
      %sign3A_93 = arith.extui %sign3A_92 : i1 to i32
      %sign3A_94 = arith.constant 0 : i32
      %sign3A_95 = arith.cmpi slt, %mul3A_91, %sign3A_94 : i32
      %sign3A_96 = arith.extui %sign3A_95 : i1 to i32
      %sign3A_97 = arith.subi %sign3A_93, %sign3A_96 : i32
      %sign3A_98 = arith.constant 0 : i32
      %sign3A_99 = arith.cmpi sgt, %jit3A, %sign3A_98 : i32
      %sign3A_100 = arith.extui %sign3A_99 : i1 to i32
      %sign3A_101 = arith.constant 0 : i32
      %sign3A_102 = arith.cmpi slt, %jit3A, %sign3A_101 : i32
      %sign3A_103 = arith.extui %sign3A_102 : i1 to i32
      %sign3A_104 = arith.subi %sign3A_100, %sign3A_103 : i32
      %ne3A = arith.cmpi ne, %sign3A_97, %sign3A_104 : i32
      %rem3A = arith.remsi %mul3A_91, %jit3A : i32
      %ne3A_105 = arith.constant 0 : i32
      %ne3A_106 = arith.cmpi ne, %rem3A, %ne3A_105 : i32
      %and3A = arith.andi %ne3A, %ne3A_106 : i1
      %sub3A = arith.constant 1 : i32
      %sub3A_107 = arith.subi %div3A, %sub3A : i32
      %select_n3A = arith.select %and3A, %sub3A_107, %div3A : i32
      "tpu.region"() ({
        %run_scoped3A = tpu.sem_alloc : memref<!tpu.dma_semaphore, #tpu.memory_space<semaphore_mem>>
        %dma_start3A_108 = arith.constant 0 : i32
        %dma_start3A_109 = arith.constant 0 : i32
        %dma_start3A_110 = tpu.memref_slice %arg6[%dma_start3A_108, %dma_start3A_109] : memref<512x64xf32, #tpu.memory_space<vmem>> -> memref<256x64xf32, #tpu.memory_space<vmem>>
        %dma_start3A_111 = arith.constant 0 : i32
        %dma_start3A_112 = tpu.memref_slice %arg4[%select_n3A, %dma_start3A_111] : memref<81920x128xf32, #tpu.memory_space<hbm>> -> memref<256x64xf32, #tpu.memory_space<hbm>>
        %dma_start3A_113 = arith.constant 0 : i32
        %dma_start3A_114 = tpu.memref_slice %arg4[%select_n3A, %dma_start3A_113] : memref<81920x128xf32, #tpu.memory_space<hbm>> -> memref<256x64xf32, #tpu.memory_space<hbm>>
        %dma_start3A_115 = arith.constant 0 : i32
        %dma_start3A_116 = arith.constant 0 : i32
        %dma_start3A_117 = tpu.memref_slice %arg6[%dma_start3A_115, %dma_start3A_116] : memref<512x64xf32, #tpu.memory_space<vmem>> -> memref<256x64xf32, #tpu.memory_space<vmem>>
        tpu.enqueue_dma source(%dma_start3A_117 : memref<256x64xf32, #tpu.memory_space<vmem>>) target(%dma_start3A_114 : memref<256x64xf32, #tpu.memory_space<hbm>>) target_semaphore(%run_scoped3A : memref<!tpu.dma_semaphore, #tpu.memory_space<semaphore_mem>>)
        %dma_wait3A_118 = arith.constant 0 : i32
        %dma_wait3A_119 = arith.constant 0 : i32
        %dma_wait3A_120 = tpu.memref_slice %arg6[%dma_wait3A_118, %dma_wait3A_119] : memref<512x64xf32, #tpu.memory_space<vmem>> -> memref<256x64xf32, #tpu.memory_space<vmem>>
        %dma_wait3A_121 = arith.constant 0 : i32
        %dma_wait3A_122 = tpu.memref_slice %arg4[%select_n3A, %dma_wait3A_121] : memref<81920x128xf32, #tpu.memory_space<hbm>> -> memref<256x64xf32, #tpu.memory_space<hbm>>
        %dma_wait3A_123 = arith.constant 0 : i32
        %dma_wait3A_124 = tpu.memref_slice %arg4[%select_n3A, %dma_wait3A_123] : memref<81920x128xf32, #tpu.memory_space<hbm>> -> memref<256x64xf32, #tpu.memory_space<hbm>>
        %dma_wait3A_125 = arith.constant 0 : i32
        %dma_wait3A_126 = arith.constant 0 : i32
        %dma_wait3A_127 = tpu.memref_slice %arg6[%dma_wait3A_125, %dma_wait3A_126] : memref<512x64xf32, #tpu.memory_space<vmem>> -> memref<256x64xf32, #tpu.memory_space<vmem>>
        tpu.wait_dma2 semaphore(%run_scoped3A : memref<!tpu.dma_semaphore, #tpu.memory_space<semaphore_mem>>) src(%dma_wait3A_127 : memref<256x64xf32, #tpu.memory_space<vmem>>) dst(%dma_wait3A_124 : memref<256x64xf32, #tpu.memory_space<hbm>>)
        tpu.yield
      }) : () -> ()
      "tpu.region"() ({
        %run_scoped3A = tpu.sem_alloc : memref<!tpu.dma_semaphore, #tpu.memory_space<semaphore_mem>>
        %dma_start3A_108 = arith.constant 256 : i32
        %dma_start3A_109 = arith.constant 0 : i32
        %dma_start3A_110 = tpu.memref_slice %arg6[%dma_start3A_108, %dma_start3A_109] : memref<512x64xf32, #tpu.memory_space<vmem>> -> memref<256x64xf32, #tpu.memory_space<vmem>>
        %dma_start3A_111 = arith.constant 64 : i32
        %dma_start3A_112 = tpu.memref_slice %arg4[%select_n3A, %dma_start3A_111] : memref<81920x128xf32, #tpu.memory_space<hbm>> -> memref<256x64xf32, #tpu.memory_space<hbm>>
        %dma_start3A_113 = arith.constant 64 : i32
        %dma_start3A_114 = tpu.memref_slice %arg4[%select_n3A, %dma_start3A_113] : memref<81920x128xf32, #tpu.memory_space<hbm>> -> memref<256x64xf32, #tpu.memory_space<hbm>>
        %dma_start3A_115 = arith.constant 256 : i32
        %dma_start3A_116 = arith.constant 0 : i32
        %dma_start3A_117 = tpu.memref_slice %arg6[%dma_start3A_115, %dma_start3A_116] : memref<512x64xf32, #tpu.memory_space<vmem>> -> memref<256x64xf32, #tpu.memory_space<vmem>>
        tpu.enqueue_dma source(%dma_start3A_117 : memref<256x64xf32, #tpu.memory_space<vmem>>) target(%dma_start3A_114 : memref<256x64xf32, #tpu.memory_space<hbm>>) target_semaphore(%run_scoped3A : memref<!tpu.dma_semaphore, #tpu.memory_space<semaphore_mem>>)
        %dma_wait3A_118 = arith.constant 256 : i32
        %dma_wait3A_119 = arith.constant 0 : i32
        %dma_wait3A_120 = tpu.memref_slice %arg6[%dma_wait3A_118, %dma_wait3A_119] : memref<512x64xf32, #tpu.memory_space<vmem>> -> memref<256x64xf32, #tpu.memory_space<vmem>>
        %dma_wait3A_121 = arith.constant 64 : i32
        %dma_wait3A_122 = tpu.memref_slice %arg4[%select_n3A, %dma_wait3A_121] : memref<81920x128xf32, #tpu.memory_space<hbm>> -> memref<256x64xf32, #tpu.memory_space<hbm>>
        %dma_wait3A_123 = arith.constant 64 : i32
        %dma_wait3A_124 = tpu.memref_slice %arg4[%select_n3A, %dma_wait3A_123] : memref<81920x128xf32, #tpu.memory_space<hbm>> -> memref<256x64xf32, #tpu.memory_space<hbm>>
        %dma_wait3A_125 = arith.constant 256 : i32
        %dma_wait3A_126 = arith.constant 0 : i32
        %dma_wait3A_127 = tpu.memref_slice %arg6[%dma_wait3A_125, %dma_wait3A_126] : memref<512x64xf32, #tpu.memory_space<vmem>> -> memref<256x64xf32, #tpu.memory_space<vmem>>
        tpu.wait_dma2 semaphore(%run_scoped3A : memref<!tpu.dma_semaphore, #tpu.memory_space<semaphore_mem>>) src(%dma_wait3A_127 : memref<256x64xf32, #tpu.memory_space<vmem>>) dst(%dma_wait3A_124 : memref<256x64xf32, #tpu.memory_space<hbm>>)
        tpu.yield
      }) : () -> ()
    }
    %scan3A_5 = arith.constant 10 : i32
    return
  }
}

#map = affine_map<(d0, d1) -> (0, 0)>
module attributes {stable_mosaic.version = 14 : i64} {
  func.func @gather(%arg0: i32, %arg1: i32, %arg2: memref<1000000x64xf32, #tpu.memory_space<hbm>>, %arg3: memref<1280x128xi32, #tpu.memory_space<hbm>>, %arg4: memref<81920x128xf32, #tpu.memory_space<hbm>>, %arg5: memref<4x128xi32, #tpu.memory_space<vmem>>, %arg6: memref<512x64xf32, #tpu.memory_space<vmem>>, %arg7: memref<!tpu.dma_semaphore, #tpu.memory_space<semaphore_mem>>) attributes {dimension_semantics = [#tpu.dimension_semantics<core_parallel>, #tpu.dimension_semantics<subcore_parallel>], iteration_bounds = array<i64: 2, 16>, scalar_prefetch = 0 : i64, scratch_operands = 3 : i64, tpu.core_type = #tpu.core_type<sc_vector_subcore>, window_params = [{transform_indices = #map}, {transform_indices = #map}, {transform_indices = #map}]} {
    %mul3A = arith.constant 2 : i32
    %mul3A_0 = arith.muli %arg1, %mul3A : i32
    %add3A = arith.addi %mul3A_0, %arg0 : i32
    %scan3A = arith.constant 0 : i32
    %scan3A_1 = arith.constant 0 : i32
    %scan3A_2 = arith.constant 10 : i32
    %scan3A_3 = arith.addi %scan3A_1, %scan3A_2 : i32
    %scan3A_4 = arith.constant 1 : i32
    scf.for %scan3A_6 = %scan3A_1 to %scan3A_3 step %scan3A_4  : i32 {
      %mul3A_7 = arith.constant 10 : i32
      %mul3A_8 = arith.muli %add3A, %mul3A_7 : i32
      %add3A_9 = arith.addi %mul3A_8, %scan3A_6 : i32
      %mul3A_10 = arith.constant 4 : i32
      %mul3A_11 = arith.muli %add3A_9, %mul3A_10 : i32
      "tpu.region"() ({
        %run_scoped3A = tpu.sem_alloc : memref<!tpu.dma_semaphore, #tpu.memory_space<semaphore_mem>>
        %dma_start3A_108 = arith.constant 0 : i32
        %dma_start3A_109 = tpu.memref_slice %arg3[%mul3A_11, %dma_start3A_108] : memref<1280x128xi32, #tpu.memory_space<hbm>> -> memref<4x128xi32, #tpu.memory_space<hbm>>
        %dma_start3A_110 = arith.constant 0 : i32
        %dma_start3A_111 = tpu.memref_slice %arg3[%mul3A_11, %dma_start3A_110] : memref<1280x128xi32, #tpu.memory_space<hbm>> -> memref<4x128xi32, #tpu.memory_space<hbm>>
        tpu.enqueue_dma source(%dma_start3A_111 : memref<4x128xi32, #tpu.memory_space<hbm>>) target(%arg5 : memref<4x128xi32, #tpu.memory_space<vmem>>) target_semaphore(%run_scoped3A : memref<!tpu.dma_semaphore, #tpu.memory_space<semaphore_mem>>)
        %dma_wait3A_112 = arith.constant 0 : i32
        %dma_wait3A_113 = tpu.memref_slice %arg3[%mul3A_11, %dma_wait3A_112] : memref<1280x128xi32, #tpu.memory_space<hbm>> -> memref<4x128xi32, #tpu.memory_space<hbm>>
        %dma_wait3A_114 = arith.constant 0 : i32
        %dma_wait3A_115 = tpu.memref_slice %arg3[%mul3A_11, %dma_wait3A_114] : memref<1280x128xi32, #tpu.memory_space<hbm>> -> memref<4x128xi32, #tpu.memory_space<hbm>>
        tpu.wait_dma2 semaphore(%run_scoped3A : memref<!tpu.dma_semaphore, #tpu.memory_space<semaphore_mem>>) src(%dma_wait3A_115 : memref<4x128xi32, #tpu.memory_space<hbm>>) dst(%arg5 : memref<4x128xi32, #tpu.memory_space<vmem>>)
        tpu.yield
      }) : () -> ()
      %dma_start3A = arith.constant 0 : i32
      %dma_start3A_12 = arith.constant 0 : i32
      %dma_start3A_13 = arith.constant 0 : i32
      %dma_start3A_14 = tpu.memref_slice %arg6[%dma_start3A_12, %dma_start3A_13] : memref<512x64xf32, #tpu.memory_space<vmem>> -> memref<128x64xf32, #tpu.memory_space<vmem>>
      %dma_start3A_15 = arith.constant 0 : i32
      %dma_start3A_16 = tpu.memref_slice %arg5[%dma_start3A, %dma_start3A_15] : memref<4x128xi32, #tpu.memory_space<vmem>> -> memref<1x128xi32, #tpu.memory_space<vmem>>
      %dma_start3A_17 = tpu.memref_squeeze %dma_start3A_16 : memref<1x128xi32, #tpu.memory_space<vmem>> -> memref<128xi32, #tpu.memory_space<vmem>>
      %dma_start3A_18 = arith.constant 0 : i32
      %dma_start3A_19 = arith.constant 0 : i32
      %dma_start3A_20 = tpu.memref_slice %arg2[%dma_start3A_18, %dma_start3A_19] : memref<1000000x64xf32, #tpu.memory_space<hbm>> -> memref<1000000x64xf32, #tpu.memory_space<hbm>>
      tpu.enqueue_indirect_dma source(%dma_start3A_20 : memref<1000000x64xf32, #tpu.memory_space<hbm>>) target(%dma_start3A_14 : memref<128x64xf32, #tpu.memory_space<vmem>>) offsets(%dma_start3A_17 : memref<128xi32, #tpu.memory_space<vmem>>) semaphore(%arg7 : memref<!tpu.dma_semaphore, #tpu.memory_space<semaphore_mem>>)
      %dma_start3A_21 = arith.constant 1 : i32
      %dma_start3A_22 = arith.constant 128 : i32
      %dma_start3A_23 = arith.constant 0 : i32
      %dma_start3A_24 = tpu.memref_slice %arg6[%dma_start3A_22, %dma_start3A_23] : memref<512x64xf32, #tpu.memory_space<vmem>> -> memref<128x64xf32, #tpu.memory_space<vmem>>
      %dma_start3A_25 = arith.constant 0 : i32
      %dma_start3A_26 = tpu.memref_slice %arg5[%dma_start3A_21, %dma_start3A_25] : memref<4x128xi32, #tpu.memory_space<vmem>> -> memref<1x128xi32, #tpu.memory_space<vmem>>
      %dma_start3A_27 = tpu.memref_squeeze %dma_start3A_26 : memref<1x128xi32, #tpu.memory_space<vmem>> -> memref<128xi32, #tpu.memory_space<vmem>>
      %dma_start3A_28 = arith.constant 0 : i32
      %dma_start3A_29 = arith.constant 0 : i32
      %dma_start3A_30 = tpu.memref_slice %arg2[%dma_start3A_28, %dma_start3A_29] : memref<1000000x64xf32, #tpu.memory_space<hbm>> -> memref<1000000x64xf32, #tpu.memory_space<hbm>>
      tpu.enqueue_indirect_dma source(%dma_start3A_30 : memref<1000000x64xf32, #tpu.memory_space<hbm>>) target(%dma_start3A_24 : memref<128x64xf32, #tpu.memory_space<vmem>>) offsets(%dma_start3A_27 : memref<128xi32, #tpu.memory_space<vmem>>) semaphore(%arg7 : memref<!tpu.dma_semaphore, #tpu.memory_space<semaphore_mem>>)
      %dma_start3A_31 = arith.constant 2 : i32
      %dma_start3A_32 = arith.constant 256 : i32
      %dma_start3A_33 = arith.constant 0 : i32
      %dma_start3A_34 = tpu.memref_slice %arg6[%dma_start3A_32, %dma_start3A_33] : memref<512x64xf32, #tpu.memory_space<vmem>> -> memref<128x64xf32, #tpu.memory_space<vmem>>
      %dma_start3A_35 = arith.constant 0 : i32
      %dma_start3A_36 = tpu.memref_slice %arg5[%dma_start3A_31, %dma_start3A_35] : memref<4x128xi32, #tpu.memory_space<vmem>> -> memref<1x128xi32, #tpu.memory_space<vmem>>
      %dma_start3A_37 = tpu.memref_squeeze %dma_start3A_36 : memref<1x128xi32, #tpu.memory_space<vmem>> -> memref<128xi32, #tpu.memory_space<vmem>>
      %dma_start3A_38 = arith.constant 0 : i32
      %dma_start3A_39 = arith.constant 0 : i32
      %dma_start3A_40 = tpu.memref_slice %arg2[%dma_start3A_38, %dma_start3A_39] : memref<1000000x64xf32, #tpu.memory_space<hbm>> -> memref<1000000x64xf32, #tpu.memory_space<hbm>>
      tpu.enqueue_indirect_dma source(%dma_start3A_40 : memref<1000000x64xf32, #tpu.memory_space<hbm>>) target(%dma_start3A_34 : memref<128x64xf32, #tpu.memory_space<vmem>>) offsets(%dma_start3A_37 : memref<128xi32, #tpu.memory_space<vmem>>) semaphore(%arg7 : memref<!tpu.dma_semaphore, #tpu.memory_space<semaphore_mem>>)
      %dma_start3A_41 = arith.constant 3 : i32
      %dma_start3A_42 = arith.constant 384 : i32
      %dma_start3A_43 = arith.constant 0 : i32
      %dma_start3A_44 = tpu.memref_slice %arg6[%dma_start3A_42, %dma_start3A_43] : memref<512x64xf32, #tpu.memory_space<vmem>> -> memref<128x64xf32, #tpu.memory_space<vmem>>
      %dma_start3A_45 = arith.constant 0 : i32
      %dma_start3A_46 = tpu.memref_slice %arg5[%dma_start3A_41, %dma_start3A_45] : memref<4x128xi32, #tpu.memory_space<vmem>> -> memref<1x128xi32, #tpu.memory_space<vmem>>
      %dma_start3A_47 = tpu.memref_squeeze %dma_start3A_46 : memref<1x128xi32, #tpu.memory_space<vmem>> -> memref<128xi32, #tpu.memory_space<vmem>>
      %dma_start3A_48 = arith.constant 0 : i32
      %dma_start3A_49 = arith.constant 0 : i32
      %dma_start3A_50 = tpu.memref_slice %arg2[%dma_start3A_48, %dma_start3A_49] : memref<1000000x64xf32, #tpu.memory_space<hbm>> -> memref<1000000x64xf32, #tpu.memory_space<hbm>>
      tpu.enqueue_indirect_dma source(%dma_start3A_50 : memref<1000000x64xf32, #tpu.memory_space<hbm>>) target(%dma_start3A_44 : memref<128x64xf32, #tpu.memory_space<vmem>>) offsets(%dma_start3A_47 : memref<128xi32, #tpu.memory_space<vmem>>) semaphore(%arg7 : memref<!tpu.dma_semaphore, #tpu.memory_space<semaphore_mem>>)
      %dma_wait3A = arith.constant 0 : i32
      %dma_wait3A_51 = arith.constant 0 : i32
      %dma_wait3A_52 = arith.constant 0 : i32
      %dma_wait3A_53 = tpu.memref_slice %arg6[%dma_wait3A_51, %dma_wait3A_52] : memref<512x64xf32, #tpu.memory_space<vmem>> -> memref<128x64xf32, #tpu.memory_space<vmem>>
      %dma_wait3A_54 = arith.constant 0 : i32
      %dma_wait3A_55 = tpu.memref_slice %arg5[%dma_wait3A, %dma_wait3A_54] : memref<4x128xi32, #tpu.memory_space<vmem>> -> memref<1x128xi32, #tpu.memory_space<vmem>>
      %dma_wait3A_56 = tpu.memref_squeeze %dma_wait3A_55 : memref<1x128xi32, #tpu.memory_space<vmem>> -> memref<128xi32, #tpu.memory_space<vmem>>
      %dma_wait3A_57 = arith.constant 0 : i32
      %dma_wait3A_58 = arith.constant 0 : i32
      %dma_wait3A_59 = tpu.memref_slice %arg2[%dma_wait3A_57, %dma_wait3A_58] : memref<1000000x64xf32, #tpu.memory_space<hbm>> -> memref<1000000x64xf32, #tpu.memory_space<hbm>>
      tpu.wait_indirect_dma semaphore(%arg7 : memref<!tpu.dma_semaphore, #tpu.memory_space<semaphore_mem>>) src(%dma_wait3A_59 : memref<1000000x64xf32, #tpu.memory_space<hbm>>) dst(%dma_wait3A_53 : memref<128x64xf32, #tpu.memory_space<vmem>>)
      %dma_wait3A_60 = arith.constant 1 : i32
      %dma_wait3A_61 = arith.constant 128 : i32
      %dma_wait3A_62 = arith.constant 0 : i32
      %dma_wait3A_63 = tpu.memref_slice %arg6[%dma_wait3A_61, %dma_wait3A_62] : memref<512x64xf32, #tpu.memory_space<vmem>> -> memref<128x64xf32, #tpu.memory_space<vmem>>
      %dma_wait3A_64 = arith.constant 0 : i32
      %dma_wait3A_65 = tpu.memref_slice %arg5[%dma_wait3A_60, %dma_wait3A_64] : memref<4x128xi32, #tpu.memory_space<vmem>> -> memref<1x128xi32, #tpu.memory_space<vmem>>
      %dma_wait3A_66 = tpu.memref_squeeze %dma_wait3A_65 : memref<1x128xi32, #tpu.memory_space<vmem>> -> memref<128xi32, #tpu.memory_space<vmem>>
      %dma_wait3A_67 = arith.constant 0 : i32
      %dma_wait3A_68 = arith.constant 0 : i32
      %dma_wait3A_69 = tpu.memref_slice %arg2[%dma_wait3A_67, %dma_wait3A_68] : memref<1000000x64xf32, #tpu.memory_space<hbm>> -> memref<1000000x64xf32, #tpu.memory_space<hbm>>
      tpu.wait_indirect_dma semaphore(%arg7 : memref<!tpu.dma_semaphore, #tpu.memory_space<semaphore_mem>>) src(%dma_wait3A_69 : memref<1000000x64xf32, #tpu.memory_space<hbm>>) dst(%dma_wait3A_63 : memref<128x64xf32, #tpu.memory_space<vmem>>)
      %dma_wait3A_70 = arith.constant 2 : i32
      %dma_wait3A_71 = arith.constant 256 : i32
      %dma_wait3A_72 = arith.constant 0 : i32
      %dma_wait3A_73 = tpu.memref_slice %arg6[%dma_wait3A_71, %dma_wait3A_72] : memref<512x64xf32, #tpu.memory_space<vmem>> -> memref<128x64xf32, #tpu.memory_space<vmem>>
      %dma_wait3A_74 = arith.constant 0 : i32
      %dma_wait3A_75 = tpu.memref_slice %arg5[%dma_wait3A_70, %dma_wait3A_74] : memref<4x128xi32, #tpu.memory_space<vmem>> -> memref<1x128xi32, #tpu.memory_space<vmem>>
      %dma_wait3A_76 = tpu.memref_squeeze %dma_wait3A_75 : memref<1x128xi32, #tpu.memory_space<vmem>> -> memref<128xi32, #tpu.memory_space<vmem>>
      %dma_wait3A_77 = arith.constant 0 : i32
      %dma_wait3A_78 = arith.constant 0 : i32
      %dma_wait3A_79 = tpu.memref_slice %arg2[%dma_wait3A_77, %dma_wait3A_78] : memref<1000000x64xf32, #tpu.memory_space<hbm>> -> memref<1000000x64xf32, #tpu.memory_space<hbm>>
      tpu.wait_indirect_dma semaphore(%arg7 : memref<!tpu.dma_semaphore, #tpu.memory_space<semaphore_mem>>) src(%dma_wait3A_79 : memref<1000000x64xf32, #tpu.memory_space<hbm>>) dst(%dma_wait3A_73 : memref<128x64xf32, #tpu.memory_space<vmem>>)
      %dma_wait3A_80 = arith.constant 3 : i32
      %dma_wait3A_81 = arith.constant 384 : i32
      %dma_wait3A_82 = arith.constant 0 : i32
      %dma_wait3A_83 = tpu.memref_slice %arg6[%dma_wait3A_81, %dma_wait3A_82] : memref<512x64xf32, #tpu.memory_space<vmem>> -> memref<128x64xf32, #tpu.memory_space<vmem>>
      %dma_wait3A_84 = arith.constant 0 : i32
      %dma_wait3A_85 = tpu.memref_slice %arg5[%dma_wait3A_80, %dma_wait3A_84] : memref<4x128xi32, #tpu.memory_space<vmem>> -> memref<1x128xi32, #tpu.memory_space<vmem>>
      %dma_wait3A_86 = tpu.memref_squeeze %dma_wait3A_85 : memref<1x128xi32, #tpu.memory_space<vmem>> -> memref<128xi32, #tpu.memory_space<vmem>>
      %dma_wait3A_87 = arith.constant 0 : i32
      %dma_wait3A_88 = arith.constant 0 : i32
      %dma_wait3A_89 = tpu.memref_slice %arg2[%dma_wait3A_87, %dma_wait3A_88] : memref<1000000x64xf32, #tpu.memory_space<hbm>> -> memref<1000000x64xf32, #tpu.memory_space<hbm>>
      tpu.wait_indirect_dma semaphore(%arg7 : memref<!tpu.dma_semaphore, #tpu.memory_space<semaphore_mem>>) src(%dma_wait3A_89 : memref<1000000x64xf32, #tpu.memory_space<hbm>>) dst(%dma_wait3A_83 : memref<128x64xf32, #tpu.memory_space<vmem>>)
      %mul3A_90 = arith.constant 128 : i32
      %mul3A_91 = arith.muli %mul3A_11, %mul3A_90 : i32
      %jit3A = arith.constant 2 : i32
      %div3A = arith.divsi %mul3A_91, %jit3A : i32
      %sign3A = arith.constant 0 : i32
      %sign3A_92 = arith.cmpi sgt, %mul3A_91, %sign3A : i32
      %sign3A_93 = arith.extui %sign3A_92 : i1 to i32
      %sign3A_94 = arith.constant 0 : i32
      %sign3A_95 = arith.cmpi slt, %mul3A_91, %sign3A_94 : i32
      %sign3A_96 = arith.extui %sign3A_95 : i1 to i32
      %sign3A_97 = arith.subi %sign3A_93, %sign3A_96 : i32
      %sign3A_98 = arith.constant 0 : i32
      %sign3A_99 = arith.cmpi sgt, %jit3A, %sign3A_98 : i32
      %sign3A_100 = arith.extui %sign3A_99 : i1 to i32
      %sign3A_101 = arith.constant 0 : i32
      %sign3A_102 = arith.cmpi slt, %jit3A, %sign3A_101 : i32
      %sign3A_103 = arith.extui %sign3A_102 : i1 to i32
      %sign3A_104 = arith.subi %sign3A_100, %sign3A_103 : i32
      %ne3A = arith.cmpi ne, %sign3A_97, %sign3A_104 : i32
      %rem3A = arith.remsi %mul3A_91, %jit3A : i32
      %ne3A_105 = arith.constant 0 : i32
      %ne3A_106 = arith.cmpi ne, %rem3A, %ne3A_105 : i32
      %and3A = arith.andi %ne3A, %ne3A_106 : i1
      %sub3A = arith.constant 1 : i32
      %sub3A_107 = arith.subi %div3A, %sub3A : i32
      %select_n3A = arith.select %and3A, %sub3A_107, %div3A : i32
      "tpu.region"() ({
        %run_scoped3A = tpu.sem_alloc : memref<!tpu.dma_semaphore, #tpu.memory_space<semaphore_mem>>
        %dma_start3A_108 = arith.constant 0 : i32
        %dma_start3A_109 = arith.constant 0 : i32
        %dma_start3A_110 = tpu.memref_slice %arg6[%dma_start3A_108, %dma_start3A_109] : memref<512x64xf32, #tpu.memory_space<vmem>> -> memref<256x64xf32, #tpu.memory_space<vmem>>
        %dma_start3A_111 = arith.constant 0 : i32
        %dma_start3A_112 = tpu.memref_slice %arg4[%select_n3A, %dma_start3A_111] : memref<81920x128xf32, #tpu.memory_space<hbm>> -> memref<256x64xf32, #tpu.memory_space<hbm>>
        %dma_start3A_113 = arith.constant 0 : i32
        %dma_start3A_114 = tpu.memref_slice %arg4[%select_n3A, %dma_start3A_113] : memref<81920x128xf32, #tpu.memory_space<hbm>> -> memref<256x64xf32, #tpu.memory_space<hbm>>
        %dma_start3A_115 = arith.constant 0 : i32
        %dma_start3A_116 = arith.constant 0 : i32
        %dma_start3A_117 = tpu.memref_slice %arg6[%dma_start3A_115, %dma_start3A_116] : memref<512x64xf32, #tpu.memory_space<vmem>> -> memref<256x64xf32, #tpu.memory_space<vmem>>
        tpu.enqueue_dma source(%dma_start3A_117 : memref<256x64xf32, #tpu.memory_space<vmem>>) target(%dma_start3A_114 : memref<256x64xf32, #tpu.memory_space<hbm>>) target_semaphore(%run_scoped3A : memref<!tpu.dma_semaphore, #tpu.memory_space<semaphore_mem>>)
        %dma_wait3A_118 = arith.constant 0 : i32
        %dma_wait3A_119 = arith.constant 0 : i32
        %dma_wait3A_120 = tpu.memref_slice %arg6[%dma_wait3A_118, %dma_wait3A_119] : memref<512x64xf32, #tpu.memory_space<vmem>> -> memref<256x64xf32, #tpu.memory_space<vmem>>
        %dma_wait3A_121 = arith.constant 0 : i32
        %dma_wait3A_122 = tpu.memref_slice %arg4[%select_n3A, %dma_wait3A_121] : memref<81920x128xf32, #tpu.memory_space<hbm>> -> memref<256x64xf32, #tpu.memory_space<hbm>>
        %dma_wait3A_123 = arith.constant 0 : i32
        %dma_wait3A_124 = tpu.memref_slice %arg4[%select_n3A, %dma_wait3A_123] : memref<81920x128xf32, #tpu.memory_space<hbm>> -> memref<256x64xf32, #tpu.memory_space<hbm>>
        %dma_wait3A_125 = arith.constant 0 : i32
        %dma_wait3A_126 = arith.constant 0 : i32
        %dma_wait3A_127 = tpu.memref_slice %arg6[%dma_wait3A_125, %dma_wait3A_126] : memref<512x64xf32, #tpu.memory_space<vmem>> -> memref<256x64xf32, #tpu.memory_space<vmem>>
        tpu.wait_dma2 semaphore(%run_scoped3A : memref<!tpu.dma_semaphore, #tpu.memory_space<semaphore_mem>>) src(%dma_wait3A_127 : memref<256x64xf32, #tpu.memory_space<vmem>>) dst(%dma_wait3A_124 : memref<256x64xf32, #tpu.memory_space<hbm>>)
        tpu.yield
      }) : () -> ()
      "tpu.region"() ({
        %run_scoped3A = tpu.sem_alloc : memref<!tpu.dma_semaphore, #tpu.memory_space<semaphore_mem>>
        %dma_start3A_108 = arith.constant 256 : i32
        %dma_start3A_109 = arith.constant 0 : i32
        %dma_start3A_110 = tpu.memref_slice %arg6[%dma_start3A_108, %dma_start3A_109] : memref<512x64xf32, #tpu.memory_space<vmem>> -> memref<256x64xf32, #tpu.memory_space<vmem>>
        %dma_start3A_111 = arith.constant 64 : i32
        %dma_start3A_112 = tpu.memref_slice %arg4[%select_n3A, %dma_start3A_111] : memref<81920x128xf32, #tpu.memory_space<hbm>> -> memref<256x64xf32, #tpu.memory_space<hbm>>
        %dma_start3A_113 = arith.constant 64 : i32
        %dma_start3A_114 = tpu.memref_slice %arg4[%select_n3A, %dma_start3A_113] : memref<81920x128xf32, #tpu.memory_space<hbm>> -> memref<256x64xf32, #tpu.memory_space<hbm>>
        %dma_start3A_115 = arith.constant 256 : i32
        %dma_start3A_116 = arith.constant 0 : i32
        %dma_start3A_117 = tpu.memref_slice %arg6[%dma_start3A_115, %dma_start3A_116] : memref<512x64xf32, #tpu.memory_space<vmem>> -> memref<256x64xf32, #tpu.memory_space<vmem>>
        tpu.enqueue_dma source(%dma_start3A_117 : memref<256x64xf32, #tpu.memory_space<vmem>>) target(%dma_start3A_114 : memref<256x64xf32, #tpu.memory_space<hbm>>) target_semaphore(%run_scoped3A : memref<!tpu.dma_semaphore, #tpu.memory_space<semaphore_mem>>)
        %dma_wait3A_118 = arith.constant 256 : i32
        %dma_wait3A_119 = arith.constant 0 : i32
        %dma_wait3A_120 = tpu.memref_slice %arg6[%dma_wait3A_118, %dma_wait3A_119] : memref<512x64xf32, #tpu.memory_space<vmem>> -> memref<256x64xf32, #tpu.memory_space<vmem>>
        %dma_wait3A_121 = arith.constant 64 : i32
        %dma_wait3A_122 = tpu.memref_slice %arg4[%select_n3A, %dma_wait3A_121] : memref<81920x128xf32, #tpu.memory_space<hbm>> -> memref<256x64xf32, #tpu.memory_space<hbm>>
        %dma_wait3A_123 = arith.constant 64 : i32
        %dma_wait3A_124 = tpu.memref_slice %arg4[%select_n3A, %dma_wait3A_123] : memref<81920x128xf32, #tpu.memory_space<hbm>> -> memref<256x64xf32, #tpu.memory_space<hbm>>
        %dma_wait3A_125 = arith.constant 256 : i32
        %dma_wait3A_126 = arith.constant 0 : i32
        %dma_wait3A_127 = tpu.memref_slice %arg6[%dma_wait3A_125, %dma_wait3A_126] : memref<512x64xf32, #tpu.memory_space<vmem>> -> memref<256x64xf32, #tpu.memory_space<vmem>>
        tpu.wait_dma2 semaphore(%run_scoped3A : memref<!tpu.dma_semaphore, #tpu.memory_space<semaphore_mem>>) src(%dma_wait3A_127 : memref<256x64xf32, #tpu.memory_space<vmem>>) dst(%dma_wait3A_124 : memref<256x64xf32, #tpu.memory_space<hbm>>)
        tpu.yield
      }) : () -> ()
    }
    %scan3A_5 = arith.constant 10 : i32
    return
  }
}

module attributes {stable_mosaic.version = 14 : i64} {
  func.func @_dense_t_body(%arg0: i32, %arg1: memref<4096x128xf32, #tpu.memory_space<vmem>>, %arg2: memref<128x20xf32, #tpu.memory_space<vmem>>, %arg3: memref<128x128xf32, #tpu.memory_space<vmem>>, %arg4: memref<128x1xf32, #tpu.memory_space<vmem>>, %arg5: memref<128x1xf32, #tpu.memory_space<vmem>>, %arg6: memref<128x1xf32, #tpu.memory_space<vmem>>, %arg7: memref<2x64x4096xf32, #tpu.memory_space<vmem>>) attributes {dimension_semantics = [#tpu.dimension_semantics<arbitrary>], iteration_bounds = array<i64: 20>, scalar_prefetch = 0 : i64, scratch_operands = 0 : i64, tpu.core_type = #tpu.core_type<tc>, window_params = [{transform_indices = @transform_0, window_bounds = array<i64: 4096, 128>}, {pipeline_mode = #tpu.pipeline_mode<synchronous>, transform_indices = @transform_1, window_bounds = array<i64: 128, 20>}, {pipeline_mode = #tpu.pipeline_mode<synchronous>, transform_indices = @transform_2, window_bounds = array<i64: 128, 128>}, {pipeline_mode = #tpu.pipeline_mode<synchronous>, transform_indices = @transform_3, window_bounds = array<i64: 128, 1>}, {pipeline_mode = #tpu.pipeline_mode<synchronous>, transform_indices = @transform_4, window_bounds = array<i64: 128, 1>}, {pipeline_mode = #tpu.pipeline_mode<synchronous>, transform_indices = @transform_5, window_bounds = array<i64: 128, 1>}, {transform_indices = @transform_6, window_bounds = array<i64: 2, 64, 4096>}]} {
    %get3A = arith.constant 0 : index
    %get3A_0 = arith.constant 0 : index
    %get3A_1 = vector.load %arg1[%get3A, %get3A_0] : memref<4096x128xf32, #tpu.memory_space<vmem>>, vector<4096x128xf32>
    %get3A_2 = arith.constant 0 : index
    %get3A_3 = arith.constant 0 : index
    %get3A_4 = vector.load %arg3[%get3A_2, %get3A_3] : memref<128x128xf32, #tpu.memory_space<vmem>>, vector<128x128xf32>
    %dot_general3A = arith.constant dense<0.000000e+00> : vector<128x4096xf32>
    %dot_general3A_5 = tpu.matmul %get3A_4, %get3A_1, %dot_general3A {dimension_numbers = #tpu.dot_dimension_numbers<[1], [1], [0], [0], [0, 0, 1, 0], [], []>, transpose_lhs_hint = false} : vector<128x128xf32>, vector<4096x128xf32>, vector<128x4096xf32> -> vector<128x4096xf32>
    %get3A_6 = arith.constant 0 : index
    %get3A_7 = arith.constant 0 : index
    %get3A_8 = vector.load %arg2[%get3A_6, %get3A_7] : memref<128x20xf32, #tpu.memory_space<vmem>>, vector<128x20xf32>
    %dot_general3A_9 = arith.constant dense<0.000000e+00> : vector<128x20xf32>
    %dot_general3A_10 = tpu.matmul %get3A_4, %get3A_8, %dot_general3A_9 {dimension_numbers = #tpu.dot_dimension_numbers<[1], [0], [0], [1], [0, 0, 1, 1], [], []>, transpose_lhs_hint = false} : vector<128x128xf32>, vector<128x20xf32>, vector<128x20xf32> -> vector<128x20xf32>
    %iota3A = tpu.iota {dimensions = array<i32: 1>} : vector<128x20xi32>
    %eq3A = vector.broadcast %arg0 : i32 to vector<128x20xi32>
    %eq3A_11 = arith.cmpi eq, %iota3A, %eq3A : vector<128x20xi32>
    %convert_element_type3A = arith.extui %eq3A_11 : vector<128x20xi1> to vector<128x20xi32>
    %convert_element_type3A_12 = arith.sitofp %convert_element_type3A : vector<128x20xi32> to vector<128x20xf32>
    %mul3A = arith.mulf %dot_general3A_10, %convert_element_type3A_12 : vector<128x20xf32>
    %reduce_sum3A = arith.constant dense<0.000000e+00> : vector<128xf32>
    %reduce_sum3A_13 = vector.multi_reduction <add>, %mul3A, %reduce_sum3A [1] : vector<128x20xf32> to vector<128xf32>
    %broadcast_in_dim3A = vector.shape_cast %reduce_sum3A_13 : vector<128xf32> to vector<128x1xf32>
    %add3A = vector.broadcast %broadcast_in_dim3A : vector<128x1xf32> to vector<128x4096xf32>
    %add3A_14 = arith.addf %dot_general3A_5, %add3A : vector<128x4096xf32>
    %get3A_15 = arith.constant 0 : index
    %get3A_16 = arith.constant 0 : index
    %get3A_17 = vector.load %arg4[%get3A_15, %get3A_16] : memref<128x1xf32, #tpu.memory_space<vmem>>, vector<128x1xf32>
    %add3A_18 = vector.broadcast %get3A_17 : vector<128x1xf32> to vector<128x4096xf32>
    %add3A_19 = arith.addf %add3A_14, %add3A_18 : vector<128x4096xf32>
    %reshape3A = vector.shape_cast %add3A_19 : vector<128x4096xf32> to vector<2x64x4096xf32>
    %reduce_sum3A_20 = arith.constant dense<0.000000e+00> : vector<2x4096xf32>
    %reduce_sum3A_21 = vector.multi_reduction <add>, %reshape3A, %reduce_sum3A_20 [1] : vector<2x64x4096xf32> to vector<2x4096xf32>
    %broadcast_in_dim3A_22 = vector.shape_cast %reduce_sum3A_21 : vector<2x4096xf32> to vector<2x1x4096xf32>
    %div3A = arith.constant 6.400000e+01 : f32
    %div3A_23 = vector.broadcast %div3A : f32 to vector<2x1x4096xf32>
    %div3A_24 = arith.divf %broadcast_in_dim3A_22, %div3A_23 : vector<2x1x4096xf32>
    %sub3A = vector.broadcast %div3A_24 : vector<2x1x4096xf32> to vector<2x64x4096xf32>
    %sub3A_25 = arith.subf %reshape3A, %sub3A : vector<2x64x4096xf32>
    %mul3A_26 = arith.mulf %sub3A_25, %sub3A_25 : vector<2x64x4096xf32>
    %reduce_sum3A_27 = arith.constant dense<0.000000e+00> : vector<2x4096xf32>
    %reduce_sum3A_28 = vector.multi_reduction <add>, %mul3A_26, %reduce_sum3A_27 [1] : vector<2x64x4096xf32> to vector<2x4096xf32>
    %broadcast_in_dim3A_29 = vector.shape_cast %reduce_sum3A_28 : vector<2x4096xf32> to vector<2x1x4096xf32>
    %div3A_30 = arith.constant 6.400000e+01 : f32
    %div3A_31 = vector.broadcast %div3A_30 : f32 to vector<2x1x4096xf32>
    %div3A_32 = arith.divf %broadcast_in_dim3A_29, %div3A_31 : vector<2x1x4096xf32>
    %add3A_33 = arith.constant 9.99999974E-6 : f32
    %add3A_34 = vector.broadcast %add3A_33 : f32 to vector<2x1x4096xf32>
    %add3A_35 = arith.addf %div3A_32, %add3A_34 : vector<2x1x4096xf32>
    %rsqrt3A = math.rsqrt %add3A_35 : vector<2x1x4096xf32>
    %mul3A_36 = vector.broadcast %rsqrt3A : vector<2x1x4096xf32> to vector<2x64x4096xf32>
    %mul3A_37 = arith.mulf %sub3A_25, %mul3A_36 : vector<2x64x4096xf32>
    %reshape3A_38 = vector.shape_cast %mul3A_37 : vector<2x64x4096xf32> to vector<128x4096xf32>
    %get3A_39 = arith.constant 0 : index
    %get3A_40 = arith.constant 0 : index
    %get3A_41 = vector.load %arg5[%get3A_39, %get3A_40] : memref<128x1xf32, #tpu.memory_space<vmem>>, vector<128x1xf32>
    %mul3A_42 = vector.broadcast %get3A_41 : vector<128x1xf32> to vector<128x4096xf32>
    %mul3A_43 = arith.mulf %reshape3A_38, %mul3A_42 : vector<128x4096xf32>
    %get3A_44 = arith.constant 0 : index
    %get3A_45 = arith.constant 0 : index
    %get3A_46 = vector.load %arg6[%get3A_44, %get3A_45] : memref<128x1xf32, #tpu.memory_space<vmem>>, vector<128x1xf32>
    %add3A_47 = vector.broadcast %get3A_46 : vector<128x1xf32> to vector<128x4096xf32>
    %add3A_48 = arith.addf %mul3A_43, %add3A_47 : vector<128x4096xf32>
    %logistic3A = arith.negf %add3A_48 : vector<128x4096xf32>
    %logistic3A_49 = math.exp %logistic3A : vector<128x4096xf32>
    %logistic3A_50 = arith.constant 1.000000e+00 : f32
    %logistic3A_51 = vector.broadcast %logistic3A_50 : f32 to vector<128x4096xf32>
    %logistic3A_52 = arith.addf %logistic3A_51, %logistic3A_49 : vector<128x4096xf32>
    %logistic3A_53 = arith.divf %logistic3A_51, %logistic3A_52 : vector<128x4096xf32>
    %mul3A_54 = arith.mulf %add3A_48, %logistic3A_53 : vector<128x4096xf32>
    %reshape3A_55 = vector.shape_cast %mul3A_54 : vector<128x4096xf32> to vector<2x64x4096xf32>
    %swap3A = arith.constant 0 : index
    %swap3A_56 = arith.constant 0 : index
    %swap3A_57 = arith.constant 0 : index
    %swap3A_58 = vector.load %arg7[%swap3A, %swap3A_56, %swap3A_57] : memref<2x64x4096xf32, #tpu.memory_space<vmem>>, vector<2x64x4096xf32>
    tpu.vector_store %arg7[%swap3A, %swap3A_56, %swap3A_57], %reshape3A_55 {strides = array<i32>} : memref<2x64x4096xf32, #tpu.memory_space<vmem>>, vector<2x64x4096xf32>,
    return
  }
  func.func @transform_0(%arg0: i32) -> (i32, i32) {
    %c0_i32 = arith.constant 0 : i32
    %c0_i32_0 = arith.constant 0 : i32
    return %arg0, %c0_i32 : i32, i32
  }
  func.func @transform_1(%arg0: i32) -> (i32, i32) {
    %c0_i32 = arith.constant 0 : i32
    %c0_i32_0 = arith.constant 0 : i32
    %c0_i32_1 = arith.constant 0 : i32
    return %c0_i32, %c0_i32_0 : i32, i32
  }
  func.func @transform_2(%arg0: i32) -> (i32, i32) {
    %c0_i32 = arith.constant 0 : i32
    %c0_i32_0 = arith.constant 0 : i32
    %c0_i32_1 = arith.constant 0 : i32
    return %c0_i32, %c0_i32_0 : i32, i32
  }
  func.func @transform_3(%arg0: i32) -> (i32, i32) {
    %c0_i32 = arith.constant 0 : i32
    %c0_i32_0 = arith.constant 0 : i32
    %c0_i32_1 = arith.constant 0 : i32
    return %c0_i32, %c0_i32_0 : i32, i32
  }
  func.func @transform_4(%arg0: i32) -> (i32, i32) {
    %c0_i32 = arith.constant 0 : i32
    %c0_i32_0 = arith.constant 0 : i32
    %c0_i32_1 = arith.constant 0 : i32
    return %c0_i32, %c0_i32_0 : i32, i32
  }
  func.func @transform_5(%arg0: i32) -> (i32, i32) {
    %c0_i32 = arith.constant 0 : i32
    %c0_i32_0 = arith.constant 0 : i32
    %c0_i32_1 = arith.constant 0 : i32
    return %c0_i32, %c0_i32_0 : i32, i32
  }
  func.func @transform_6(%arg0: i32) -> (i32, i32, i32) {
    %add3A = arith.constant 0 : i32
    %add3A_0 = arith.addi %add3A, %arg0 : i32
    %c0_i32 = arith.constant 0 : i32
    %c0_i32_1 = arith.constant 0 : i32
    %c0_i32_2 = arith.constant 0 : i32
    return %add3A_0, %c0_i32, %c0_i32_1 : i32, i32, i32
  }
}

module attributes {stable_mosaic.version = 14 : i64} {
  func.func @_dense_t_body_c(%arg0: i32, %arg1: memref<4096x128xf32, #tpu.memory_space<vmem>>, %arg2: memref<128x20xf32, #tpu.memory_space<vmem>>, %arg3: memref<128x128xf32, #tpu.memory_space<vmem>>, %arg4: memref<128x1xf32, #tpu.memory_space<vmem>>, %arg5: memref<128x1xf32, #tpu.memory_space<vmem>>, %arg6: memref<128x1xf32, #tpu.memory_space<vmem>>, %arg7: memref<200x64x4096xf32, #tpu.memory_space<any>>, %arg8: memref<2x64x4096xf32, #tpu.memory_space<vmem>>) attributes {dimension_semantics = [#tpu.dimension_semantics<arbitrary>], iteration_bounds = array<i64: 20>, scalar_prefetch = 0 : i64, scratch_operands = 0 : i64, tpu.core_type = #tpu.core_type<tc>, window_params = [{transform_indices = @transform_0, window_bounds = array<i64: 4096, 128>}, {pipeline_mode = #tpu.pipeline_mode<synchronous>, transform_indices = @transform_1, window_bounds = array<i64: 128, 20>}, {pipeline_mode = #tpu.pipeline_mode<synchronous>, transform_indices = @transform_2, window_bounds = array<i64: 128, 128>}, {pipeline_mode = #tpu.pipeline_mode<synchronous>, transform_indices = @transform_3, window_bounds = array<i64: 128, 1>}, {pipeline_mode = #tpu.pipeline_mode<synchronous>, transform_indices = @transform_4, window_bounds = array<i64: 128, 1>}, {pipeline_mode = #tpu.pipeline_mode<synchronous>, transform_indices = @transform_5, window_bounds = array<i64: 128, 1>}, {}, {transform_indices = @transform_7, window_bounds = array<i64: 2, 64, 4096>}]} {
    %get3A = arith.constant 0 : index
    %get3A_0 = arith.constant 0 : index
    %get3A_1 = vector.load %arg1[%get3A, %get3A_0] : memref<4096x128xf32, #tpu.memory_space<vmem>>, vector<4096x128xf32>
    %get3A_2 = arith.constant 0 : index
    %get3A_3 = arith.constant 0 : index
    %get3A_4 = vector.load %arg3[%get3A_2, %get3A_3] : memref<128x128xf32, #tpu.memory_space<vmem>>, vector<128x128xf32>
    %dot_general3A = arith.constant dense<0.000000e+00> : vector<128x4096xf32>
    %dot_general3A_5 = tpu.matmul %get3A_4, %get3A_1, %dot_general3A {dimension_numbers = #tpu.dot_dimension_numbers<[1], [1], [0], [0], [0, 0, 1, 0], [], []>, transpose_lhs_hint = false} : vector<128x128xf32>, vector<4096x128xf32>, vector<128x4096xf32> -> vector<128x4096xf32>
    %get3A_6 = arith.constant 0 : index
    %get3A_7 = arith.constant 0 : index
    %get3A_8 = vector.load %arg2[%get3A_6, %get3A_7] : memref<128x20xf32, #tpu.memory_space<vmem>>, vector<128x20xf32>
    %dot_general3A_9 = arith.constant dense<0.000000e+00> : vector<128x20xf32>
    %dot_general3A_10 = tpu.matmul %get3A_4, %get3A_8, %dot_general3A_9 {dimension_numbers = #tpu.dot_dimension_numbers<[1], [0], [0], [1], [0, 0, 1, 1], [], []>, transpose_lhs_hint = false} : vector<128x128xf32>, vector<128x20xf32>, vector<128x20xf32> -> vector<128x20xf32>
    %iota3A = tpu.iota {dimensions = array<i32: 1>} : vector<128x20xi32>
    %eq3A = vector.broadcast %arg0 : i32 to vector<128x20xi32>
    %eq3A_11 = arith.cmpi eq, %iota3A, %eq3A : vector<128x20xi32>
    %convert_element_type3A = arith.extui %eq3A_11 : vector<128x20xi1> to vector<128x20xi32>
    %convert_element_type3A_12 = arith.sitofp %convert_element_type3A : vector<128x20xi32> to vector<128x20xf32>
    %mul3A = arith.mulf %dot_general3A_10, %convert_element_type3A_12 : vector<128x20xf32>
    %reduce_sum3A = arith.constant dense<0.000000e+00> : vector<128xf32>
    %reduce_sum3A_13 = vector.multi_reduction <add>, %mul3A, %reduce_sum3A [1] : vector<128x20xf32> to vector<128xf32>
    %broadcast_in_dim3A = vector.shape_cast %reduce_sum3A_13 : vector<128xf32> to vector<128x1xf32>
    %add3A = vector.broadcast %broadcast_in_dim3A : vector<128x1xf32> to vector<128x4096xf32>
    %add3A_14 = arith.addf %dot_general3A_5, %add3A : vector<128x4096xf32>
    %get3A_15 = arith.constant 0 : index
    %get3A_16 = arith.constant 0 : index
    %get3A_17 = vector.load %arg4[%get3A_15, %get3A_16] : memref<128x1xf32, #tpu.memory_space<vmem>>, vector<128x1xf32>
    %add3A_18 = vector.broadcast %get3A_17 : vector<128x1xf32> to vector<128x4096xf32>
    %add3A_19 = arith.addf %add3A_14, %add3A_18 : vector<128x4096xf32>
    %reshape3A = vector.shape_cast %add3A_19 : vector<128x4096xf32> to vector<2x64x4096xf32>
    %reduce_sum3A_20 = arith.constant dense<0.000000e+00> : vector<2x4096xf32>
    %reduce_sum3A_21 = vector.multi_reduction <add>, %reshape3A, %reduce_sum3A_20 [1] : vector<2x64x4096xf32> to vector<2x4096xf32>
    %broadcast_in_dim3A_22 = vector.shape_cast %reduce_sum3A_21 : vector<2x4096xf32> to vector<2x1x4096xf32>
    %div3A = arith.constant 6.400000e+01 : f32
    %div3A_23 = vector.broadcast %div3A : f32 to vector<2x1x4096xf32>
    %div3A_24 = arith.divf %broadcast_in_dim3A_22, %div3A_23 : vector<2x1x4096xf32>
    %sub3A = vector.broadcast %div3A_24 : vector<2x1x4096xf32> to vector<2x64x4096xf32>
    %sub3A_25 = arith.subf %reshape3A, %sub3A : vector<2x64x4096xf32>
    %mul3A_26 = arith.mulf %sub3A_25, %sub3A_25 : vector<2x64x4096xf32>
    %reduce_sum3A_27 = arith.constant dense<0.000000e+00> : vector<2x4096xf32>
    %reduce_sum3A_28 = vector.multi_reduction <add>, %mul3A_26, %reduce_sum3A_27 [1] : vector<2x64x4096xf32> to vector<2x4096xf32>
    %broadcast_in_dim3A_29 = vector.shape_cast %reduce_sum3A_28 : vector<2x4096xf32> to vector<2x1x4096xf32>
    %div3A_30 = arith.constant 6.400000e+01 : f32
    %div3A_31 = vector.broadcast %div3A_30 : f32 to vector<2x1x4096xf32>
    %div3A_32 = arith.divf %broadcast_in_dim3A_29, %div3A_31 : vector<2x1x4096xf32>
    %add3A_33 = arith.constant 9.99999974E-6 : f32
    %add3A_34 = vector.broadcast %add3A_33 : f32 to vector<2x1x4096xf32>
    %add3A_35 = arith.addf %div3A_32, %add3A_34 : vector<2x1x4096xf32>
    %rsqrt3A = math.rsqrt %add3A_35 : vector<2x1x4096xf32>
    %mul3A_36 = vector.broadcast %rsqrt3A : vector<2x1x4096xf32> to vector<2x64x4096xf32>
    %mul3A_37 = arith.mulf %sub3A_25, %mul3A_36 : vector<2x64x4096xf32>
    %reshape3A_38 = vector.shape_cast %mul3A_37 : vector<2x64x4096xf32> to vector<128x4096xf32>
    %get3A_39 = arith.constant 0 : index
    %get3A_40 = arith.constant 0 : index
    %get3A_41 = vector.load %arg5[%get3A_39, %get3A_40] : memref<128x1xf32, #tpu.memory_space<vmem>>, vector<128x1xf32>
    %mul3A_42 = vector.broadcast %get3A_41 : vector<128x1xf32> to vector<128x4096xf32>
    %mul3A_43 = arith.mulf %reshape3A_38, %mul3A_42 : vector<128x4096xf32>
    %get3A_44 = arith.constant 0 : index
    %get3A_45 = arith.constant 0 : index
    %get3A_46 = vector.load %arg6[%get3A_44, %get3A_45] : memref<128x1xf32, #tpu.memory_space<vmem>>, vector<128x1xf32>
    %add3A_47 = vector.broadcast %get3A_46 : vector<128x1xf32> to vector<128x4096xf32>
    %add3A_48 = arith.addf %mul3A_43, %add3A_47 : vector<128x4096xf32>
    %logistic3A = arith.negf %add3A_48 : vector<128x4096xf32>
    %logistic3A_49 = math.exp %logistic3A : vector<128x4096xf32>
    %logistic3A_50 = arith.constant 1.000000e+00 : f32
    %logistic3A_51 = vector.broadcast %logistic3A_50 : f32 to vector<128x4096xf32>
    %logistic3A_52 = arith.addf %logistic3A_51, %logistic3A_49 : vector<128x4096xf32>
    %logistic3A_53 = arith.divf %logistic3A_51, %logistic3A_52 : vector<128x4096xf32>
    %mul3A_54 = arith.mulf %add3A_48, %logistic3A_53 : vector<128x4096xf32>
    %reshape3A_55 = vector.shape_cast %mul3A_54 : vector<128x4096xf32> to vector<2x64x4096xf32>
    %swap3A = arith.constant 0 : index
    %swap3A_56 = arith.constant 0 : index
    %swap3A_57 = arith.constant 0 : index
    %swap3A_58 = vector.load %arg8[%swap3A, %swap3A_56, %swap3A_57] : memref<2x64x4096xf32, #tpu.memory_space<vmem>>, vector<2x64x4096xf32>
    tpu.vector_store %arg8[%swap3A, %swap3A_56, %swap3A_57], %reshape3A_55 {strides = array<i32>} : memref<2x64x4096xf32, #tpu.memory_space<vmem>>, vector<2x64x4096xf32>,
    return
  }
  func.func @transform_0(%arg0: i32) -> (i32, i32) {
    %c0_i32 = arith.constant 0 : i32
    %c0_i32_0 = arith.constant 0 : i32
    return %arg0, %c0_i32 : i32, i32
  }
  func.func @transform_1(%arg0: i32) -> (i32, i32) {
    %c0_i32 = arith.constant 0 : i32
    %c0_i32_0 = arith.constant 0 : i32
    %c0_i32_1 = arith.constant 0 : i32
    return %c0_i32, %c0_i32_0 : i32, i32
  }
  func.func @transform_2(%arg0: i32) -> (i32, i32) {
    %c0_i32 = arith.constant 0 : i32
    %c0_i32_0 = arith.constant 0 : i32
    %c0_i32_1 = arith.constant 0 : i32
    return %c0_i32, %c0_i32_0 : i32, i32
  }
  func.func @transform_3(%arg0: i32) -> (i32, i32) {
    %c0_i32 = arith.constant 0 : i32
    %c0_i32_0 = arith.constant 0 : i32
    %c0_i32_1 = arith.constant 0 : i32
    return %c0_i32, %c0_i32_0 : i32, i32
  }
  func.func @transform_4(%arg0: i32) -> (i32, i32) {
    %c0_i32 = arith.constant 0 : i32
    %c0_i32_0 = arith.constant 0 : i32
    %c0_i32_1 = arith.constant 0 : i32
    return %c0_i32, %c0_i32_0 : i32, i32
  }
  func.func @transform_5(%arg0: i32) -> (i32, i32) {
    %c0_i32 = arith.constant 0 : i32
    %c0_i32_0 = arith.constant 0 : i32
    %c0_i32_1 = arith.constant 0 : i32
    return %c0_i32, %c0_i32_0 : i32, i32
  }
  func.func @transform_7(%arg0: i32) -> (i32, i32, i32) {
    %add3A = arith.constant 20 : i32
    %add3A_0 = arith.addi %add3A, %arg0 : i32
    %c0_i32 = arith.constant 0 : i32
    %c0_i32_1 = arith.constant 0 : i32
    %c0_i32_2 = arith.constant 0 : i32
    return %add3A_0, %c0_i32, %c0_i32_1 : i32, i32, i32
  }
}

module attributes {stable_mosaic.version = 14 : i64} {
  func.func @_dense_t_body_c(%arg0: i32, %arg1: memref<4096x128xf32, #tpu.memory_space<vmem>>, %arg2: memref<128x20xf32, #tpu.memory_space<vmem>>, %arg3: memref<128x128xf32, #tpu.memory_space<vmem>>, %arg4: memref<128x1xf32, #tpu.memory_space<vmem>>, %arg5: memref<128x1xf32, #tpu.memory_space<vmem>>, %arg6: memref<128x1xf32, #tpu.memory_space<vmem>>, %arg7: memref<200x64x4096xf32, #tpu.memory_space<any>>, %arg8: memref<2x64x4096xf32, #tpu.memory_space<vmem>>) attributes {dimension_semantics = [#tpu.dimension_semantics<arbitrary>], iteration_bounds = array<i64: 20>, scalar_prefetch = 0 : i64, scratch_operands = 0 : i64, tpu.core_type = #tpu.core_type<tc>, window_params = [{transform_indices = @transform_0, window_bounds = array<i64: 4096, 128>}, {pipeline_mode = #tpu.pipeline_mode<synchronous>, transform_indices = @transform_1, window_bounds = array<i64: 128, 20>}, {pipeline_mode = #tpu.pipeline_mode<synchronous>, transform_indices = @transform_2, window_bounds = array<i64: 128, 128>}, {pipeline_mode = #tpu.pipeline_mode<synchronous>, transform_indices = @transform_3, window_bounds = array<i64: 128, 1>}, {pipeline_mode = #tpu.pipeline_mode<synchronous>, transform_indices = @transform_4, window_bounds = array<i64: 128, 1>}, {pipeline_mode = #tpu.pipeline_mode<synchronous>, transform_indices = @transform_5, window_bounds = array<i64: 128, 1>}, {}, {transform_indices = @transform_7, window_bounds = array<i64: 2, 64, 4096>}]} {
    %get3A = arith.constant 0 : index
    %get3A_0 = arith.constant 0 : index
    %get3A_1 = vector.load %arg1[%get3A, %get3A_0] : memref<4096x128xf32, #tpu.memory_space<vmem>>, vector<4096x128xf32>
    %get3A_2 = arith.constant 0 : index
    %get3A_3 = arith.constant 0 : index
    %get3A_4 = vector.load %arg3[%get3A_2, %get3A_3] : memref<128x128xf32, #tpu.memory_space<vmem>>, vector<128x128xf32>
    %dot_general3A = arith.constant dense<0.000000e+00> : vector<128x4096xf32>
    %dot_general3A_5 = tpu.matmul %get3A_4, %get3A_1, %dot_general3A {dimension_numbers = #tpu.dot_dimension_numbers<[1], [1], [0], [0], [0, 0, 1, 0], [], []>, transpose_lhs_hint = false} : vector<128x128xf32>, vector<4096x128xf32>, vector<128x4096xf32> -> vector<128x4096xf32>
    %get3A_6 = arith.constant 0 : index
    %get3A_7 = arith.constant 0 : index
    %get3A_8 = vector.load %arg2[%get3A_6, %get3A_7] : memref<128x20xf32, #tpu.memory_space<vmem>>, vector<128x20xf32>
    %dot_general3A_9 = arith.constant dense<0.000000e+00> : vector<128x20xf32>
    %dot_general3A_10 = tpu.matmul %get3A_4, %get3A_8, %dot_general3A_9 {dimension_numbers = #tpu.dot_dimension_numbers<[1], [0], [0], [1], [0, 0, 1, 1], [], []>, transpose_lhs_hint = false} : vector<128x128xf32>, vector<128x20xf32>, vector<128x20xf32> -> vector<128x20xf32>
    %iota3A = tpu.iota {dimensions = array<i32: 1>} : vector<128x20xi32>
    %eq3A = vector.broadcast %arg0 : i32 to vector<128x20xi32>
    %eq3A_11 = arith.cmpi eq, %iota3A, %eq3A : vector<128x20xi32>
    %convert_element_type3A = arith.extui %eq3A_11 : vector<128x20xi1> to vector<128x20xi32>
    %convert_element_type3A_12 = arith.sitofp %convert_element_type3A : vector<128x20xi32> to vector<128x20xf32>
    %mul3A = arith.mulf %dot_general3A_10, %convert_element_type3A_12 : vector<128x20xf32>
    %reduce_sum3A = arith.constant dense<0.000000e+00> : vector<128xf32>
    %reduce_sum3A_13 = vector.multi_reduction <add>, %mul3A, %reduce_sum3A [1] : vector<128x20xf32> to vector<128xf32>
    %broadcast_in_dim3A = vector.shape_cast %reduce_sum3A_13 : vector<128xf32> to vector<128x1xf32>
    %add3A = vector.broadcast %broadcast_in_dim3A : vector<128x1xf32> to vector<128x4096xf32>
    %add3A_14 = arith.addf %dot_general3A_5, %add3A : vector<128x4096xf32>
    %get3A_15 = arith.constant 0 : index
    %get3A_16 = arith.constant 0 : index
    %get3A_17 = vector.load %arg4[%get3A_15, %get3A_16] : memref<128x1xf32, #tpu.memory_space<vmem>>, vector<128x1xf32>
    %add3A_18 = vector.broadcast %get3A_17 : vector<128x1xf32> to vector<128x4096xf32>
    %add3A_19 = arith.addf %add3A_14, %add3A_18 : vector<128x4096xf32>
    %reshape3A = vector.shape_cast %add3A_19 : vector<128x4096xf32> to vector<2x64x4096xf32>
    %reduce_sum3A_20 = arith.constant dense<0.000000e+00> : vector<2x4096xf32>
    %reduce_sum3A_21 = vector.multi_reduction <add>, %reshape3A, %reduce_sum3A_20 [1] : vector<2x64x4096xf32> to vector<2x4096xf32>
    %broadcast_in_dim3A_22 = vector.shape_cast %reduce_sum3A_21 : vector<2x4096xf32> to vector<2x1x4096xf32>
    %div3A = arith.constant 6.400000e+01 : f32
    %div3A_23 = vector.broadcast %div3A : f32 to vector<2x1x4096xf32>
    %div3A_24 = arith.divf %broadcast_in_dim3A_22, %div3A_23 : vector<2x1x4096xf32>
    %sub3A = vector.broadcast %div3A_24 : vector<2x1x4096xf32> to vector<2x64x4096xf32>
    %sub3A_25 = arith.subf %reshape3A, %sub3A : vector<2x64x4096xf32>
    %mul3A_26 = arith.mulf %sub3A_25, %sub3A_25 : vector<2x64x4096xf32>
    %reduce_sum3A_27 = arith.constant dense<0.000000e+00> : vector<2x4096xf32>
    %reduce_sum3A_28 = vector.multi_reduction <add>, %mul3A_26, %reduce_sum3A_27 [1] : vector<2x64x4096xf32> to vector<2x4096xf32>
    %broadcast_in_dim3A_29 = vector.shape_cast %reduce_sum3A_28 : vector<2x4096xf32> to vector<2x1x4096xf32>
    %div3A_30 = arith.constant 6.400000e+01 : f32
    %div3A_31 = vector.broadcast %div3A_30 : f32 to vector<2x1x4096xf32>
    %div3A_32 = arith.divf %broadcast_in_dim3A_29, %div3A_31 : vector<2x1x4096xf32>
    %add3A_33 = arith.constant 9.99999974E-6 : f32
    %add3A_34 = vector.broadcast %add3A_33 : f32 to vector<2x1x4096xf32>
    %add3A_35 = arith.addf %div3A_32, %add3A_34 : vector<2x1x4096xf32>
    %rsqrt3A = math.rsqrt %add3A_35 : vector<2x1x4096xf32>
    %mul3A_36 = vector.broadcast %rsqrt3A : vector<2x1x4096xf32> to vector<2x64x4096xf32>
    %mul3A_37 = arith.mulf %sub3A_25, %mul3A_36 : vector<2x64x4096xf32>
    %reshape3A_38 = vector.shape_cast %mul3A_37 : vector<2x64x4096xf32> to vector<128x4096xf32>
    %get3A_39 = arith.constant 0 : index
    %get3A_40 = arith.constant 0 : index
    %get3A_41 = vector.load %arg5[%get3A_39, %get3A_40] : memref<128x1xf32, #tpu.memory_space<vmem>>, vector<128x1xf32>
    %mul3A_42 = vector.broadcast %get3A_41 : vector<128x1xf32> to vector<128x4096xf32>
    %mul3A_43 = arith.mulf %reshape3A_38, %mul3A_42 : vector<128x4096xf32>
    %get3A_44 = arith.constant 0 : index
    %get3A_45 = arith.constant 0 : index
    %get3A_46 = vector.load %arg6[%get3A_44, %get3A_45] : memref<128x1xf32, #tpu.memory_space<vmem>>, vector<128x1xf32>
    %add3A_47 = vector.broadcast %get3A_46 : vector<128x1xf32> to vector<128x4096xf32>
    %add3A_48 = arith.addf %mul3A_43, %add3A_47 : vector<128x4096xf32>
    %logistic3A = arith.negf %add3A_48 : vector<128x4096xf32>
    %logistic3A_49 = math.exp %logistic3A : vector<128x4096xf32>
    %logistic3A_50 = arith.constant 1.000000e+00 : f32
    %logistic3A_51 = vector.broadcast %logistic3A_50 : f32 to vector<128x4096xf32>
    %logistic3A_52 = arith.addf %logistic3A_51, %logistic3A_49 : vector<128x4096xf32>
    %logistic3A_53 = arith.divf %logistic3A_51, %logistic3A_52 : vector<128x4096xf32>
    %mul3A_54 = arith.mulf %add3A_48, %logistic3A_53 : vector<128x4096xf32>
    %reshape3A_55 = vector.shape_cast %mul3A_54 : vector<128x4096xf32> to vector<2x64x4096xf32>
    %swap3A = arith.constant 0 : index
    %swap3A_56 = arith.constant 0 : index
    %swap3A_57 = arith.constant 0 : index
    %swap3A_58 = vector.load %arg8[%swap3A, %swap3A_56, %swap3A_57] : memref<2x64x4096xf32, #tpu.memory_space<vmem>>, vector<2x64x4096xf32>
    tpu.vector_store %arg8[%swap3A, %swap3A_56, %swap3A_57], %reshape3A_55 {strides = array<i32>} : memref<2x64x4096xf32, #tpu.memory_space<vmem>>, vector<2x64x4096xf32>,
    return
  }
  func.func @transform_0(%arg0: i32) -> (i32, i32) {
    %c0_i32 = arith.constant 0 : i32
    %c0_i32_0 = arith.constant 0 : i32
    return %arg0, %c0_i32 : i32, i32
  }
  func.func @transform_1(%arg0: i32) -> (i32, i32) {
    %c0_i32 = arith.constant 0 : i32
    %c0_i32_0 = arith.constant 0 : i32
    %c0_i32_1 = arith.constant 0 : i32
    return %c0_i32, %c0_i32_0 : i32, i32
  }
  func.func @transform_2(%arg0: i32) -> (i32, i32) {
    %c0_i32 = arith.constant 0 : i32
    %c0_i32_0 = arith.constant 0 : i32
    %c0_i32_1 = arith.constant 0 : i32
    return %c0_i32, %c0_i32_0 : i32, i32
  }
  func.func @transform_3(%arg0: i32) -> (i32, i32) {
    %c0_i32 = arith.constant 0 : i32
    %c0_i32_0 = arith.constant 0 : i32
    %c0_i32_1 = arith.constant 0 : i32
    return %c0_i32, %c0_i32_0 : i32, i32
  }
  func.func @transform_4(%arg0: i32) -> (i32, i32) {
    %c0_i32 = arith.constant 0 : i32
    %c0_i32_0 = arith.constant 0 : i32
    %c0_i32_1 = arith.constant 0 : i32
    return %c0_i32, %c0_i32_0 : i32, i32
  }
  func.func @transform_5(%arg0: i32) -> (i32, i32) {
    %c0_i32 = arith.constant 0 : i32
    %c0_i32_0 = arith.constant 0 : i32
    %c0_i32_1 = arith.constant 0 : i32
    return %c0_i32, %c0_i32_0 : i32, i32
  }
  func.func @transform_7(%arg0: i32) -> (i32, i32, i32) {
    %add3A = arith.constant 40 : i32
    %add3A_0 = arith.addi %add3A, %arg0 : i32
    %c0_i32 = arith.constant 0 : i32
    %c0_i32_1 = arith.constant 0 : i32
    %c0_i32_2 = arith.constant 0 : i32
    return %add3A_0, %c0_i32, %c0_i32_1 : i32, i32, i32
  }
}

module attributes {stable_mosaic.version = 14 : i64} {
  func.func @_dense_t_body_c(%arg0: i32, %arg1: memref<4096x128xf32, #tpu.memory_space<vmem>>, %arg2: memref<128x20xf32, #tpu.memory_space<vmem>>, %arg3: memref<128x128xf32, #tpu.memory_space<vmem>>, %arg4: memref<128x1xf32, #tpu.memory_space<vmem>>, %arg5: memref<128x1xf32, #tpu.memory_space<vmem>>, %arg6: memref<128x1xf32, #tpu.memory_space<vmem>>, %arg7: memref<200x64x4096xf32, #tpu.memory_space<any>>, %arg8: memref<2x64x4096xf32, #tpu.memory_space<vmem>>) attributes {dimension_semantics = [#tpu.dimension_semantics<arbitrary>], iteration_bounds = array<i64: 20>, scalar_prefetch = 0 : i64, scratch_operands = 0 : i64, tpu.core_type = #tpu.core_type<tc>, window_params = [{transform_indices = @transform_0, window_bounds = array<i64: 4096, 128>}, {pipeline_mode = #tpu.pipeline_mode<synchronous>, transform_indices = @transform_1, window_bounds = array<i64: 128, 20>}, {pipeline_mode = #tpu.pipeline_mode<synchronous>, transform_indices = @transform_2, window_bounds = array<i64: 128, 128>}, {pipeline_mode = #tpu.pipeline_mode<synchronous>, transform_indices = @transform_3, window_bounds = array<i64: 128, 1>}, {pipeline_mode = #tpu.pipeline_mode<synchronous>, transform_indices = @transform_4, window_bounds = array<i64: 128, 1>}, {pipeline_mode = #tpu.pipeline_mode<synchronous>, transform_indices = @transform_5, window_bounds = array<i64: 128, 1>}, {}, {transform_indices = @transform_7, window_bounds = array<i64: 2, 64, 4096>}]} {
    %get3A = arith.constant 0 : index
    %get3A_0 = arith.constant 0 : index
    %get3A_1 = vector.load %arg1[%get3A, %get3A_0] : memref<4096x128xf32, #tpu.memory_space<vmem>>, vector<4096x128xf32>
    %get3A_2 = arith.constant 0 : index
    %get3A_3 = arith.constant 0 : index
    %get3A_4 = vector.load %arg3[%get3A_2, %get3A_3] : memref<128x128xf32, #tpu.memory_space<vmem>>, vector<128x128xf32>
    %dot_general3A = arith.constant dense<0.000000e+00> : vector<128x4096xf32>
    %dot_general3A_5 = tpu.matmul %get3A_4, %get3A_1, %dot_general3A {dimension_numbers = #tpu.dot_dimension_numbers<[1], [1], [0], [0], [0, 0, 1, 0], [], []>, transpose_lhs_hint = false} : vector<128x128xf32>, vector<4096x128xf32>, vector<128x4096xf32> -> vector<128x4096xf32>
    %get3A_6 = arith.constant 0 : index
    %get3A_7 = arith.constant 0 : index
    %get3A_8 = vector.load %arg2[%get3A_6, %get3A_7] : memref<128x20xf32, #tpu.memory_space<vmem>>, vector<128x20xf32>
    %dot_general3A_9 = arith.constant dense<0.000000e+00> : vector<128x20xf32>
    %dot_general3A_10 = tpu.matmul %get3A_4, %get3A_8, %dot_general3A_9 {dimension_numbers = #tpu.dot_dimension_numbers<[1], [0], [0], [1], [0, 0, 1, 1], [], []>, transpose_lhs_hint = false} : vector<128x128xf32>, vector<128x20xf32>, vector<128x20xf32> -> vector<128x20xf32>
    %iota3A = tpu.iota {dimensions = array<i32: 1>} : vector<128x20xi32>
    %eq3A = vector.broadcast %arg0 : i32 to vector<128x20xi32>
    %eq3A_11 = arith.cmpi eq, %iota3A, %eq3A : vector<128x20xi32>
    %convert_element_type3A = arith.extui %eq3A_11 : vector<128x20xi1> to vector<128x20xi32>
    %convert_element_type3A_12 = arith.sitofp %convert_element_type3A : vector<128x20xi32> to vector<128x20xf32>
    %mul3A = arith.mulf %dot_general3A_10, %convert_element_type3A_12 : vector<128x20xf32>
    %reduce_sum3A = arith.constant dense<0.000000e+00> : vector<128xf32>
    %reduce_sum3A_13 = vector.multi_reduction <add>, %mul3A, %reduce_sum3A [1] : vector<128x20xf32> to vector<128xf32>
    %broadcast_in_dim3A = vector.shape_cast %reduce_sum3A_13 : vector<128xf32> to vector<128x1xf32>
    %add3A = vector.broadcast %broadcast_in_dim3A : vector<128x1xf32> to vector<128x4096xf32>
    %add3A_14 = arith.addf %dot_general3A_5, %add3A : vector<128x4096xf32>
    %get3A_15 = arith.constant 0 : index
    %get3A_16 = arith.constant 0 : index
    %get3A_17 = vector.load %arg4[%get3A_15, %get3A_16] : memref<128x1xf32, #tpu.memory_space<vmem>>, vector<128x1xf32>
    %add3A_18 = vector.broadcast %get3A_17 : vector<128x1xf32> to vector<128x4096xf32>
    %add3A_19 = arith.addf %add3A_14, %add3A_18 : vector<128x4096xf32>
    %reshape3A = vector.shape_cast %add3A_19 : vector<128x4096xf32> to vector<2x64x4096xf32>
    %reduce_sum3A_20 = arith.constant dense<0.000000e+00> : vector<2x4096xf32>
    %reduce_sum3A_21 = vector.multi_reduction <add>, %reshape3A, %reduce_sum3A_20 [1] : vector<2x64x4096xf32> to vector<2x4096xf32>
    %broadcast_in_dim3A_22 = vector.shape_cast %reduce_sum3A_21 : vector<2x4096xf32> to vector<2x1x4096xf32>
    %div3A = arith.constant 6.400000e+01 : f32
    %div3A_23 = vector.broadcast %div3A : f32 to vector<2x1x4096xf32>
    %div3A_24 = arith.divf %broadcast_in_dim3A_22, %div3A_23 : vector<2x1x4096xf32>
    %sub3A = vector.broadcast %div3A_24 : vector<2x1x4096xf32> to vector<2x64x4096xf32>
    %sub3A_25 = arith.subf %reshape3A, %sub3A : vector<2x64x4096xf32>
    %mul3A_26 = arith.mulf %sub3A_25, %sub3A_25 : vector<2x64x4096xf32>
    %reduce_sum3A_27 = arith.constant dense<0.000000e+00> : vector<2x4096xf32>
    %reduce_sum3A_28 = vector.multi_reduction <add>, %mul3A_26, %reduce_sum3A_27 [1] : vector<2x64x4096xf32> to vector<2x4096xf32>
    %broadcast_in_dim3A_29 = vector.shape_cast %reduce_sum3A_28 : vector<2x4096xf32> to vector<2x1x4096xf32>
    %div3A_30 = arith.constant 6.400000e+01 : f32
    %div3A_31 = vector.broadcast %div3A_30 : f32 to vector<2x1x4096xf32>
    %div3A_32 = arith.divf %broadcast_in_dim3A_29, %div3A_31 : vector<2x1x4096xf32>
    %add3A_33 = arith.constant 9.99999974E-6 : f32
    %add3A_34 = vector.broadcast %add3A_33 : f32 to vector<2x1x4096xf32>
    %add3A_35 = arith.addf %div3A_32, %add3A_34 : vector<2x1x4096xf32>
    %rsqrt3A = math.rsqrt %add3A_35 : vector<2x1x4096xf32>
    %mul3A_36 = vector.broadcast %rsqrt3A : vector<2x1x4096xf32> to vector<2x64x4096xf32>
    %mul3A_37 = arith.mulf %sub3A_25, %mul3A_36 : vector<2x64x4096xf32>
    %reshape3A_38 = vector.shape_cast %mul3A_37 : vector<2x64x4096xf32> to vector<128x4096xf32>
    %get3A_39 = arith.constant 0 : index
    %get3A_40 = arith.constant 0 : index
    %get3A_41 = vector.load %arg5[%get3A_39, %get3A_40] : memref<128x1xf32, #tpu.memory_space<vmem>>, vector<128x1xf32>
    %mul3A_42 = vector.broadcast %get3A_41 : vector<128x1xf32> to vector<128x4096xf32>
    %mul3A_43 = arith.mulf %reshape3A_38, %mul3A_42 : vector<128x4096xf32>
    %get3A_44 = arith.constant 0 : index
    %get3A_45 = arith.constant 0 : index
    %get3A_46 = vector.load %arg6[%get3A_44, %get3A_45] : memref<128x1xf32, #tpu.memory_space<vmem>>, vector<128x1xf32>
    %add3A_47 = vector.broadcast %get3A_46 : vector<128x1xf32> to vector<128x4096xf32>
    %add3A_48 = arith.addf %mul3A_43, %add3A_47 : vector<128x4096xf32>
    %logistic3A = arith.negf %add3A_48 : vector<128x4096xf32>
    %logistic3A_49 = math.exp %logistic3A : vector<128x4096xf32>
    %logistic3A_50 = arith.constant 1.000000e+00 : f32
    %logistic3A_51 = vector.broadcast %logistic3A_50 : f32 to vector<128x4096xf32>
    %logistic3A_52 = arith.addf %logistic3A_51, %logistic3A_49 : vector<128x4096xf32>
    %logistic3A_53 = arith.divf %logistic3A_51, %logistic3A_52 : vector<128x4096xf32>
    %mul3A_54 = arith.mulf %add3A_48, %logistic3A_53 : vector<128x4096xf32>
    %reshape3A_55 = vector.shape_cast %mul3A_54 : vector<128x4096xf32> to vector<2x64x4096xf32>
    %swap3A = arith.constant 0 : index
    %swap3A_56 = arith.constant 0 : index
    %swap3A_57 = arith.constant 0 : index
    %swap3A_58 = vector.load %arg8[%swap3A, %swap3A_56, %swap3A_57] : memref<2x64x4096xf32, #tpu.memory_space<vmem>>, vector<2x64x4096xf32>
    tpu.vector_store %arg8[%swap3A, %swap3A_56, %swap3A_57], %reshape3A_55 {strides = array<i32>} : memref<2x64x4096xf32, #tpu.memory_space<vmem>>, vector<2x64x4096xf32>,
    return
  }
  func.func @transform_0(%arg0: i32) -> (i32, i32) {
    %c0_i32 = arith.constant 0 : i32
    %c0_i32_0 = arith.constant 0 : i32
    return %arg0, %c0_i32 : i32, i32
  }
  func.func @transform_1(%arg0: i32) -> (i32, i32) {
    %c0_i32 = arith.constant 0 : i32
    %c0_i32_0 = arith.constant 0 : i32
    %c0_i32_1 = arith.constant 0 : i32
    return %c0_i32, %c0_i32_0 : i32, i32
  }
  func.func @transform_2(%arg0: i32) -> (i32, i32) {
    %c0_i32 = arith.constant 0 : i32
    %c0_i32_0 = arith.constant 0 : i32
    %c0_i32_1 = arith.constant 0 : i32
    return %c0_i32, %c0_i32_0 : i32, i32
  }
  func.func @transform_3(%arg0: i32) -> (i32, i32) {
    %c0_i32 = arith.constant 0 : i32
    %c0_i32_0 = arith.constant 0 : i32
    %c0_i32_1 = arith.constant 0 : i32
    return %c0_i32, %c0_i32_0 : i32, i32
  }
  func.func @transform_4(%arg0: i32) -> (i32, i32) {
    %c0_i32 = arith.constant 0 : i32
    %c0_i32_0 = arith.constant 0 : i32
    %c0_i32_1 = arith.constant 0 : i32
    return %c0_i32, %c0_i32_0 : i32, i32
  }
  func.func @transform_5(%arg0: i32) -> (i32, i32) {
    %c0_i32 = arith.constant 0 : i32
    %c0_i32_0 = arith.constant 0 : i32
    %c0_i32_1 = arith.constant 0 : i32
    return %c0_i32, %c0_i32_0 : i32, i32
  }
  func.func @transform_7(%arg0: i32) -> (i32, i32, i32) {
    %add3A = arith.constant 60 : i32
    %add3A_0 = arith.addi %add3A, %arg0 : i32
    %c0_i32 = arith.constant 0 : i32
    %c0_i32_1 = arith.constant 0 : i32
    %c0_i32_2 = arith.constant 0 : i32
    return %add3A_0, %c0_i32, %c0_i32_1 : i32, i32, i32
  }
}

module attributes {stable_mosaic.version = 14 : i64} {
  func.func @_dense_t_body_c(%arg0: i32, %arg1: memref<4096x128xf32, #tpu.memory_space<vmem>>, %arg2: memref<128x20xf32, #tpu.memory_space<vmem>>, %arg3: memref<128x128xf32, #tpu.memory_space<vmem>>, %arg4: memref<128x1xf32, #tpu.memory_space<vmem>>, %arg5: memref<128x1xf32, #tpu.memory_space<vmem>>, %arg6: memref<128x1xf32, #tpu.memory_space<vmem>>, %arg7: memref<200x64x4096xf32, #tpu.memory_space<any>>, %arg8: memref<2x64x4096xf32, #tpu.memory_space<vmem>>) attributes {dimension_semantics = [#tpu.dimension_semantics<arbitrary>], iteration_bounds = array<i64: 20>, scalar_prefetch = 0 : i64, scratch_operands = 0 : i64, tpu.core_type = #tpu.core_type<tc>, window_params = [{transform_indices = @transform_0, window_bounds = array<i64: 4096, 128>}, {pipeline_mode = #tpu.pipeline_mode<synchronous>, transform_indices = @transform_1, window_bounds = array<i64: 128, 20>}, {pipeline_mode = #tpu.pipeline_mode<synchronous>, transform_indices = @transform_2, window_bounds = array<i64: 128, 128>}, {pipeline_mode = #tpu.pipeline_mode<synchronous>, transform_indices = @transform_3, window_bounds = array<i64: 128, 1>}, {pipeline_mode = #tpu.pipeline_mode<synchronous>, transform_indices = @transform_4, window_bounds = array<i64: 128, 1>}, {pipeline_mode = #tpu.pipeline_mode<synchronous>, transform_indices = @transform_5, window_bounds = array<i64: 128, 1>}, {}, {transform_indices = @transform_7, window_bounds = array<i64: 2, 64, 4096>}]} {
    %get3A = arith.constant 0 : index
    %get3A_0 = arith.constant 0 : index
    %get3A_1 = vector.load %arg1[%get3A, %get3A_0] : memref<4096x128xf32, #tpu.memory_space<vmem>>, vector<4096x128xf32>
    %get3A_2 = arith.constant 0 : index
    %get3A_3 = arith.constant 0 : index
    %get3A_4 = vector.load %arg3[%get3A_2, %get3A_3] : memref<128x128xf32, #tpu.memory_space<vmem>>, vector<128x128xf32>
    %dot_general3A = arith.constant dense<0.000000e+00> : vector<128x4096xf32>
    %dot_general3A_5 = tpu.matmul %get3A_4, %get3A_1, %dot_general3A {dimension_numbers = #tpu.dot_dimension_numbers<[1], [1], [0], [0], [0, 0, 1, 0], [], []>, transpose_lhs_hint = false} : vector<128x128xf32>, vector<4096x128xf32>, vector<128x4096xf32> -> vector<128x4096xf32>
    %get3A_6 = arith.constant 0 : index
    %get3A_7 = arith.constant 0 : index
    %get3A_8 = vector.load %arg2[%get3A_6, %get3A_7] : memref<128x20xf32, #tpu.memory_space<vmem>>, vector<128x20xf32>
    %dot_general3A_9 = arith.constant dense<0.000000e+00> : vector<128x20xf32>
    %dot_general3A_10 = tpu.matmul %get3A_4, %get3A_8, %dot_general3A_9 {dimension_numbers = #tpu.dot_dimension_numbers<[1], [0], [0], [1], [0, 0, 1, 1], [], []>, transpose_lhs_hint = false} : vector<128x128xf32>, vector<128x20xf32>, vector<128x20xf32> -> vector<128x20xf32>
    %iota3A = tpu.iota {dimensions = array<i32: 1>} : vector<128x20xi32>
    %eq3A = vector.broadcast %arg0 : i32 to vector<128x20xi32>
    %eq3A_11 = arith.cmpi eq, %iota3A, %eq3A : vector<128x20xi32>
    %convert_element_type3A = arith.extui %eq3A_11 : vector<128x20xi1> to vector<128x20xi32>
    %convert_element_type3A_12 = arith.sitofp %convert_element_type3A : vector<128x20xi32> to vector<128x20xf32>
    %mul3A = arith.mulf %dot_general3A_10, %convert_element_type3A_12 : vector<128x20xf32>
    %reduce_sum3A = arith.constant dense<0.000000e+00> : vector<128xf32>
    %reduce_sum3A_13 = vector.multi_reduction <add>, %mul3A, %reduce_sum3A [1] : vector<128x20xf32> to vector<128xf32>
    %broadcast_in_dim3A = vector.shape_cast %reduce_sum3A_13 : vector<128xf32> to vector<128x1xf32>
    %add3A = vector.broadcast %broadcast_in_dim3A : vector<128x1xf32> to vector<128x4096xf32>
    %add3A_14 = arith.addf %dot_general3A_5, %add3A : vector<128x4096xf32>
    %get3A_15 = arith.constant 0 : index
    %get3A_16 = arith.constant 0 : index
    %get3A_17 = vector.load %arg4[%get3A_15, %get3A_16] : memref<128x1xf32, #tpu.memory_space<vmem>>, vector<128x1xf32>
    %add3A_18 = vector.broadcast %get3A_17 : vector<128x1xf32> to vector<128x4096xf32>
    %add3A_19 = arith.addf %add3A_14, %add3A_18 : vector<128x4096xf32>
    %reshape3A = vector.shape_cast %add3A_19 : vector<128x4096xf32> to vector<2x64x4096xf32>
    %reduce_sum3A_20 = arith.constant dense<0.000000e+00> : vector<2x4096xf32>
    %reduce_sum3A_21 = vector.multi_reduction <add>, %reshape3A, %reduce_sum3A_20 [1] : vector<2x64x4096xf32> to vector<2x4096xf32>
    %broadcast_in_dim3A_22 = vector.shape_cast %reduce_sum3A_21 : vector<2x4096xf32> to vector<2x1x4096xf32>
    %div3A = arith.constant 6.400000e+01 : f32
    %div3A_23 = vector.broadcast %div3A : f32 to vector<2x1x4096xf32>
    %div3A_24 = arith.divf %broadcast_in_dim3A_22, %div3A_23 : vector<2x1x4096xf32>
    %sub3A = vector.broadcast %div3A_24 : vector<2x1x4096xf32> to vector<2x64x4096xf32>
    %sub3A_25 = arith.subf %reshape3A, %sub3A : vector<2x64x4096xf32>
    %mul3A_26 = arith.mulf %sub3A_25, %sub3A_25 : vector<2x64x4096xf32>
    %reduce_sum3A_27 = arith.constant dense<0.000000e+00> : vector<2x4096xf32>
    %reduce_sum3A_28 = vector.multi_reduction <add>, %mul3A_26, %reduce_sum3A_27 [1] : vector<2x64x4096xf32> to vector<2x4096xf32>
    %broadcast_in_dim3A_29 = vector.shape_cast %reduce_sum3A_28 : vector<2x4096xf32> to vector<2x1x4096xf32>
    %div3A_30 = arith.constant 6.400000e+01 : f32
    %div3A_31 = vector.broadcast %div3A_30 : f32 to vector<2x1x4096xf32>
    %div3A_32 = arith.divf %broadcast_in_dim3A_29, %div3A_31 : vector<2x1x4096xf32>
    %add3A_33 = arith.constant 9.99999974E-6 : f32
    %add3A_34 = vector.broadcast %add3A_33 : f32 to vector<2x1x4096xf32>
    %add3A_35 = arith.addf %div3A_32, %add3A_34 : vector<2x1x4096xf32>
    %rsqrt3A = math.rsqrt %add3A_35 : vector<2x1x4096xf32>
    %mul3A_36 = vector.broadcast %rsqrt3A : vector<2x1x4096xf32> to vector<2x64x4096xf32>
    %mul3A_37 = arith.mulf %sub3A_25, %mul3A_36 : vector<2x64x4096xf32>
    %reshape3A_38 = vector.shape_cast %mul3A_37 : vector<2x64x4096xf32> to vector<128x4096xf32>
    %get3A_39 = arith.constant 0 : index
    %get3A_40 = arith.constant 0 : index
    %get3A_41 = vector.load %arg5[%get3A_39, %get3A_40] : memref<128x1xf32, #tpu.memory_space<vmem>>, vector<128x1xf32>
    %mul3A_42 = vector.broadcast %get3A_41 : vector<128x1xf32> to vector<128x4096xf32>
    %mul3A_43 = arith.mulf %reshape3A_38, %mul3A_42 : vector<128x4096xf32>
    %get3A_44 = arith.constant 0 : index
    %get3A_45 = arith.constant 0 : index
    %get3A_46 = vector.load %arg6[%get3A_44, %get3A_45] : memref<128x1xf32, #tpu.memory_space<vmem>>, vector<128x1xf32>
    %add3A_47 = vector.broadcast %get3A_46 : vector<128x1xf32> to vector<128x4096xf32>
    %add3A_48 = arith.addf %mul3A_43, %add3A_47 : vector<128x4096xf32>
    %logistic3A = arith.negf %add3A_48 : vector<128x4096xf32>
    %logistic3A_49 = math.exp %logistic3A : vector<128x4096xf32>
    %logistic3A_50 = arith.constant 1.000000e+00 : f32
    %logistic3A_51 = vector.broadcast %logistic3A_50 : f32 to vector<128x4096xf32>
    %logistic3A_52 = arith.addf %logistic3A_51, %logistic3A_49 : vector<128x4096xf32>
    %logistic3A_53 = arith.divf %logistic3A_51, %logistic3A_52 : vector<128x4096xf32>
    %mul3A_54 = arith.mulf %add3A_48, %logistic3A_53 : vector<128x4096xf32>
    %reshape3A_55 = vector.shape_cast %mul3A_54 : vector<128x4096xf32> to vector<2x64x4096xf32>
    %swap3A = arith.constant 0 : index
    %swap3A_56 = arith.constant 0 : index
    %swap3A_57 = arith.constant 0 : index
    %swap3A_58 = vector.load %arg8[%swap3A, %swap3A_56, %swap3A_57] : memref<2x64x4096xf32, #tpu.memory_space<vmem>>, vector<2x64x4096xf32>
    tpu.vector_store %arg8[%swap3A, %swap3A_56, %swap3A_57], %reshape3A_55 {strides = array<i32>} : memref<2x64x4096xf32, #tpu.memory_space<vmem>>, vector<2x64x4096xf32>,
    return
  }
  func.func @transform_0(%arg0: i32) -> (i32, i32) {
    %c0_i32 = arith.constant 0 : i32
    %c0_i32_0 = arith.constant 0 : i32
    return %arg0, %c0_i32 : i32, i32
  }
  func.func @transform_1(%arg0: i32) -> (i32, i32) {
    %c0_i32 = arith.constant 0 : i32
    %c0_i32_0 = arith.constant 0 : i32
    %c0_i32_1 = arith.constant 0 : i32
    return %c0_i32, %c0_i32_0 : i32, i32
  }
  func.func @transform_2(%arg0: i32) -> (i32, i32) {
    %c0_i32 = arith.constant 0 : i32
    %c0_i32_0 = arith.constant 0 : i32
    %c0_i32_1 = arith.constant 0 : i32
    return %c0_i32, %c0_i32_0 : i32, i32
  }
  func.func @transform_3(%arg0: i32) -> (i32, i32) {
    %c0_i32 = arith.constant 0 : i32
    %c0_i32_0 = arith.constant 0 : i32
    %c0_i32_1 = arith.constant 0 : i32
    return %c0_i32, %c0_i32_0 : i32, i32
  }
  func.func @transform_4(%arg0: i32) -> (i32, i32) {
    %c0_i32 = arith.constant 0 : i32
    %c0_i32_0 = arith.constant 0 : i32
    %c0_i32_1 = arith.constant 0 : i32
    return %c0_i32, %c0_i32_0 : i32, i32
  }
  func.func @transform_5(%arg0: i32) -> (i32, i32) {
    %c0_i32 = arith.constant 0 : i32
    %c0_i32_0 = arith.constant 0 : i32
    %c0_i32_1 = arith.constant 0 : i32
    return %c0_i32, %c0_i32_0 : i32, i32
  }
  func.func @transform_7(%arg0: i32) -> (i32, i32, i32) {
    %add3A = arith.constant 80 : i32
    %add3A_0 = arith.addi %add3A, %arg0 : i32
    %c0_i32 = arith.constant 0 : i32
    %c0_i32_1 = arith.constant 0 : i32
    %c0_i32_2 = arith.constant 0 : i32
    return %add3A_0, %c0_i32, %c0_i32_1 : i32, i32, i32
  }
}

</mosaic_0001>

<sc_bundles>
// kernel: kernel.12.cloned.1.call-start
scs
__scs_entry_jumppad:
0x0: {  	(pc) =	sbr.rel $0x88, $3  }
0x1: {  	(tag) =	ssettag $0x0;
	lr =	simm.s32 $0x1  }
0x2: {  	[smem:$0x3F9A] =	sst lr;
	_ =	strace $0xD0000000  }
0x3: {  	_ = 	snop  }
0x4: {  	_ = 	snop  }
0x5: {  	_ = 	snop  }
0x6: {  	_ = 	snop  }
0x7: {  	_ = 	snop  }
__scs_overlays_trampoline_lowered:
0x8: {  	[smem:$0x3FA9] =	sst s0  }
0x9: {  	[smem:$0x3FAA] =	sst s1  }
0xa: {  	[smem:$0x3FAB] =	sst s2  }
0xb: {  	[smem:$0x3FAC] =	sst s3  }
0xc: {  	[smem:$0x3FAD] =	sst s4  }
0xd: {  	[smem:$0x3FAE] =	sst s5  }
0xe: {  	[smem:$0x3FAF] =	sst s6  }
0xf: {  	[smem:$0x3FB0] =	sst s7  }
0x10: {  	[smem:$0x3FB1] =	sst s8  }
0x11: {  	[smem:$0x3FB2] =	sst s9;
	s0 =	simm.s32 @!p0 $0x0  }
0x12: {  	s1 =	sld [smem:$0x3F98];
	s0 =	simm.s32 @p0 $0x1  }
0x13: {  	[smem:$0x3FB3] =	sst s0;
	s0 =	simm.s32 @!p1 $0x0  }
0x14: {  	s2 =	sld [smem:$0x3F97];
	s0 =	simm.s32 @p1 $0x1  }
0x15: {  	[smem:$0x3FB4] =	sst s0;
	s0 =	simm.s32 @!p2 $0x0  }
0x16: {  	s3 =	sld [smem:$0x3FDB];
	s0 =	simm.s32 @p2 $0x1  }
0x17: {  	s4 =	simm.s32 $0x1BF5;
	[smem:$0x3FB6] =	sst s0  }
0x18: {  	s0 =	sld [smem:$0x3F99];
	_ =	swait.ge [sflag:s4], $0x0  }
0x19: {  	s7 =	sld [smem:$0x3F9A]  }
0x1a: {  	s8 =	sadd.s32 $0xFFFFE003, lr  }
0x1b: {  	s9 =	sadd.s32 $0xFFFFFEF7, lr;
	s5 =	simm.s32 $0xFFFFFFFF;
	p2 =	slt.u32 s8, $0xFFFFF086  }
0x1c: {  	p1 =	slt.u32 s9, $0xF7A;
	s5 =	simm.s32 @!p2 $0x0  }
0x1d: {  	s5 =	simm.s32 @p1 $0x1;
	p0 =	seq.s32 s7, s2  }
0x1e: {  	s7 =	smul.u32 @!p0 $0xF7A, s2;
	p2 =	seq.s32 @!p0 s5, $0x0  }
0x1f: {  	s9 =	smul.u32 $0xF7A, s1;
	s8 =	simm.s32 @!p0 $0x1BF5;
	p2 =	por !p2, p0  }
0x20: {  	[sflag:s8] =	ssyncset.s32 @!p0 $0xFFFFF086;
	s6 =	sadd.s32 @!p0 s3, s7;
	s7 =	simm.s32 @!p0 $0x108  }
0x21: {  	s3 =	sadd.s32 s3, s9;
	s6 =	sadd.s32 @!p0 $0x88, s6;
	s7 =	simm.s32 @p2 $0x1082  }
0x22: {  	[simem:s7], [sflag:s8] =	dma.local @!p0 [hbm:s6], $0xF7A  }
0x23: {  	s9 =	sor.u32 $0xD0000000, s2;
	s6 =	simm.s32 $0x108;
	_ =	swait.ge @!p0 [sflag:s8], $0x0  }
0x24: {  	s3 =	sadd.s32 $0x88, s3;
	s6 =	simm.s32 @!p1 $0x1082;
	[sflag:s4] =	ssyncset.s32 $0xFFFFF086  }
0x25: {  	[simem:s6], [sflag:s4] =	dma.local [hbm:s3], $0xF7A  }
0x26: {  	[smem:$0x3F9A] =	sst s1;
	(tag) =	ssettag s2;
	_ =	strace s9  }
0x27: {  	s1 =	sld [smem:$0x3FAA]  }
0x28: {  	s2 =	sld [smem:$0x3FAB]  }
0x29: {  	s4 =	sld [smem:$0x3FAD]  }
0x2a: {  	p0 =	seq.s32 s5, $0x0;
	s5 =	sld [smem:$0x3FAE]  }
0x2b: {  	s6 =	sld [smem:$0x3FAF]  }
0x2c: {  	s7 =	sld [smem:$0x3FB0]  }
0x2d: {  	s3 =	simm.s32 $0x108;
	s8 =	sld [smem:$0x3FB1]  }
0x2e: {  	s3 =	simm.s32 @!p0 $0x1082;
	s9 =	sld [smem:$0x3FB2]  }
0x2f: {  	lr =	sadd.s32 s0, s3;
	s0 =	sld [smem:$0x3FA9]  }
0x30: {  	s3 =	sld [smem:$0x3FAC]  }
0x31: {  	[smem:$0x3FB5] =	sst s10  }
0x32: {  	s10 =	sld [smem:$0x3FB3];
	_ =	sdelay $0x3  }
0x33: {  	p0 =	seq.s32 s10, $0x1;
	s10 =	sld [smem:$0x3FB5];
	_ =	sdelay $0x3  }
0x34: {  	[smem:$0x3FB5] =	sst s10  }
0x35: {  	s10 =	sld [smem:$0x3FB4];
	_ =	sdelay $0x3  }
0x36: {  	p1 =	seq.s32 s10, $0x1;
	s10 =	sld [smem:$0x3FB5];
	_ =	sdelay $0x3  }
0x37: {  	[smem:$0x3FB5] =	sst s10  }
0x38: {  	s10 =	sld [smem:$0x3FB6]  }
0x39: {  	_ = 	snop;
	(pc) =	sbr.ind lr, $3  }
0x3a: {  	_ = 	snop  }
0x3b: {  	_ = 	snop  }
0x3c: {  	p2 =	seq.s32 s10, $0x1;
	s10 =	sld [smem:$0x3FB5]  }
0x3d: {  	_ =	shalt  }
0x3e: {  	_ =	shalt  }
0x3f: {  	_ =	shalt  }
0x40: {  	_ =	shalt  }
0x41: {  	_ =	shalt  }
0x42: {  	_ =	shalt  }
0x43: {  	_ =	shalt  }
0x44: {  	_ =	shalt  }
0x45: {  	_ =	shalt  }
0x46: {  	_ =	shalt  }
0x47: {  	_ =	shalt  }
0x48: {  	_ =	shalt  }
0x49: {  	_ =	shalt  }
0x4a: {  	_ =	shalt  }
0x4b: {  	_ =	shalt  }
0x4c: {  	_ =	shalt  }
0x4d: {  	_ =	shalt  }
0x4e: {  	_ =	shalt  }
0x4f: {  	_ =	shalt  }
0x50: {  	_ =	shalt  }
0x51: {  	_ =	shalt  }
0x52: {  	_ =	shalt  }
0x53: {  	_ =	shalt  }
0x54: {  	_ =	shalt  }
0x55: {  	_ =	shalt  }
0x56: {  	_ =	shalt  }
0x57: {  	_ =	shalt  }
0x58: {  	_ =	shalt  }
0x59: {  	_ =	shalt  }
0x5a: {  	_ =	shalt  }
0x5b: {  	_ =	shalt  }
0x5c: {  	_ =	shalt  }
0x5d: {  	_ =	shalt  }
0x5e: {  	_ =	shalt  }
0x5f: {  	_ =	shalt  }
0x60: {  	_ =	shalt  }
0x61: {  	_ =	shalt  }
0x62: {  	_ =	shalt  }
0x63: {  	_ =	shalt  }
0x64: {  	_ =	shalt  }
0x65: {  	_ =	shalt  }
0x66: {  	_ =	shalt  }
0x67: {  	_ =	shalt  }
0x68: {  	_ =	shalt  }
0x69: {  	_ =	shalt  }
0x6a: {  	_ =	shalt  }
0x6b: {  	_ =	shalt  }
0x6c: {  	_ =	shalt  }
0x6d: {  	_ =	shalt  }
0x6e: {  	_ =	shalt  }
0x6f: {  	_ =	shalt  }
0x70: {  	_ =	shalt  }
0x71: {  	_ =	shalt  }
0x72: {  	_ =	shalt  }
0x73: {  	_ =	shalt  }
0x74: {  	_ =	shalt  }
0x75: {  	_ =	shalt  }
0x76: {  	_ =	shalt  }
0x77: {  	_ =	shalt  }
0x78: {  	_ =	shalt  }
0x79: {  	_ =	shalt  }
0x7a: {  	_ =	shalt  }
0x7b: {  	_ =	shalt  }
0x7c: {  	_ =	shalt  }
0x7d: {  	_ =	shalt  }
0x7e: {  	_ =	shalt  }
0x7f: {  	_ =	shalt  }
0x80: {  	_ =	shalt  }
0x81: {  	_ =	shalt  }
0x82: {  	_ =	shalt  }
0x83: {  	_ =	shalt  }
0x84: {  	_ =	shalt  }
0x85: {  	_ =	shalt  }
0x86: {  	_ =	shalt  }
0x87: {  	_ =	shalt  }
.Lfunc_end0:
.L_simem_size_0:
called_computation_lowered:
.L_overlay_start_0:
0x88: {  	s2 =	sld [smem:$0x3FD9]  }
0x89: {  	s3 =	sld [smem:$0x3FFE];
	_ =	sdelay $0x1  }
0x8a: {  	s1 =	srdreg.scid  }
0x8b: {  	s0 =	sand.u32 $0x1, s1  }
0x8c: {  	s16 =	sshll.u32 s0, $0xA;
	s2 =	sadd.s32 s3, s2  }
0x8d: {  	s2 =	sadd.s32 s2, s16  }
0x8e: {  	[smem:$0x3FC1] =	sst s2  }
0x8f: {  	_ = 	snop  }
0x90: {  	(tm) =	ssettm $0x1  }
0x91: {  	s17 =	sld [smem:$0x3FFB];
	_ =	sdelay $0x3  }
0x92: {  	_ =	strace s17  }
0x93: {  	s2 =	sld [smem:$0x3FFC];
	_ =	sdelay $0x3  }
0x94: {  	_ =	strace s2  }
0x95: {  	s2 =	sld [smem:$0x3FFD];
	_ =	sdelay $0x3  }
0x96: {  	_ =	strace s2  }
0x97: {  	_ =	strace $0x8FFFFFFF  }
0x98: {  	s18 =	sld [smem:$0x3FDB];
	_ =	sdelay $0x1  }
0x99: {  	s19 =	simm.s32 $_scs_section_size  }
0x9a: {  	s4 =	simm.s32 $_size__tile_overlayer_lowered;
	s5 =	simm.s32 $_tile_overlayer_lowered  }
0x9b: {  	s22 =	simm.s32 $0x1BFF;
	s21 =	sshll.u32 s5, $0x1;
	s2 =	sadd.s32 s19, s18  }
0x9c: {  	s6 =	simm.s32 $0x0;
	s20 =	sshll.u32 s4, $0x1;
	s4 =	sadd.s32 s21, s2  }
0x9d: {  	[timem:s6], [sflag:s22] =	dma.local [hbm:s4], s20  }
0x9e: {  	_ =	swait.ge [sflag:s22], s20  }
0x9f: {  	s3 =	ssub.s32 $0x0, s20;
	[sflag:s22] =	ssyncset.done $0x0  }
0xa0: {  	[sflag:s22] =	ssyncadd.s32 s3;
	_ =	sdelay $0x1  }
0xa1: {  	s23 =	simm.s32 $0x1B8B  }
0xa2: {  	_ =	swait.ge [sflag:s23], $0x1  }
0xa3: {  	[sflag:s23] =	ssyncset.done $0x0  }
0xa4: {  	s25 =	simm.s32 $0x1B8E;
	s24 =	sld [smem:$0x3FFE];
	[sflag:s23] =	ssyncadd.s32 $0xFFFFFFFF  }
0xa5: {  	s26 =	simm.s32 $execute0_lowered;
	[smem:$0x3FD2] =	sst s25  }
0xa6: {  	s4 =	sshll.u32 s26, $0x1;
	_ =	strace $0x80000046;
	[dreg:$0x1] =	wrdreg $0xFFFFFFFF  }
0xa7: {  	s28 =	simm.s32 $_size_execute0_lowered;
	s2 =	sadd.s32 s2, s4;
	[dreg:$0x0] =	wrdreg $0x0  }
0xa8: {  	s4 =	sshll.u32 s28, $0x1;
	[dreg:$0x2] =	wrdreg s2  }
0xa9: {  	[dreg:$0x3] =	wrdreg s4  }
0xaa: {  	[dreg:$0x4] =	wrdreg $0xC0  }
0xab: {  	_ =	task [dreg:s6], $0x5FFFF  }
0xac: {  	[dreg:$0x1] =	wrdreg $0xFFFFFFFF  }
0xad: {  	[dreg:$0x0] =	wrdreg $0x60  }
0xae: {  	[dreg:$0x2] =	wrdreg s24  }
0xaf: {  	[dreg:$0x3] =	wrdreg $0x9  }
0xb0: {  	_ =	task.clear_ibuf [dreg:s6], $0x4FFFF;
	_ =	strace $0x90000046  }
0xb1: {  	s29 =	simm.s32 $0x9;
	_ =	strace $0x80000048  }
0xb2: {  	_ =	swait.ge [sflag:s29], $0x1  }
0xb3: {  	[sflag:s29] =	ssyncadd.s32 $0xFFFFFFFF  }
0xb4: {  	_ =	strace $0x90000048  }
0xb5: {  	_ =	sfence  }
0xb6: {  	s30 =	sld [smem:$0x0];
	_ =	sdelay $0x2  }
0xb7: {  	s31 =	sshll.u32 s1, $0xD;
	s1 =	sshrl.u32 s1, $0x2  }
0xb8: {  	s3 =	sand.u32 $0x4000, s31;
	s1 =	sadd.s32 s1, s30  }
0xb9: {  	s0 =	sor.u32 s3, s0;
	s1 =	sshll.u32 s1, $0x11  }
0xba: {  	s0 =	sor.u32 s1, s0  }
0xbb: {  	s0 =	sadd.s32 $0x8F2B, s0  }
0xbc: {  	[sflag:s0] =	ssyncadd.remote.s32 $0x1  }
0xbd: {  	_ =	sfence.sel $0xFFFF  }
0xbe: {  	[dreg:$0x0] =	wrdreg $0xFFFFFFFF;
	(pc) =	sbr.abs _section_cstart, $3  }
0xbf: {  	[dreg:$0x1] =	wrdreg $0xFFFFFFFF  }
0xc0: {  	_ =	task.clear_ibuf [dreg:s6], $0x2FFFF;
	_ =	strace $0x9FFFFFFF  }
0xc1: {  	(tm) =	ssettm $0x7FFFFFFF  }
tec
execute0_lowered:
.L_overlay_start_1:
0x0: {  	(tag) =	ssettag $0x1  }
0x1: {  	s4 =	rddreg [dreg:$0x0]  }
0x2: {  	s0 =	rddreg [dreg:$0x1];
	s2 =	simm.s32 $0x0;
	s1 =	stileid.u32  }
0x3: {  	s3 =	srdreg.scid;
	s12 =	simm.s32 $0x4200;
	s13 =	simm.s32 $0x180  }
0x4: {  	s14 =	simm.s32 $0x6200;
	s15 =	simm.s32 $0x1;
	s16 =	simm.s32 $0x40  }
0x5: {  	s17 =	simm.s32 $0x0;
	[smem:$0x7FF] =	sst s2;
	s5 =	smul.u32 $0x500, s1  }
0x6: {  	s6 =	smul.u32 $0x14000, s1;
	s7 =	sand.u32 $0x1, s3;
	s3 =	sadd.s32 $0xF52A00, s4  }
0x7: {  	_ =	strace $0x80000047;
	s8 =	ssub.s32 $0x2, s7;
	s9 =	smul.u32 $0xA000, s7  }
0x8: {  	s7 =	smul.u32 $0x280, s7;
	s6 =	sadd.s32 s6, s4;
	s10 =	sshrl.u32 s8, $0x1  }
0x9: {  	s11 =	sadd.s32 s5, s4;
	s29 =	ssub.s32 s8, s10;
	s30 =	sadd.s32 s9, s6  }
0xa: {  	s31 =	sadd.s32 s7, s11;
	s7 =	simm.s32 $0x2;
	s8 =	simm.s32 $0x80  }
0xb: {  	s9 =	simm.s32 $0x200;
	s10 =	simm.s32 $0x2200;
	s11 =	simm.s32 $0x100  }
0xc: {  	s4 =	smax.u32 s29, $0x1;
	s5 =	sadd.s32 $0x14E08, s30;
	s6 =	sadd.s32 $0xFE00, s31  }
.LBB2_1:
0xd: {  	s18 =	sadd.s32 $0x0, s6  }
0xe: {  	[tilespmem:s2], [sflag:$0x2] =	stream.linear.gather [hbm4b:s18+s2], $0x200, $0x38;
	[tilespmem:$0x8200] =	vst v63  }
0xf: {  	_ =	swait.ge [sflag:s7], $0x200  }
0x10: {  	[sflag:s7] =	ssyncset.done $0x0  }
0x11: {  	[sflag:s7] =	ssyncadd.s32 $0xFFFFFE00  }
0x12: {  	[tilespmem:s9], [sflag:$0x1] =	stream.indirect.gather [hbm4b:s3+s8], $0x40, s2, s8, $0xb8;
	[tilespmem:$0x8200] =	vst v63  }
0x13: {  	_ = 	snop  }
0x14: {  	[tilespmem:s10], [sflag:$0x1] =	stream.indirect.gather [hbm4b:s3+s8], $0x40, s8, s8, $0xb8;
	[tilespmem:$0x8200] =	vst v63  }
0x15: {  	_ = 	snop  }
0x16: {  	[tilespmem:s12], [sflag:$0x1] =	stream.indirect.gather [hbm4b:s3+s8], $0x40, s11, s8, $0xb8;
	[tilespmem:$0x8200] =	vst v63  }
0x17: {  	_ = 	snop  }
0x18: {  	[tilespmem:s14], [sflag:$0x1] =	stream.indirect.gather [hbm4b:s3+s8], $0x40, s13, s8, $0xb8;
	[tilespmem:$0x8200] =	vst v63  }
0x19: {  	_ =	swait.ge [sflag:s15], $0x2000  }
0x1a: {  	[sflag:s15] =	ssyncset.done $0x0  }
0x1b: {  	[sflag:s15] =	ssyncadd.s32 $0xFFFFE000  }
0x1c: {  	_ =	swait.ge [sflag:s15], $0x2000  }
0x1d: {  	[sflag:s15] =	ssyncset.done $0x0  }
0x1e: {  	[sflag:s15] =	ssyncadd.s32 $0xFFFFE000  }
0x1f: {  	_ =	swait.ge [sflag:s15], $0x2000  }
0x20: {  	[sflag:s15] =	ssyncset.done $0x0  }
0x21: {  	[sflag:s15] =	ssyncadd.s32 $0xFFFFE000  }
0x22: {  	_ =	swait.ge [sflag:s15], $0x2000  }
0x23: {  	[sflag:s15] =	ssyncset.done $0x0  }
0x24: {  	s31 =	sadd.s32 $0xFFFFFFF8, s5;
	[sflag:s15] =	ssyncadd.s32 $0xFFFFE000  }
0x25: {  	[hbm4b:s31+s16] =	stream.strided.scatter [tilespmem:s9], [sflag:$0x2], $0x4000, s8, s16, $0x38;
	[tilespmem:$0x8200] =	vst v63  }
0x26: {  	_ =	swait.ge [sflag:s7], $0x4000  }
0x27: {  	[sflag:s7] =	ssyncset.done $0x0  }
0x28: {  	[sflag:s7] =	ssyncadd.s32 $0xFFFFC000  }
0x29: {  	[hbm4b:s5+s16] =	stream.strided.scatter [tilespmem:s12], [sflag:$0x2], $0x4000, s8, s16, $0x38;
	[tilespmem:$0x8200] =	vst v63  }
0x2a: {  	s19 =	simm.s32 $0x40;
	_ =	swait.ge [sflag:s7], $0x4000  }
0x2b: {  	s20 =	simm.s32 $0x80;
	s18 =	sadd.s32 $0x1000, s5;
	[sflag:s7] =	ssyncset.done $0x0  }
.LBB2_2:
0x2c: {  	s21 =	sadd.s32 s19, s6  }
0x2d: {  	[sflag:s7] =	ssyncadd.s32 $0xFFFFC000;
	s19 =	smov.u32 s20;
	s22 =	sadd.s32 $0x40, s20  }
0x2e: {  	[tilespmem:s2], [sflag:$0x2] =	stream.linear.gather [hbm4b:s21+s2], $0x200, $0x38;
	[tilespmem:$0x8200] =	vst v63  }
0x2f: {  	p0 =	sne.s32 s20, $0x240;
	_ =	swait.ge [sflag:s7], $0x200  }
0x30: {  	[sflag:s7] =	ssyncset.done $0x0  }
0x31: {  	[sflag:s7] =	ssyncadd.s32 $0xFFFFFE00  }
0x32: {  	[tilespmem:s9], [sflag:$0x1] =	stream.indirect.gather [hbm4b:s3+s8], $0x40, s2, s8, $0xb8;
	[tilespmem:$0x8200] =	vst v63  }
0x33: {  	_ = 	snop  }
0x34: {  	[tilespmem:s10], [sflag:$0x1] =	stream.indirect.gather [hbm4b:s3+s8], $0x40, s8, s8, $0xb8;
	[tilespmem:$0x8200] =	vst v63  }
0x35: {  	_ = 	snop  }
0x36: {  	[tilespmem:s12], [sflag:$0x1] =	stream.indirect.gather [hbm4b:s3+s8], $0x40, s11, s8, $0xb8;
	[tilespmem:$0x8200] =	vst v63  }
0x37: {  	_ = 	snop  }
0x38: {  	[tilespmem:s14], [sflag:$0x1] =	stream.indirect.gather [hbm4b:s3+s8], $0x40, s13, s8, $0xb8;
	[tilespmem:$0x8200] =	vst v63  }
0x39: {  	_ =	swait.ge [sflag:s15], $0x2000  }
0x3a: {  	[sflag:s15] =	ssyncset.done $0x0  }
0x3b: {  	[sflag:s15] =	ssyncadd.s32 $0xFFFFE000  }
0x3c: {  	_ =	swait.ge [sflag:s15], $0x2000  }
0x3d: {  	[sflag:s15] =	ssyncset.done $0x0  }
0x3e: {  	[sflag:s15] =	ssyncadd.s32 $0xFFFFE000  }
0x3f: {  	_ =	swait.ge [sflag:s15], $0x2000  }
0x40: {  	[sflag:s15] =	ssyncset.done $0x0  }
0x41: {  	[sflag:s15] =	ssyncadd.s32 $0xFFFFE000  }
0x42: {  	_ =	swait.ge [sflag:s15], $0x2000  }
0x43: {  	[sflag:s15] =	ssyncset.done $0x0  }
0x44: {  	s20 =	sadd.s32 $0xFFFFFFF8, s18;
	[sflag:s15] =	ssyncadd.s32 $0xFFFFE000  }
0x45: {  	[hbm4b:s20+s16] =	stream.strided.scatter [tilespmem:s9], [sflag:$0x2], $0x4000, s8, s16, $0x38;
	[tilespmem:$0x8200] =	vst v63  }
0x46: {  	_ =	swait.ge [sflag:s7], $0x4000  }
.Ltmp0:
0x47: {  	[sflag:s7] =	ssyncset.done $0x0;
	(pc) =	sbr.rel @p0 .LBB2_2-.Ltmp0, $4  }
0x48: {  	[sflag:s7] =	ssyncadd.s32 $0xFFFFC000  }
0x49: {  	[hbm4b:s18+s16] =	stream.strided.scatter [tilespmem:s12], [sflag:$0x2], $0x4000, s8, s16, $0x38;
	[tilespmem:$0x8200] =	vst v63  }
0x4a: {  	_ =	swait.ge [sflag:s7], $0x4000  }
0x4b: {  	s20 =	smov.u32 s22;
	s18 =	sadd.s32 $0x1000, s18;
	[sflag:s7] =	ssyncset.done $0x0  }
0x4c: {  	s19 =	sadd.s32 s19, s6;
	[sflag:s7] =	ssyncadd.s32 $0xFFFFC000  }
0x4d: {  	[tilespmem:s2], [sflag:$0x2] =	stream.linear.gather [hbm4b:s19+s2], $0x200, $0x38;
	[tilespmem:$0x8200] =	vst v63  }
0x4e: {  	_ =	swait.ge [sflag:s7], $0x200  }
0x4f: {  	[sflag:s7] =	ssyncset.done $0x0  }
0x50: {  	[sflag:s7] =	ssyncadd.s32 $0xFFFFFE00  }
0x51: {  	[tilespmem:s9], [sflag:$0x1] =	stream.indirect.gather [hbm4b:s3+s8], $0x40, s2, s8, $0xb8;
	[tilespmem:$0x8200] =	vst v63  }
0x52: {  	_ = 	snop  }
0x53: {  	[tilespmem:s10], [sflag:$0x1] =	stream.indirect.gather [hbm4b:s3+s8], $0x40, s8, s8, $0xb8;
	[tilespmem:$0x8200] =	vst v63  }
0x54: {  	_ = 	snop  }
0x55: {  	[tilespmem:s12], [sflag:$0x1] =	stream.indirect.gather [hbm4b:s3+s8], $0x40, s11, s8, $0xb8;
	[tilespmem:$0x8200] =	vst v63  }
0x56: {  	_ = 	snop  }
0x57: {  	[tilespmem:s14], [sflag:$0x1] =	stream.indirect.gather [hbm4b:s3+s8], $0x40, s13, s8, $0xb8;
	[tilespmem:$0x8200] =	vst v63  }
0x58: {  	_ =	swait.ge [sflag:s15], $0x2000  }
0x59: {  	[sflag:s15] =	ssyncset.done $0x0  }
0x5a: {  	[sflag:s15] =	ssyncadd.s32 $0xFFFFE000  }
0x5b: {  	_ =	swait.ge [sflag:s15], $0x2000  }
0x5c: {  	[sflag:s15] =	ssyncset.done $0x0  }
0x5d: {  	[sflag:s15] =	ssyncadd.s32 $0xFFFFE000  }
0x5e: {  	_ =	swait.ge [sflag:s15], $0x2000  }
0x5f: {  	[sflag:s15] =	ssyncset.done $0x0  }
0x60: {  	[sflag:s15] =	ssyncadd.s32 $0xFFFFE000  }
0x61: {  	_ =	swait.ge [sflag:s15], $0x2000  }
0x62: {  	[sflag:s15] =	ssyncset.done $0x0  }
0x63: {  	s31 =	sadd.s32 $0xFFFFFFF8, s18;
	[sflag:s15] =	ssyncadd.s32 $0xFFFFE000  }
0x64: {  	[hbm4b:s31+s16] =	stream.strided.scatter [tilespmem:s9], [sflag:$0x2], $0x4000, s8, s16, $0x38;
	[tilespmem:$0x8200] =	vst v63  }
0x65: {  	s17 =	sadd.s32 $0x1, s17;
	_ =	swait.ge [sflag:s7], $0x4000  }
0x66: {  	p0 =	sne.s32 s17, s4;
	[sflag:s7] =	ssyncset.done $0x0  }
.Ltmp1:
0x67: {  	[sflag:s7] =	ssyncadd.s32 $0xFFFFC000;
	(pc) =	sbr.rel @p0 .LBB2_1-.Ltmp1, $4  }
0x68: {  	[hbm4b:s18+s16] =	stream.strided.scatter [tilespmem:s12], [sflag:$0x2], $0x4000, s8, s16, $0x38;
	[tilespmem:$0x8200] =	vst v63  }
0x69: {  	_ =	swait.ge [sflag:s7], $0x4000  }
0x6a: {  	[sflag:s7] =	ssyncset.done $0x0  }
0x6b: {  	[sflag:s7] =	ssyncadd.s32 $0xFFFFC000  }
0x6c: {  	_ =	sfence.sel $0x180000  }
0x6d: {  	[bflag:$0x0] =	sbarrier.arrive $0xFFFF  }
0x6e: {  	p0 =	sne.s32 s1, $0x0;
	_ =	strace $0x90000047  }
0x6f: {  	s0 =	sadd.s32 @!p0 $0x100000, s0;
	[bflag:$0x2] =	sbarrier.arrive $0xFFFF  }
0x70: {  	[sflag:s0] =	ssyncadd.tile.s32 @!p0 $0x1;
	_ =	shalt  }
.Lfunc_end2:
_tile_overlayer_lowered:
.L_overlay_start_2:
0x71: {  	(tag) =	ssettag $0x2  }
0x72: {  	s0 =	rddreg [dreg:$0x0];
	s2 =	stileid.u32  }
0x73: {  	s1 =	rddreg [dreg:$0x1];
	p0 =	sne.s32 s2, $0x0  }
0x74: {  	s3 =	rddreg [dreg:$0x2];
	[bflag:$0x3] =	sbarrier.arrive $0xFFFF;
	s2 =	simm.s32 @!p0 $0x1C02  }
0x75: {  	[timem:s3], [sflag:s2] =	dma.local @!p0 [hbm:s0], s1  }
0x76: {  	s0 =	simm.s32 @!p0 $0x2  }
0x77: {  	_ =	swait.ge @!p0 [sflag:s0], s1  }
0x78: {  	s1 =	ssub.s32 @!p0 $0x0, s1;
	[sflag:s0] =	ssyncset.done @!p0 $0x0  }
0x79: {  	[sflag:s0] =	ssyncadd.s32 @!p0 s1  }
0x7a: {  	[bflag:$0x3] =	sbarrier.arrive $0xFFFF  }
0x7b: {  	_ =	shalt  }

// kernel: kernel.15.cloned.1.call-start
scs
__scs_entry_jumppad:
0x0: {  	(pc) =	sbr.rel $0x88, $3  }
0x1: {  	(tag) =	ssettag $0x0;
	lr =	simm.s32 $0x1  }
0x2: {  	[smem:$0x3F9A] =	sst lr;
	_ =	strace $0xD0000000  }
0x3: {  	_ = 	snop  }
0x4: {  	_ = 	snop  }
0x5: {  	_ = 	snop  }
0x6: {  	_ = 	snop  }
0x7: {  	_ = 	snop  }
__scs_overlays_trampoline_lowered:
0x8: {  	[smem:$0x3FA9] =	sst s0  }
0x9: {  	[smem:$0x3FAA] =	sst s1  }
0xa: {  	[smem:$0x3FAB] =	sst s2  }
0xb: {  	[smem:$0x3FAC] =	sst s3  }
0xc: {  	[smem:$0x3FAD] =	sst s4  }
0xd: {  	[smem:$0x3FAE] =	sst s5  }
0xe: {  	[smem:$0x3FAF] =	sst s6  }
0xf: {  	[smem:$0x3FB0] =	sst s7  }
0x10: {  	[smem:$0x3FB1] =	sst s8  }
0x11: {  	[smem:$0x3FB2] =	sst s9;
	s0 =	simm.s32 @!p0 $0x0  }
0x12: {  	s1 =	sld [smem:$0x3F98];
	s0 =	simm.s32 @p0 $0x1  }
0x13: {  	[smem:$0x3FB3] =	sst s0;
	s0 =	simm.s32 @!p1 $0x0  }
0x14: {  	s2 =	sld [smem:$0x3F97];
	s0 =	simm.s32 @p1 $0x1  }
0x15: {  	[smem:$0x3FB4] =	sst s0;
	s0 =	simm.s32 @!p2 $0x0  }
0x16: {  	s3 =	sld [smem:$0x3FDB];
	s0 =	simm.s32 @p2 $0x1  }
0x17: {  	s4 =	simm.s32 $0x1BF5;
	[smem:$0x3FB6] =	sst s0  }
0x18: {  	s0 =	sld [smem:$0x3F99];
	_ =	swait.ge [sflag:s4], $0x0  }
0x19: {  	s7 =	sld [smem:$0x3F9A]  }
0x1a: {  	s8 =	sadd.s32 $0xFFFFE003, lr  }
0x1b: {  	s9 =	sadd.s32 $0xFFFFFEF7, lr;
	s5 =	simm.s32 $0xFFFFFFFF;
	p2 =	slt.u32 s8, $0xFFFFF086  }
0x1c: {  	p1 =	slt.u32 s9, $0xF7A;
	s5 =	simm.s32 @!p2 $0x0  }
0x1d: {  	s5 =	simm.s32 @p1 $0x1;
	p0 =	seq.s32 s7, s2  }
0x1e: {  	s7 =	smul.u32 @!p0 $0xF7A, s2;
	p2 =	seq.s32 @!p0 s5, $0x0  }
0x1f: {  	s9 =	smul.u32 $0xF7A, s1;
	s8 =	simm.s32 @!p0 $0x1BF5;
	p2 =	por !p2, p0  }
0x20: {  	[sflag:s8] =	ssyncset.s32 @!p0 $0xFFFFF086;
	s6 =	sadd.s32 @!p0 s3, s7;
	s7 =	simm.s32 @!p0 $0x108  }
0x21: {  	s3 =	sadd.s32 s3, s9;
	s6 =	sadd.s32 @!p0 $0x88, s6;
	s7 =	simm.s32 @p2 $0x1082  }
0x22: {  	[simem:s7], [sflag:s8] =	dma.local @!p0 [hbm:s6], $0xF7A  }
0x23: {  	s9 =	sor.u32 $0xD0000000, s2;
	s6 =	simm.s32 $0x108;
	_ =	swait.ge @!p0 [sflag:s8], $0x0  }
0x24: {  	s3 =	sadd.s32 $0x88, s3;
	s6 =	simm.s32 @!p1 $0x1082;
	[sflag:s4] =	ssyncset.s32 $0xFFFFF086  }
0x25: {  	[simem:s6], [sflag:s4] =	dma.local [hbm:s3], $0xF7A  }
0x26: {  	[smem:$0x3F9A] =	sst s1;
	(tag) =	ssettag s2;
	_ =	strace s9  }
0x27: {  	s1 =	sld [smem:$0x3FAA]  }
0x28: {  	s2 =	sld [smem:$0x3FAB]  }
0x29: {  	s4 =	sld [smem:$0x3FAD]  }
0x2a: {  	p0 =	seq.s32 s5, $0x0;
	s5 =	sld [smem:$0x3FAE]  }
0x2b: {  	s6 =	sld [smem:$0x3FAF]  }
0x2c: {  	s7 =	sld [smem:$0x3FB0]  }
0x2d: {  	s3 =	simm.s32 $0x108;
	s8 =	sld [smem:$0x3FB1]  }
0x2e: {  	s3 =	simm.s32 @!p0 $0x1082;
	s9 =	sld [smem:$0x3FB2]  }
0x2f: {  	lr =	sadd.s32 s0, s3;
	s0 =	sld [smem:$0x3FA9]  }
0x30: {  	s3 =	sld [smem:$0x3FAC]  }
0x31: {  	[smem:$0x3FB5] =	sst s10  }
0x32: {  	s10 =	sld [smem:$0x3FB3];
	_ =	sdelay $0x3  }
0x33: {  	p0 =	seq.s32 s10, $0x1;
	s10 =	sld [smem:$0x3FB5];
	_ =	sdelay $0x3  }
0x34: {  	[smem:$0x3FB5] =	sst s10  }
0x35: {  	s10 =	sld [smem:$0x3FB4];
	_ =	sdelay $0x3  }
0x36: {  	p1 =	seq.s32 s10, $0x1;
	s10 =	sld [smem:$0x3FB5];
	_ =	sdelay $0x3  }
0x37: {  	[smem:$0x3FB5] =	sst s10  }
0x38: {  	s10 =	sld [smem:$0x3FB6]  }
0x39: {  	_ = 	snop;
	(pc) =	sbr.ind lr, $3  }
0x3a: {  	_ = 	snop  }
0x3b: {  	_ = 	snop  }
0x3c: {  	p2 =	seq.s32 s10, $0x1;
	s10 =	sld [smem:$0x3FB5]  }
0x3d: {  	_ =	shalt  }
0x3e: {  	_ =	shalt  }
0x3f: {  	_ =	shalt  }
0x40: {  	_ =	shalt  }
0x41: {  	_ =	shalt  }
0x42: {  	_ =	shalt  }
0x43: {  	_ =	shalt  }
0x44: {  	_ =	shalt  }
0x45: {  	_ =	shalt  }
0x46: {  	_ =	shalt  }
0x47: {  	_ =	shalt  }
0x48: {  	_ =	shalt  }
0x49: {  	_ =	shalt  }
0x4a: {  	_ =	shalt  }
0x4b: {  	_ =	shalt  }
0x4c: {  	_ =	shalt  }
0x4d: {  	_ =	shalt  }
0x4e: {  	_ =	shalt  }
0x4f: {  	_ =	shalt  }
0x50: {  	_ =	shalt  }
0x51: {  	_ =	shalt  }
0x52: {  	_ =	shalt  }
0x53: {  	_ =	shalt  }
0x54: {  	_ =	shalt  }
0x55: {  	_ =	shalt  }
0x56: {  	_ =	shalt  }
0x57: {  	_ =	shalt  }
0x58: {  	_ =	shalt  }
0x59: {  	_ =	shalt  }
0x5a: {  	_ =	shalt  }
0x5b: {  	_ =	shalt  }
0x5c: {  	_ =	shalt  }
0x5d: {  	_ =	shalt  }
0x5e: {  	_ =	shalt  }
0x5f: {  	_ =	shalt  }
0x60: {  	_ =	shalt  }
0x61: {  	_ =	shalt  }
0x62: {  	_ =	shalt  }
0x63: {  	_ =	shalt  }
0x64: {  	_ =	shalt  }
0x65: {  	_ =	shalt  }
0x66: {  	_ =	shalt  }
0x67: {  	_ =	shalt  }
0x68: {  	_ =	shalt  }
0x69: {  	_ =	shalt  }
0x6a: {  	_ =	shalt  }
0x6b: {  	_ =	shalt  }
0x6c: {  	_ =	shalt  }
0x6d: {  	_ =	shalt  }
0x6e: {  	_ =	shalt  }
0x6f: {  	_ =	shalt  }
0x70: {  	_ =	shalt  }
0x71: {  	_ =	shalt  }
0x72: {  	_ =	shalt  }
0x73: {  	_ =	shalt  }
0x74: {  	_ =	shalt  }
0x75: {  	_ =	shalt  }
0x76: {  	_ =	shalt  }
0x77: {  	_ =	shalt  }
0x78: {  	_ =	shalt  }
0x79: {  	_ =	shalt  }
0x7a: {  	_ =	shalt  }
0x7b: {  	_ =	shalt  }
0x7c: {  	_ =	shalt  }
0x7d: {  	_ =	shalt  }
0x7e: {  	_ =	shalt  }
0x7f: {  	_ =	shalt  }
0x80: {  	_ =	shalt  }
0x81: {  	_ =	shalt  }
0x82: {  	_ =	shalt  }
0x83: {  	_ =	shalt  }
0x84: {  	_ =	shalt  }
0x85: {  	_ =	shalt  }
0x86: {  	_ =	shalt  }
0x87: {  	_ =	shalt  }
.Lfunc_end0:
.L_simem_size_0:
called_computation.1_lowered:
.L_overlay_start_0:
0x88: {  	s2 =	sld [smem:$0x3FD9]  }
0x89: {  	s3 =	sld [smem:$0x3FFE];
	_ =	sdelay $0x1  }
0x8a: {  	s1 =	srdreg.scid  }
0x8b: {  	s0 =	sand.u32 $0x1, s1  }
0x8c: {  	s17 =	sshll.u32 s0, $0xA;
	s2 =	sadd.s32 s3, s2  }
0x8d: {  	s2 =	sadd.s32 s2, s17  }
0x8e: {  	[smem:$0x3FC1] =	sst s2  }
0x8f: {  	_ = 	snop  }
0x90: {  	(tm) =	ssettm $0x1  }
0x91: {  	s18 =	sld [smem:$0x3FFB];
	_ =	sdelay $0x3  }
0x92: {  	_ =	strace s18  }
0x93: {  	s2 =	sld [smem:$0x3FFC];
	_ =	sdelay $0x3  }
0x94: {  	_ =	strace s2  }
0x95: {  	s2 =	sld [smem:$0x3FFD];
	_ =	sdelay $0x3  }
0x96: {  	_ =	strace s2  }
0x97: {  	_ =	strace $0x8FFFFFFF  }
0x98: {  	s19 =	sld [smem:$0x3FDB];
	_ =	sdelay $0x1  }
0x99: {  	s20 =	simm.s32 $_scs_section_size  }
0x9a: {  	s4 =	simm.s32 $_size__tile_overlayer_lowered;
	s5 =	simm.s32 $_tile_overlayer_lowered  }
0x9b: {  	s6 =	simm.s32 $0x1BFF;
	s21 =	sshll.u32 s5, $0x1;
	s3 =	sadd.s32 s20, s19  }
0x9c: {  	s22 =	simm.s32 $0x0;
	s4 =	sshll.u32 s4, $0x1;
	s5 =	sadd.s32 s21, s3  }
0x9d: {  	[timem:s22], [sflag:s6] =	dma.local [hbm:s5], s4  }
0x9e: {  	_ =	swait.ge [sflag:s6], s4  }
0x9f: {  	s4 =	ssub.s32 $0x0, s4;
	[sflag:s6] =	ssyncset.done $0x0  }
0xa0: {  	[sflag:s6] =	ssyncadd.s32 s4;
	_ =	sdelay $0x1  }
0xa1: {  	s23 =	simm.s32 $0x1B8B  }
0xa2: {  	_ =	swait.ge [sflag:s23], $0x1  }
0xa3: {  	[sflag:s23] =	ssyncset.done $0x0  }
0xa4: {  	[sflag:s23] =	ssyncadd.s32 $0xFFFFFFFF  }
0xa5: {  	s4 =	sld [smem:$0x0]  }
0xa6: {  	s5 =	sand.u32 $0xFFFFFFFE, s1  }
0xa7: {  	p0 =	sne.s32 s1, s5  }
0xa8: {  	s5 =	sshll.u32 @p0 s5, $0xE  }
0xa9: {  	s5 =	sadd.s32 @p0 $0x11B8D, s5;
	s6 =	sshll.u32 @p0 s4, $0x11  }
0xaa: {  	s5 =	sor.u32 @p0 s6, s5  }
0xab: {  	[sflag:s5] =	ssyncadd.remote.s32 @p0 $0x1;
	_ =	sdelay $0x1  }
0xac: {  	s5 =	simm.s32 @p0 $0x1B8D  }
0xad: {  	_ =	swait.eq @p0 [sflag:s5], $0x1  }
0xae: {  	[sflag:s5] =	ssyncadd.s32 @p0 $0xFFFFFFFF  }
0xaf: {  	s6 =	sshll.u32 @!p0 s1, $0xE  }
0xb0: {  	s6 =	sor.u32 @!p0 $0x4000, s6;
	s5 =	simm.s32 @!p0 $0x1B8D  }
0xb1: {  	s4 =	sshll.u32 @!p0 s4, $0x11;
	s6 =	sadd.s32 @!p0 $0x11B8D, s6;
	_ =	swait.eq @!p0 [sflag:s5], $0x1  }
0xb2: {  	s4 =	sor.u32 @!p0 s4, s6;
	[sflag:s5] =	ssyncadd.s32 @!p0 $0xFFFFFFFF  }
0xb3: {  	s25 =	simm.s32 $0x1B8E;
	s24 =	sld [smem:$0x3FFE];
	[sflag:s4] =	ssyncadd.remote.s32 @!p0 $0x1  }
0xb4: {  	s26 =	simm.s32 $execute0_lowered;
	[smem:$0x3FD2] =	sst s25  }
0xb5: {  	s5 =	sshll.u32 s26, $0x1;
	_ =	strace $0x80000049;
	[dreg:$0x1] =	wrdreg $0xFFFFFFFF  }
0xb6: {  	s28 =	simm.s32 $_size_execute0_lowered;
	s3 =	sadd.s32 s3, s5;
	[dreg:$0x0] =	wrdreg $0x0  }
0xb7: {  	s5 =	sshll.u32 s28, $0x1;
	[dreg:$0x2] =	wrdreg s3  }
0xb8: {  	[dreg:$0x3] =	wrdreg s5  }
0xb9: {  	[dreg:$0x4] =	wrdreg $0xC0  }
0xba: {  	_ =	task [dreg:s22], $0x5FFFF  }
0xbb: {  	[dreg:$0x1] =	wrdreg $0xFFFFFFFF  }
0xbc: {  	[dreg:$0x0] =	wrdreg $0x60  }
0xbd: {  	[dreg:$0x2] =	wrdreg s24  }
0xbe: {  	[dreg:$0x3] =	wrdreg $0xA  }
0xbf: {  	_ =	task.clear_ibuf [dreg:s22], $0x4FFFF;
	_ =	strace $0x90000049  }
0xc0: {  	s29 =	simm.s32 $0xA;
	_ =	strace $0x8000004B  }
0xc1: {  	_ =	swait.ge [sflag:s29], $0x1  }
0xc2: {  	[sflag:s29] =	ssyncadd.s32 $0xFFFFFFFF  }
0xc3: {  	_ =	strace $0x9000004B  }
0xc4: {  	_ =	sfence  }
0xc5: {  	s30 =	sld [smem:$0x0];
	_ =	sdelay $0x2  }
0xc6: {  	s31 =	sshll.u32 s1, $0xD;
	s1 =	sshrl.u32 s1, $0x2  }
0xc7: {  	s4 =	sand.u32 $0x4000, s31;
	s1 =	sadd.s32 s1, s30  }
0xc8: {  	s0 =	sor.u32 s4, s0;
	s1 =	sshll.u32 s1, $0x11  }
0xc9: {  	s0 =	sor.u32 s1, s0  }
0xca: {  	s0 =	sadd.s32 $0x8F2B, s0  }
0xcb: {  	[sflag:s0] =	ssyncadd.remote.s32 $0x1  }
0xcc: {  	_ =	sfence.sel $0xFFFF  }
0xcd: {  	[dreg:$0x0] =	wrdreg $0xFFFFFFFF;
	(pc) =	sbr.abs _section_cstart, $3  }
0xce: {  	[dreg:$0x1] =	wrdreg $0xFFFFFFFF  }
0xcf: {  	_ =	task.clear_ibuf [dreg:s22], $0x2FFFF;
	_ =	strace $0x9FFFFFFF  }
0xd0: {  	(tm) =	ssettm $0x7FFFFFFF  }
0xd1: {  	_ =	shalt  }
tec
execute0_lowered:
.L_overlay_start_1:
0x0: {  	(tag) =	ssettag $0x1  }
0x1: {  	s4 =	rddreg [dreg:$0x0]  }
0x2: {  	s0 =	rddreg [dreg:$0x1];
	s2 =	simm.s32 $0x0;
	s1 =	stileid.u32  }
0x3: {  	s3 =	srdreg.scid;
	s12 =	simm.s32 $0x4200;
	s13 =	simm.s32 $0x180  }
0x4: {  	s14 =	simm.s32 $0x6200;
	s15 =	simm.s32 $0x1;
	s16 =	simm.s32 $0x40  }
0x5: {  	s17 =	simm.s32 $0x0;
	[smem:$0x7FF] =	sst s2;
	s5 =	smul.u32 $0x500, s1  }
0x6: {  	s6 =	smul.u32 $0x14000, s1;
	s7 =	sand.u32 $0x1, s3;
	s3 =	sadd.s32 $0xF52A00, s4  }
0x7: {  	_ =	strace $0x8000004A;
	s8 =	ssub.s32 $0x2, s7;
	s9 =	smul.u32 $0xA000, s7  }
0x8: {  	s7 =	smul.u32 $0x280, s7;
	s6 =	sadd.s32 s6, s4;
	s10 =	sshrl.u32 s8, $0x1  }
0x9: {  	s11 =	sadd.s32 s5, s4;
	s29 =	ssub.s32 s8, s10;
	s30 =	sadd.s32 s9, s6  }
0xa: {  	s31 =	sadd.s32 s7, s11;
	s7 =	simm.s32 $0x2;
	s8 =	simm.s32 $0x80  }
0xb: {  	s9 =	simm.s32 $0x200;
	s10 =	simm.s32 $0x2200;
	s11 =	simm.s32 $0x100  }
0xc: {  	s4 =	smax.u32 s29, $0x1;
	s5 =	sadd.s32 $0x15EE08, s30;
	s6 =	sadd.s32 $0x3600, s31  }
.LBB2_1:
0xd: {  	s18 =	sadd.s32 $0x0, s6  }
0xe: {  	[tilespmem:s2], [sflag:$0x2] =	stream.linear.gather [hbm4b:s18+s2], $0x200, $0x38;
	[tilespmem:$0x8200] =	vst v63  }
0xf: {  	_ =	swait.ge [sflag:s7], $0x200  }
0x10: {  	[sflag:s7] =	ssyncset.done $0x0  }
0x11: {  	[sflag:s7] =	ssyncadd.s32 $0xFFFFFE00  }
0x12: {  	[tilespmem:s9], [sflag:$0x1] =	stream.indirect.gather [hbm4b:s3+s8], $0x40, s2, s8, $0xb8;
	[tilespmem:$0x8200] =	vst v63  }
0x13: {  	_ = 	snop  }
0x14: {  	[tilespmem:s10], [sflag:$0x1] =	stream.indirect.gather [hbm4b:s3+s8], $0x40, s8, s8, $0xb8;
	[tilespmem:$0x8200] =	vst v63  }
0x15: {  	_ = 	snop  }
0x16: {  	[tilespmem:s12], [sflag:$0x1] =	stream.indirect.gather [hbm4b:s3+s8], $0x40, s11, s8, $0xb8;
	[tilespmem:$0x8200] =	vst v63  }
0x17: {  	_ = 	snop  }
0x18: {  	[tilespmem:s14], [sflag:$0x1] =	stream.indirect.gather [hbm4b:s3+s8], $0x40, s13, s8, $0xb8;
	[tilespmem:$0x8200] =	vst v63  }
0x19: {  	_ =	swait.ge [sflag:s15], $0x2000  }
0x1a: {  	[sflag:s15] =	ssyncset.done $0x0  }
0x1b: {  	[sflag:s15] =	ssyncadd.s32 $0xFFFFE000  }
0x1c: {  	_ =	swait.ge [sflag:s15], $0x2000  }
0x1d: {  	[sflag:s15] =	ssyncset.done $0x0  }
0x1e: {  	[sflag:s15] =	ssyncadd.s32 $0xFFFFE000  }
0x1f: {  	_ =	swait.ge [sflag:s15], $0x2000  }
0x20: {  	[sflag:s15] =	ssyncset.done $0x0  }
0x21: {  	[sflag:s15] =	ssyncadd.s32 $0xFFFFE000  }
0x22: {  	_ =	swait.ge [sflag:s15], $0x2000  }
0x23: {  	[sflag:s15] =	ssyncset.done $0x0  }
0x24: {  	s31 =	sadd.s32 $0xFFFFFFF8, s5;
	[sflag:s15] =	ssyncadd.s32 $0xFFFFE000  }
0x25: {  	[hbm4b:s31+s16] =	stream.strided.scatter [tilespmem:s9], [sflag:$0x2], $0x4000, s8, s16, $0x38;
	[tilespmem:$0x8200] =	vst v63  }
0x26: {  	_ =	swait.ge [sflag:s7], $0x4000  }
0x27: {  	[sflag:s7] =	ssyncset.done $0x0  }
0x28: {  	[sflag:s7] =	ssyncadd.s32 $0xFFFFC000  }
0x29: {  	[hbm4b:s5+s16] =	stream.strided.scatter [tilespmem:s12], [sflag:$0x2], $0x4000, s8, s16, $0x38;
	[tilespmem:$0x8200] =	vst v63  }
0x2a: {  	s19 =	simm.s32 $0x40;
	_ =	swait.ge [sflag:s7], $0x4000  }
0x2b: {  	s20 =	simm.s32 $0x80;
	s18 =	sadd.s32 $0x1000, s5;
	[sflag:s7] =	ssyncset.done $0x0  }
.LBB2_2:
0x2c: {  	s21 =	sadd.s32 s19, s6  }
0x2d: {  	[sflag:s7] =	ssyncadd.s32 $0xFFFFC000;
	s19 =	smov.u32 s20;
	s22 =	sadd.s32 $0x40, s20  }
0x2e: {  	[tilespmem:s2], [sflag:$0x2] =	stream.linear.gather [hbm4b:s21+s2], $0x200, $0x38;
	[tilespmem:$0x8200] =	vst v63  }
0x2f: {  	p0 =	sne.s32 s20, $0x240;
	_ =	swait.ge [sflag:s7], $0x200  }
0x30: {  	[sflag:s7] =	ssyncset.done $0x0  }
0x31: {  	[sflag:s7] =	ssyncadd.s32 $0xFFFFFE00  }
0x32: {  	[tilespmem:s9], [sflag:$0x1] =	stream.indirect.gather [hbm4b:s3+s8], $0x40, s2, s8, $0xb8;
	[tilespmem:$0x8200] =	vst v63  }
0x33: {  	_ = 	snop  }
0x34: {  	[tilespmem:s10], [sflag:$0x1] =	stream.indirect.gather [hbm4b:s3+s8], $0x40, s8, s8, $0xb8;
	[tilespmem:$0x8200] =	vst v63  }
0x35: {  	_ = 	snop  }
0x36: {  	[tilespmem:s12], [sflag:$0x1] =	stream.indirect.gather [hbm4b:s3+s8], $0x40, s11, s8, $0xb8;
	[tilespmem:$0x8200] =	vst v63  }
0x37: {  	_ = 	snop  }
0x38: {  	[tilespmem:s14], [sflag:$0x1] =	stream.indirect.gather [hbm4b:s3+s8], $0x40, s13, s8, $0xb8;
	[tilespmem:$0x8200] =	vst v63  }
0x39: {  	_ =	swait.ge [sflag:s15], $0x2000  }
0x3a: {  	[sflag:s15] =	ssyncset.done $0x0  }
0x3b: {  	[sflag:s15] =	ssyncadd.s32 $0xFFFFE000  }
0x3c: {  	_ =	swait.ge [sflag:s15], $0x2000  }
0x3d: {  	[sflag:s15] =	ssyncset.done $0x0  }
0x3e: {  	[sflag:s15] =	ssyncadd.s32 $0xFFFFE000  }
0x3f: {  	_ =	swait.ge [sflag:s15], $0x2000  }
0x40: {  	[sflag:s15] =	ssyncset.done $0x0  }
0x41: {  	[sflag:s15] =	ssyncadd.s32 $0xFFFFE000  }
0x42: {  	_ =	swait.ge [sflag:s15], $0x2000  }
0x43: {  	[sflag:s15] =	ssyncset.done $0x0  }
0x44: {  	s20 =	sadd.s32 $0xFFFFFFF8, s18;
	[sflag:s15] =	ssyncadd.s32 $0xFFFFE000  }
0x45: {  	[hbm4b:s20+s16] =	stream.strided.scatter [tilespmem:s9], [sflag:$0x2], $0x4000, s8, s16, $0x38;
	[tilespmem:$0x8200] =	vst v63  }
0x46: {  	_ =	swait.ge [sflag:s7], $0x4000  }
.Ltmp0:
0x47: {  	[sflag:s7] =	ssyncset.done $0x0;
	(pc) =	sbr.rel @p0 .LBB2_2-.Ltmp0, $4  }
0x48: {  	[sflag:s7] =	ssyncadd.s32 $0xFFFFC000  }
0x49: {  	[hbm4b:s18+s16] =	stream.strided.scatter [tilespmem:s12], [sflag:$0x2], $0x4000, s8, s16, $0x38;
	[tilespmem:$0x8200] =	vst v63  }
0x4a: {  	_ =	swait.ge [sflag:s7], $0x4000  }
0x4b: {  	s20 =	smov.u32 s22;
	s18 =	sadd.s32 $0x1000, s18;
	[sflag:s7] =	ssyncset.done $0x0  }
0x4c: {  	s19 =	sadd.s32 s19, s6;
	[sflag:s7] =	ssyncadd.s32 $0xFFFFC000  }
0x4d: {  	[tilespmem:s2], [sflag:$0x2] =	stream.linear.gather [hbm4b:s19+s2], $0x200, $0x38;
	[tilespmem:$0x8200] =	vst v63  }
0x4e: {  	_ =	swait.ge [sflag:s7], $0x200  }
0x4f: {  	[sflag:s7] =	ssyncset.done $0x0  }
0x50: {  	[sflag:s7] =	ssyncadd.s32 $0xFFFFFE00  }
0x51: {  	[tilespmem:s9], [sflag:$0x1] =	stream.indirect.gather [hbm4b:s3+s8], $0x40, s2, s8, $0xb8;
	[tilespmem:$0x8200] =	vst v63  }
0x52: {  	_ = 	snop  }
0x53: {  	[tilespmem:s10], [sflag:$0x1] =	stream.indirect.gather [hbm4b:s3+s8], $0x40, s8, s8, $0xb8;
	[tilespmem:$0x8200] =	vst v63  }
0x54: {  	_ = 	snop  }
0x55: {  	[tilespmem:s12], [sflag:$0x1] =	stream.indirect.gather [hbm4b:s3+s8], $0x40, s11, s8, $0xb8;
	[tilespmem:$0x8200] =	vst v63  }
0x56: {  	_ = 	snop  }
0x57: {  	[tilespmem:s14], [sflag:$0x1] =	stream.indirect.gather [hbm4b:s3+s8], $0x40, s13, s8, $0xb8;
	[tilespmem:$0x8200] =	vst v63  }
0x58: {  	_ =	swait.ge [sflag:s15], $0x2000  }
0x59: {  	[sflag:s15] =	ssyncset.done $0x0  }
0x5a: {  	[sflag:s15] =	ssyncadd.s32 $0xFFFFE000  }
0x5b: {  	_ =	swait.ge [sflag:s15], $0x2000  }
0x5c: {  	[sflag:s15] =	ssyncset.done $0x0  }
0x5d: {  	[sflag:s15] =	ssyncadd.s32 $0xFFFFE000  }
0x5e: {  	_ =	swait.ge [sflag:s15], $0x2000  }
0x5f: {  	[sflag:s15] =	ssyncset.done $0x0  }
0x60: {  	[sflag:s15] =	ssyncadd.s32 $0xFFFFE000  }
0x61: {  	_ =	swait.ge [sflag:s15], $0x2000  }
0x62: {  	[sflag:s15] =	ssyncset.done $0x0  }
0x63: {  	s31 =	sadd.s32 $0xFFFFFFF8, s18;
	[sflag:s15] =	ssyncadd.s32 $0xFFFFE000  }
0x64: {  	[hbm4b:s31+s16] =	stream.strided.scatter [tilespmem:s9], [sflag:$0x2], $0x4000, s8, s16, $0x38;
	[tilespmem:$0x8200] =	vst v63  }
0x65: {  	s17 =	sadd.s32 $0x1, s17;
	_ =	swait.ge [sflag:s7], $0x4000  }
0x66: {  	p0 =	sne.s32 s17, s4;
	[sflag:s7] =	ssyncset.done $0x0  }
.Ltmp1:
0x67: {  	[sflag:s7] =	ssyncadd.s32 $0xFFFFC000;
	(pc) =	sbr.rel @p0 .LBB2_1-.Ltmp1, $4  }
0x68: {  	[hbm4b:s18+s16] =	stream.strided.scatter [tilespmem:s12], [sflag:$0x2], $0x4000, s8, s16, $0x38;
	[tilespmem:$0x8200] =	vst v63  }
0x69: {  	_ =	swait.ge [sflag:s7], $0x4000  }
0x6a: {  	[sflag:s7] =	ssyncset.done $0x0  }
0x6b: {  	[sflag:s7] =	ssyncadd.s32 $0xFFFFC000  }
0x6c: {  	_ =	sfence.sel $0x180000  }
0x6d: {  	[bflag:$0x0] =	sbarrier.arrive $0xFFFF  }
0x6e: {  	p0 =	sne.s32 s1, $0x0;
	_ =	strace $0x9000004A  }
0x6f: {  	s0 =	sadd.s32 @!p0 $0x100000, s0;
	[bflag:$0x2] =	sbarrier.arrive $0xFFFF  }
0x70: {  	[sflag:s0] =	ssyncadd.tile.s32 @!p0 $0x1;
	_ =	shalt  }
.Lfunc_end2:
_tile_overlayer_lowered:
.L_overlay_start_2:
0x71: {  	(tag) =	ssettag $0x2  }
0x72: {  	s0 =	rddreg [dreg:$0x0];
	s2 =	stileid.u32  }
0x73: {  	s1 =	rddreg [dreg:$0x1];
	p0 =	sne.s32 s2, $0x0  }
0x74: {  	s3 =	rddreg [dreg:$0x2];
	[bflag:$0x3] =	sbarrier.arrive $0xFFFF;
	s2 =	simm.s32 @!p0 $0x1C02  }
0x75: {  	[timem:s3], [sflag:s2] =	dma.local @!p0 [hbm:s0], s1  }
0x76: {  	s0 =	simm.s32 @!p0 $0x2  }
0x77: {  	_ =	swait.ge @!p0 [sflag:s0], s1  }
0x78: {  	s1 =	ssub.s32 @!p0 $0x0, s1;
	[sflag:s0] =	ssyncset.done @!p0 $0x0  }
0x79: {  	[sflag:s0] =	ssyncadd.s32 @!p0 s1  }
0x7a: {  	[bflag:$0x3] =	sbarrier.arrive $0xFFFF  }
0x7b: {  	_ =	shalt  }

// kernel: kernel.18.cloned.1.call-start
scs
__scs_entry_jumppad:
0x0: {  	(pc) =	sbr.rel $0x88, $3  }
0x1: {  	(tag) =	ssettag $0x0;
	lr =	simm.s32 $0x1  }
0x2: {  	[smem:$0x3F9A] =	sst lr;
	_ =	strace $0xD0000000  }
0x3: {  	_ = 	snop  }
0x4: {  	_ = 	snop  }
0x5: {  	_ = 	snop  }
0x6: {  	_ = 	snop  }
0x7: {  	_ = 	snop  }
__scs_overlays_trampoline_lowered:
0x8: {  	[smem:$0x3FA9] =	sst s0  }
0x9: {  	[smem:$0x3FAA] =	sst s1  }
0xa: {  	[smem:$0x3FAB] =	sst s2  }
0xb: {  	[smem:$0x3FAC] =	sst s3  }
0xc: {  	[smem:$0x3FAD] =	sst s4  }
0xd: {  	[smem:$0x3FAE] =	sst s5  }
0xe: {  	[smem:$0x3FAF] =	sst s6  }
0xf: {  	[smem:$0x3FB0] =	sst s7  }
0x10: {  	[smem:$0x3FB1] =	sst s8  }
0x11: {  	[smem:$0x3FB2] =	sst s9;
	s0 =	simm.s32 @!p0 $0x0  }
0x12: {  	s1 =	sld [smem:$0x3F98];
	s0 =	simm.s32 @p0 $0x1  }
0x13: {  	[smem:$0x3FB3] =	sst s0;
	s0 =	simm.s32 @!p1 $0x0  }
0x14: {  	s2 =	sld [smem:$0x3F97];
	s0 =	simm.s32 @p1 $0x1  }
0x15: {  	[smem:$0x3FB4] =	sst s0;
	s0 =	simm.s32 @!p2 $0x0  }
0x16: {  	s3 =	sld [smem:$0x3FDB];
	s0 =	simm.s32 @p2 $0x1  }
0x17: {  	s4 =	simm.s32 $0x1BF5;
	[smem:$0x3FB6] =	sst s0  }
0x18: {  	s0 =	sld [smem:$0x3F99];
	_ =	swait.ge [sflag:s4], $0x0  }
0x19: {  	s7 =	sld [smem:$0x3F9A]  }
0x1a: {  	s8 =	sadd.s32 $0xFFFFE003, lr  }
0x1b: {  	s9 =	sadd.s32 $0xFFFFFEF7, lr;
	s5 =	simm.s32 $0xFFFFFFFF;
	p2 =	slt.u32 s8, $0xFFFFF086  }
0x1c: {  	p1 =	slt.u32 s9, $0xF7A;
	s5 =	simm.s32 @!p2 $0x0  }
0x1d: {  	s5 =	simm.s32 @p1 $0x1;
	p0 =	seq.s32 s7, s2  }
0x1e: {  	s7 =	smul.u32 @!p0 $0xF7A, s2;
	p2 =	seq.s32 @!p0 s5, $0x0  }
0x1f: {  	s9 =	smul.u32 $0xF7A, s1;
	s8 =	simm.s32 @!p0 $0x1BF5;
	p2 =	por !p2, p0  }
0x20: {  	[sflag:s8] =	ssyncset.s32 @!p0 $0xFFFFF086;
	s6 =	sadd.s32 @!p0 s3, s7;
	s7 =	simm.s32 @!p0 $0x108  }
0x21: {  	s3 =	sadd.s32 s3, s9;
	s6 =	sadd.s32 @!p0 $0x88, s6;
	s7 =	simm.s32 @p2 $0x1082  }
0x22: {  	[simem:s7], [sflag:s8] =	dma.local @!p0 [hbm:s6], $0xF7A  }
0x23: {  	s9 =	sor.u32 $0xD0000000, s2;
	s6 =	simm.s32 $0x108;
	_ =	swait.ge @!p0 [sflag:s8], $0x0  }
0x24: {  	s3 =	sadd.s32 $0x88, s3;
	s6 =	simm.s32 @!p1 $0x1082;
	[sflag:s4] =	ssyncset.s32 $0xFFFFF086  }
0x25: {  	[simem:s6], [sflag:s4] =	dma.local [hbm:s3], $0xF7A  }
0x26: {  	[smem:$0x3F9A] =	sst s1;
	(tag) =	ssettag s2;
	_ =	strace s9  }
0x27: {  	s1 =	sld [smem:$0x3FAA]  }
0x28: {  	s2 =	sld [smem:$0x3FAB]  }
0x29: {  	s4 =	sld [smem:$0x3FAD]  }
0x2a: {  	p0 =	seq.s32 s5, $0x0;
	s5 =	sld [smem:$0x3FAE]  }
0x2b: {  	s6 =	sld [smem:$0x3FAF]  }
0x2c: {  	s7 =	sld [smem:$0x3FB0]  }
0x2d: {  	s3 =	simm.s32 $0x108;
	s8 =	sld [smem:$0x3FB1]  }
0x2e: {  	s3 =	simm.s32 @!p0 $0x1082;
	s9 =	sld [smem:$0x3FB2]  }
0x2f: {  	lr =	sadd.s32 s0, s3;
	s0 =	sld [smem:$0x3FA9]  }
0x30: {  	s3 =	sld [smem:$0x3FAC]  }
0x31: {  	[smem:$0x3FB5] =	sst s10  }
0x32: {  	s10 =	sld [smem:$0x3FB3];
	_ =	sdelay $0x3  }
0x33: {  	p0 =	seq.s32 s10, $0x1;
	s10 =	sld [smem:$0x3FB5];
	_ =	sdelay $0x3  }
0x34: {  	[smem:$0x3FB5] =	sst s10  }
0x35: {  	s10 =	sld [smem:$0x3FB4];
	_ =	sdelay $0x3  }
0x36: {  	p1 =	seq.s32 s10, $0x1;
	s10 =	sld [smem:$0x3FB5];
	_ =	sdelay $0x3  }
0x37: {  	[smem:$0x3FB5] =	sst s10  }
0x38: {  	s10 =	sld [smem:$0x3FB6]  }
0x39: {  	_ = 	snop;
	(pc) =	sbr.ind lr, $3  }
0x3a: {  	_ = 	snop  }
0x3b: {  	_ = 	snop  }
0x3c: {  	p2 =	seq.s32 s10, $0x1;
	s10 =	sld [smem:$0x3FB5]  }
0x3d: {  	_ =	shalt  }
0x3e: {  	_ =	shalt  }
0x3f: {  	_ =	shalt  }
0x40: {  	_ =	shalt  }
0x41: {  	_ =	shalt  }
0x42: {  	_ =	shalt  }
0x43: {  	_ =	shalt  }
0x44: {  	_ =	shalt  }
0x45: {  	_ =	shalt  }
0x46: {  	_ =	shalt  }
0x47: {  	_ =	shalt  }
0x48: {  	_ =	shalt  }
0x49: {  	_ =	shalt  }
0x4a: {  	_ =	shalt  }
0x4b: {  	_ =	shalt  }
0x4c: {  	_ =	shalt  }
0x4d: {  	_ =	shalt  }
0x4e: {  	_ =	shalt  }
0x4f: {  	_ =	shalt  }
0x50: {  	_ =	shalt  }
0x51: {  	_ =	shalt  }
0x52: {  	_ =	shalt  }
0x53: {  	_ =	shalt  }
0x54: {  	_ =	shalt  }
0x55: {  	_ =	shalt  }
0x56: {  	_ =	shalt  }
0x57: {  	_ =	shalt  }
0x58: {  	_ =	shalt  }
0x59: {  	_ =	shalt  }
0x5a: {  	_ =	shalt  }
0x5b: {  	_ =	shalt  }
0x5c: {  	_ =	shalt  }
0x5d: {  	_ =	shalt  }
0x5e: {  	_ =	shalt  }
0x5f: {  	_ =	shalt  }
0x60: {  	_ =	shalt  }
0x61: {  	_ =	shalt  }
0x62: {  	_ =	shalt  }
0x63: {  	_ =	shalt  }
0x64: {  	_ =	shalt  }
0x65: {  	_ =	shalt  }
0x66: {  	_ =	shalt  }
0x67: {  	_ =	shalt  }
0x68: {  	_ =	shalt  }
0x69: {  	_ =	shalt  }
0x6a: {  	_ =	shalt  }
0x6b: {  	_ =	shalt  }
0x6c: {  	_ =	shalt  }
0x6d: {  	_ =	shalt  }
0x6e: {  	_ =	shalt  }
0x6f: {  	_ =	shalt  }
0x70: {  	_ =	shalt  }
0x71: {  	_ =	shalt  }
0x72: {  	_ =	shalt  }
0x73: {  	_ =	shalt  }
0x74: {  	_ =	shalt  }
0x75: {  	_ =	shalt  }
0x76: {  	_ =	shalt  }
0x77: {  	_ =	shalt  }
0x78: {  	_ =	shalt  }
0x79: {  	_ =	shalt  }
0x7a: {  	_ =	shalt  }
0x7b: {  	_ =	shalt  }
0x7c: {  	_ =	shalt  }
0x7d: {  	_ =	shalt  }
0x7e: {  	_ =	shalt  }
0x7f: {  	_ =	shalt  }
0x80: {  	_ =	shalt  }
0x81: {  	_ =	shalt  }
0x82: {  	_ =	shalt  }
0x83: {  	_ =	shalt  }
0x84: {  	_ =	shalt  }
0x85: {  	_ =	shalt  }
0x86: {  	_ =	shalt  }
0x87: {  	_ =	shalt  }
.Lfunc_end0:
.L_simem_size_0:
called_computation.2_lowered:
.L_overlay_start_0:
0x88: {  	s2 =	sld [smem:$0x3FD9]  }
0x89: {  	s3 =	sld [smem:$0x3FFE];
	_ =	sdelay $0x1  }
0x8a: {  	s1 =	srdreg.scid  }
0x8b: {  	s0 =	sand.u32 $0x1, s1  }
0x8c: {  	s17 =	sshll.u32 s0, $0xA;
	s2 =	sadd.s32 s3, s2  }
0x8d: {  	s2 =	sadd.s32 s2, s17  }
0x8e: {  	[smem:$0x3FC1] =	sst s2  }
0x8f: {  	_ = 	snop  }
0x90: {  	(tm) =	ssettm $0x1  }
0x91: {  	s18 =	sld [smem:$0x3FFB];
	_ =	sdelay $0x3  }
0x92: {  	_ =	strace s18  }
0x93: {  	s2 =	sld [smem:$0x3FFC];
	_ =	sdelay $0x3  }
0x94: {  	_ =	strace s2  }
0x95: {  	s2 =	sld [smem:$0x3FFD];
	_ =	sdelay $0x3  }
0x96: {  	_ =	strace s2  }
0x97: {  	_ =	strace $0x8FFFFFFF  }
0x98: {  	s19 =	sld [smem:$0x3FDB];
	_ =	sdelay $0x1  }
0x99: {  	s20 =	simm.s32 $_scs_section_size  }
0x9a: {  	s4 =	simm.s32 $_size__tile_overlayer_lowered;
	s5 =	simm.s32 $_tile_overlayer_lowered  }
0x9b: {  	s6 =	simm.s32 $0x1BFF;
	s21 =	sshll.u32 s5, $0x1;
	s3 =	sadd.s32 s20, s19  }
0x9c: {  	s22 =	simm.s32 $0x0;
	s4 =	sshll.u32 s4, $0x1;
	s5 =	sadd.s32 s21, s3  }
0x9d: {  	[timem:s22], [sflag:s6] =	dma.local [hbm:s5], s4  }
0x9e: {  	_ =	swait.ge [sflag:s6], s4  }
0x9f: {  	s4 =	ssub.s32 $0x0, s4;
	[sflag:s6] =	ssyncset.done $0x0  }
0xa0: {  	[sflag:s6] =	ssyncadd.s32 s4;
	_ =	sdelay $0x1  }
0xa1: {  	s23 =	simm.s32 $0x1B8B  }
0xa2: {  	_ =	swait.ge [sflag:s23], $0x1  }
0xa3: {  	[sflag:s23] =	ssyncset.done $0x0  }
0xa4: {  	[sflag:s23] =	ssyncadd.s32 $0xFFFFFFFF  }
0xa5: {  	s4 =	sld [smem:$0x0]  }
0xa6: {  	s5 =	sand.u32 $0xFFFFFFFE, s1  }
0xa7: {  	p0 =	sne.s32 s1, s5  }
0xa8: {  	s5 =	sshll.u32 @p0 s5, $0xE  }
0xa9: {  	s5 =	sadd.s32 @p0 $0x11B8D, s5;
	s6 =	sshll.u32 @p0 s4, $0x11  }
0xaa: {  	s5 =	sor.u32 @p0 s6, s5  }
0xab: {  	[sflag:s5] =	ssyncadd.remote.s32 @p0 $0x1;
	_ =	sdelay $0x1  }
0xac: {  	s5 =	simm.s32 @p0 $0x1B8D  }
0xad: {  	_ =	swait.eq @p0 [sflag:s5], $0x1  }
0xae: {  	[sflag:s5] =	ssyncadd.s32 @p0 $0xFFFFFFFF  }
0xaf: {  	s6 =	sshll.u32 @!p0 s1, $0xE  }
0xb0: {  	s6 =	sor.u32 @!p0 $0x4000, s6;
	s5 =	simm.s32 @!p0 $0x1B8D  }
0xb1: {  	s4 =	sshll.u32 @!p0 s4, $0x11;
	s6 =	sadd.s32 @!p0 $0x11B8D, s6;
	_ =	swait.eq @!p0 [sflag:s5], $0x1  }
0xb2: {  	s4 =	sor.u32 @!p0 s4, s6;
	[sflag:s5] =	ssyncadd.s32 @!p0 $0xFFFFFFFF  }
0xb3: {  	s25 =	simm.s32 $0x1B8E;
	s24 =	sld [smem:$0x3FFE];
	[sflag:s4] =	ssyncadd.remote.s32 @!p0 $0x1  }
0xb4: {  	s26 =	simm.s32 $execute0_lowered;
	[smem:$0x3FD2] =	sst s25  }
0xb5: {  	s5 =	sshll.u32 s26, $0x1;
	_ =	strace $0x8000004C;
	[dreg:$0x1] =	wrdreg $0xFFFFFFFF  }
0xb6: {  	s28 =	simm.s32 $_size_execute0_lowered;
	s3 =	sadd.s32 s3, s5;
	[dreg:$0x0] =	wrdreg $0x0  }
0xb7: {  	s5 =	sshll.u32 s28, $0x1;
	[dreg:$0x2] =	wrdreg s3  }
0xb8: {  	[dreg:$0x3] =	wrdreg s5  }
0xb9: {  	[dreg:$0x4] =	wrdreg $0xC0  }
0xba: {  	_ =	task [dreg:s22], $0x5FFFF  }
0xbb: {  	[dreg:$0x1] =	wrdreg $0xFFFFFFFF  }
0xbc: {  	[dreg:$0x0] =	wrdreg $0x60  }
0xbd: {  	[dreg:$0x2] =	wrdreg s24  }
0xbe: {  	[dreg:$0x3] =	wrdreg $0xB  }
0xbf: {  	_ =	task.clear_ibuf [dreg:s22], $0x4FFFF;
	_ =	strace $0x9000004C  }
0xc0: {  	s29 =	simm.s32 $0xB;
	_ =	strace $0x8000004E  }
0xc1: {  	_ =	swait.ge [sflag:s29], $0x1  }
0xc2: {  	[sflag:s29] =	ssyncadd.s32 $0xFFFFFFFF  }
0xc3: {  	_ =	strace $0x9000004E  }
0xc4: {  	_ =	sfence  }
0xc5: {  	s30 =	sld [smem:$0x0];
	_ =	sdelay $0x2  }
0xc6: {  	s31 =	sshll.u32 s1, $0xD;
	s1 =	sshrl.u32 s1, $0x2  }
0xc7: {  	s4 =	sand.u32 $0x4000, s31;
	s1 =	sadd.s32 s1, s30  }
0xc8: {  	s0 =	sor.u32 s4, s0;
	s1 =	sshll.u32 s1, $0x11  }
0xc9: {  	s0 =	sor.u32 s1, s0  }
0xca: {  	s0 =	sadd.s32 $0x8F2B, s0  }
0xcb: {  	[sflag:s0] =	ssyncadd.remote.s32 $0x1  }
0xcc: {  	_ =	sfence.sel $0xFFFF  }
0xcd: {  	[dreg:$0x0] =	wrdreg $0xFFFFFFFF;
	(pc) =	sbr.abs _section_cstart, $3  }
0xce: {  	[dreg:$0x1] =	wrdreg $0xFFFFFFFF  }
0xcf: {  	_ =	task.clear_ibuf [dreg:s22], $0x2FFFF;
	_ =	strace $0x9FFFFFFF  }
0xd0: {  	(tm) =	ssettm $0x7FFFFFFF  }
0xd1: {  	_ =	shalt  }
tec
execute0_lowered:
.L_overlay_start_1:
0x0: {  	(tag) =	ssettag $0x1  }
0x1: {  	s4 =	rddreg [dreg:$0x0]  }
0x2: {  	s0 =	rddreg [dreg:$0x1];
	s2 =	simm.s32 $0x0;
	s1 =	stileid.u32  }
0x3: {  	s3 =	srdreg.scid;
	s12 =	simm.s32 $0x4200;
	s13 =	simm.s32 $0x180  }
0x4: {  	s14 =	simm.s32 $0x6200;
	s15 =	simm.s32 $0x1;
	s16 =	simm.s32 $0x40  }
0x5: {  	s17 =	simm.s32 $0x0;
	[smem:$0x7FF] =	sst s2;
	s5 =	smul.u32 $0x500, s1  }
0x6: {  	s6 =	smul.u32 $0x14000, s1;
	s7 =	sand.u32 $0x1, s3;
	s3 =	sadd.s32 $0xF52A00, s4  }
0x7: {  	_ =	strace $0x8000004D;
	s8 =	ssub.s32 $0x2, s7;
	s9 =	smul.u32 $0xA000, s7  }
0x8: {  	s7 =	smul.u32 $0x280, s7;
	s6 =	sadd.s32 s6, s4;
	s10 =	sshrl.u32 s8, $0x1  }
0x9: {  	s11 =	sadd.s32 s5, s4;
	s29 =	ssub.s32 s8, s10;
	s30 =	sadd.s32 s9, s6  }
0xa: {  	s31 =	sadd.s32 s7, s11;
	s7 =	simm.s32 $0x2;
	s8 =	simm.s32 $0x80  }
0xb: {  	s9 =	simm.s32 $0x200;
	s10 =	simm.s32 $0x2200;
	s11 =	simm.s32 $0x100  }
0xc: {  	s4 =	smax.u32 s29, $0x1;
	s5 =	sadd.s32 $0x29EE08, s30;
	s6 =	sadd.s32 $0x8600, s31  }
.LBB2_1:
0xd: {  	s18 =	sadd.s32 $0x0, s6  }
0xe: {  	[tilespmem:s2], [sflag:$0x2] =	stream.linear.gather [hbm4b:s18+s2], $0x200, $0x38;
	[tilespmem:$0x8200] =	vst v63  }
0xf: {  	_ =	swait.ge [sflag:s7], $0x200  }
0x10: {  	[sflag:s7] =	ssyncset.done $0x0  }
0x11: {  	[sflag:s7] =	ssyncadd.s32 $0xFFFFFE00  }
0x12: {  	[tilespmem:s9], [sflag:$0x1] =	stream.indirect.gather [hbm4b:s3+s8], $0x40, s2, s8, $0xb8;
	[tilespmem:$0x8200] =	vst v63  }
0x13: {  	_ = 	snop  }
0x14: {  	[tilespmem:s10], [sflag:$0x1] =	stream.indirect.gather [hbm4b:s3+s8], $0x40, s8, s8, $0xb8;
	[tilespmem:$0x8200] =	vst v63  }
0x15: {  	_ = 	snop  }
0x16: {  	[tilespmem:s12], [sflag:$0x1] =	stream.indirect.gather [hbm4b:s3+s8], $0x40, s11, s8, $0xb8;
	[tilespmem:$0x8200] =	vst v63  }
0x17: {  	_ = 	snop  }
0x18: {  	[tilespmem:s14], [sflag:$0x1] =	stream.indirect.gather [hbm4b:s3+s8], $0x40, s13, s8, $0xb8;
	[tilespmem:$0x8200] =	vst v63  }
0x19: {  	_ =	swait.ge [sflag:s15], $0x2000  }
0x1a: {  	[sflag:s15] =	ssyncset.done $0x0  }
0x1b: {  	[sflag:s15] =	ssyncadd.s32 $0xFFFFE000  }
0x1c: {  	_ =	swait.ge [sflag:s15], $0x2000  }
0x1d: {  	[sflag:s15] =	ssyncset.done $0x0  }
0x1e: {  	[sflag:s15] =	ssyncadd.s32 $0xFFFFE000  }
0x1f: {  	_ =	swait.ge [sflag:s15], $0x2000  }
0x20: {  	[sflag:s15] =	ssyncset.done $0x0  }
0x21: {  	[sflag:s15] =	ssyncadd.s32 $0xFFFFE000  }
0x22: {  	_ =	swait.ge [sflag:s15], $0x2000  }
0x23: {  	[sflag:s15] =	ssyncset.done $0x0  }
0x24: {  	s31 =	sadd.s32 $0xFFFFFFF8, s5;
	[sflag:s15] =	ssyncadd.s32 $0xFFFFE000  }
0x25: {  	[hbm4b:s31+s16] =	stream.strided.scatter [tilespmem:s9], [sflag:$0x2], $0x4000, s8, s16, $0x38;
	[tilespmem:$0x8200] =	vst v63  }
0x26: {  	_ =	swait.ge [sflag:s7], $0x4000  }
0x27: {  	[sflag:s7] =	ssyncset.done $0x0  }
0x28: {  	[sflag:s7] =	ssyncadd.s32 $0xFFFFC000  }
0x29: {  	[hbm4b:s5+s16] =	stream.strided.scatter [tilespmem:s12], [sflag:$0x2], $0x4000, s8, s16, $0x38;
	[tilespmem:$0x8200] =	vst v63  }
0x2a: {  	s19 =	simm.s32 $0x40;
	_ =	swait.ge [sflag:s7], $0x4000  }
0x2b: {  	s20 =	simm.s32 $0x80;
	s18 =	sadd.s32 $0x1000, s5;
	[sflag:s7] =	ssyncset.done $0x0  }
.LBB2_2:
0x2c: {  	s21 =	sadd.s32 s19, s6  }
0x2d: {  	[sflag:s7] =	ssyncadd.s32 $0xFFFFC000;
	s19 =	smov.u32 s20;
	s22 =	sadd.s32 $0x40, s20  }
0x2e: {  	[tilespmem:s2], [sflag:$0x2] =	stream.linear.gather [hbm4b:s21+s2], $0x200, $0x38;
	[tilespmem:$0x8200] =	vst v63  }
0x2f: {  	p0 =	sne.s32 s20, $0x240;
	_ =	swait.ge [sflag:s7], $0x200  }
0x30: {  	[sflag:s7] =	ssyncset.done $0x0  }
0x31: {  	[sflag:s7] =	ssyncadd.s32 $0xFFFFFE00  }
0x32: {  	[tilespmem:s9], [sflag:$0x1] =	stream.indirect.gather [hbm4b:s3+s8], $0x40, s2, s8, $0xb8;
	[tilespmem:$0x8200] =	vst v63  }
0x33: {  	_ = 	snop  }
0x34: {  	[tilespmem:s10], [sflag:$0x1] =	stream.indirect.gather [hbm4b:s3+s8], $0x40, s8, s8, $0xb8;
	[tilespmem:$0x8200] =	vst v63  }
0x35: {  	_ = 	snop  }
0x36: {  	[tilespmem:s12], [sflag:$0x1] =	stream.indirect.gather [hbm4b:s3+s8], $0x40, s11, s8, $0xb8;
	[tilespmem:$0x8200] =	vst v63  }
0x37: {  	_ = 	snop  }
0x38: {  	[tilespmem:s14], [sflag:$0x1] =	stream.indirect.gather [hbm4b:s3+s8], $0x40, s13, s8, $0xb8;
	[tilespmem:$0x8200] =	vst v63  }
0x39: {  	_ =	swait.ge [sflag:s15], $0x2000  }
0x3a: {  	[sflag:s15] =	ssyncset.done $0x0  }
0x3b: {  	[sflag:s15] =	ssyncadd.s32 $0xFFFFE000  }
0x3c: {  	_ =	swait.ge [sflag:s15], $0x2000  }
0x3d: {  	[sflag:s15] =	ssyncset.done $0x0  }
0x3e: {  	[sflag:s15] =	ssyncadd.s32 $0xFFFFE000  }
0x3f: {  	_ =	swait.ge [sflag:s15], $0x2000  }
0x40: {  	[sflag:s15] =	ssyncset.done $0x0  }
0x41: {  	[sflag:s15] =	ssyncadd.s32 $0xFFFFE000  }
0x42: {  	_ =	swait.ge [sflag:s15], $0x2000  }
0x43: {  	[sflag:s15] =	ssyncset.done $0x0  }
0x44: {  	s20 =	sadd.s32 $0xFFFFFFF8, s18;
	[sflag:s15] =	ssyncadd.s32 $0xFFFFE000  }
0x45: {  	[hbm4b:s20+s16] =	stream.strided.scatter [tilespmem:s9], [sflag:$0x2], $0x4000, s8, s16, $0x38;
	[tilespmem:$0x8200] =	vst v63  }
0x46: {  	_ =	swait.ge [sflag:s7], $0x4000  }
.Ltmp0:
0x47: {  	[sflag:s7] =	ssyncset.done $0x0;
	(pc) =	sbr.rel @p0 .LBB2_2-.Ltmp0, $4  }
0x48: {  	[sflag:s7] =	ssyncadd.s32 $0xFFFFC000  }
0x49: {  	[hbm4b:s18+s16] =	stream.strided.scatter [tilespmem:s12], [sflag:$0x2], $0x4000, s8, s16, $0x38;
	[tilespmem:$0x8200] =	vst v63  }
0x4a: {  	_ =	swait.ge [sflag:s7], $0x4000  }
0x4b: {  	s20 =	smov.u32 s22;
	s18 =	sadd.s32 $0x1000, s18;
	[sflag:s7] =	ssyncset.done $0x0  }
0x4c: {  	s19 =	sadd.s32 s19, s6;
	[sflag:s7] =	ssyncadd.s32 $0xFFFFC000  }
0x4d: {  	[tilespmem:s2], [sflag:$0x2] =	stream.linear.gather [hbm4b:s19+s2], $0x200, $0x38;
	[tilespmem:$0x8200] =	vst v63  }
0x4e: {  	_ =	swait.ge [sflag:s7], $0x200  }
0x4f: {  	[sflag:s7] =	ssyncset.done $0x0  }
0x50: {  	[sflag:s7] =	ssyncadd.s32 $0xFFFFFE00  }
0x51: {  	[tilespmem:s9], [sflag:$0x1] =	stream.indirect.gather [hbm4b:s3+s8], $0x40, s2, s8, $0xb8;
	[tilespmem:$0x8200] =	vst v63  }
0x52: {  	_ = 	snop  }
0x53: {  	[tilespmem:s10], [sflag:$0x1] =	stream.indirect.gather [hbm4b:s3+s8], $0x40, s8, s8, $0xb8;
	[tilespmem:$0x8200] =	vst v63  }
0x54: {  	_ = 	snop  }
0x55: {  	[tilespmem:s12], [sflag:$0x1] =	stream.indirect.gather [hbm4b:s3+s8], $0x40, s11, s8, $0xb8;
	[tilespmem:$0x8200] =	vst v63  }
0x56: {  	_ = 	snop  }
0x57: {  	[tilespmem:s14], [sflag:$0x1] =	stream.indirect.gather [hbm4b:s3+s8], $0x40, s13, s8, $0xb8;
	[tilespmem:$0x8200] =	vst v63  }
0x58: {  	_ =	swait.ge [sflag:s15], $0x2000  }
0x59: {  	[sflag:s15] =	ssyncset.done $0x0  }
0x5a: {  	[sflag:s15] =	ssyncadd.s32 $0xFFFFE000  }
0x5b: {  	_ =	swait.ge [sflag:s15], $0x2000  }
0x5c: {  	[sflag:s15] =	ssyncset.done $0x0  }
0x5d: {  	[sflag:s15] =	ssyncadd.s32 $0xFFFFE000  }
0x5e: {  	_ =	swait.ge [sflag:s15], $0x2000  }
0x5f: {  	[sflag:s15] =	ssyncset.done $0x0  }
0x60: {  	[sflag:s15] =	ssyncadd.s32 $0xFFFFE000  }
0x61: {  	_ =	swait.ge [sflag:s15], $0x2000  }
0x62: {  	[sflag:s15] =	ssyncset.done $0x0  }
0x63: {  	s31 =	sadd.s32 $0xFFFFFFF8, s18;
	[sflag:s15] =	ssyncadd.s32 $0xFFFFE000  }
0x64: {  	[hbm4b:s31+s16] =	stream.strided.scatter [tilespmem:s9], [sflag:$0x2], $0x4000, s8, s16, $0x38;
	[tilespmem:$0x8200] =	vst v63  }
0x65: {  	s17 =	sadd.s32 $0x1, s17;
	_ =	swait.ge [sflag:s7], $0x4000  }
0x66: {  	p0 =	sne.s32 s17, s4;
	[sflag:s7] =	ssyncset.done $0x0  }
.Ltmp1:
0x67: {  	[sflag:s7] =	ssyncadd.s32 $0xFFFFC000;
	(pc) =	sbr.rel @p0 .LBB2_1-.Ltmp1, $4  }
0x68: {  	[hbm4b:s18+s16] =	stream.strided.scatter [tilespmem:s12], [sflag:$0x2], $0x4000, s8, s16, $0x38;
	[tilespmem:$0x8200] =	vst v63  }
0x69: {  	_ =	swait.ge [sflag:s7], $0x4000  }
0x6a: {  	[sflag:s7] =	ssyncset.done $0x0  }
0x6b: {  	[sflag:s7] =	ssyncadd.s32 $0xFFFFC000  }
0x6c: {  	_ =	sfence.sel $0x180000  }
0x6d: {  	[bflag:$0x0] =	sbarrier.arrive $0xFFFF  }
0x6e: {  	p0 =	sne.s32 s1, $0x0;
	_ =	strace $0x9000004D  }
0x6f: {  	s0 =	sadd.s32 @!p0 $0x100000, s0;
	[bflag:$0x2] =	sbarrier.arrive $0xFFFF  }
0x70: {  	[sflag:s0] =	ssyncadd.tile.s32 @!p0 $0x1;
	_ =	shalt  }
.Lfunc_end2:
_tile_overlayer_lowered:
.L_overlay_start_2:
0x71: {  	(tag) =	ssettag $0x2  }
0x72: {  	s0 =	rddreg [dreg:$0x0];
	s2 =	stileid.u32  }
0x73: {  	s1 =	rddreg [dreg:$0x1];
	p0 =	sne.s32 s2, $0x0  }
0x74: {  	s3 =	rddreg [dreg:$0x2];
	[bflag:$0x3] =	sbarrier.arrive $0xFFFF;
	s2 =	simm.s32 @!p0 $0x1C02  }
0x75: {  	[timem:s3], [sflag:s2] =	dma.local @!p0 [hbm:s0], s1  }
0x76: {  	s0 =	simm.s32 @!p0 $0x2  }
0x77: {  	_ =	swait.ge @!p0 [sflag:s0], s1  }
0x78: {  	s1 =	ssub.s32 @!p0 $0x0, s1;
	[sflag:s0] =	ssyncset.done @!p0 $0x0  }
0x79: {  	[sflag:s0] =	ssyncadd.s32 @!p0 s1  }
0x7a: {  	[bflag:$0x3] =	sbarrier.arrive $0xFFFF  }
0x7b: {  	_ =	shalt  }

// kernel: kernel.21.cloned.1.call-start
scs
__scs_entry_jumppad:
0x0: {  	(pc) =	sbr.rel $0x88, $3  }
0x1: {  	(tag) =	ssettag $0x0;
	lr =	simm.s32 $0x1  }
0x2: {  	[smem:$0x3F9A] =	sst lr;
	_ =	strace $0xD0000000  }
0x3: {  	_ = 	snop  }
0x4: {  	_ = 	snop  }
0x5: {  	_ = 	snop  }
0x6: {  	_ = 	snop  }
0x7: {  	_ = 	snop  }
__scs_overlays_trampoline_lowered:
0x8: {  	[smem:$0x3FA9] =	sst s0  }
0x9: {  	[smem:$0x3FAA] =	sst s1  }
0xa: {  	[smem:$0x3FAB] =	sst s2  }
0xb: {  	[smem:$0x3FAC] =	sst s3  }
0xc: {  	[smem:$0x3FAD] =	sst s4  }
0xd: {  	[smem:$0x3FAE] =	sst s5  }
0xe: {  	[smem:$0x3FAF] =	sst s6  }
0xf: {  	[smem:$0x3FB0] =	sst s7  }
0x10: {  	[smem:$0x3FB1] =	sst s8  }
0x11: {  	[smem:$0x3FB2] =	sst s9;
	s0 =	simm.s32 @!p0 $0x0  }
0x12: {  	s1 =	sld [smem:$0x3F98];
	s0 =	simm.s32 @p0 $0x1  }
0x13: {  	[smem:$0x3FB3] =	sst s0;
	s0 =	simm.s32 @!p1 $0x0  }
0x14: {  	s2 =	sld [smem:$0x3F97];
	s0 =	simm.s32 @p1 $0x1  }
0x15: {  	[smem:$0x3FB4] =	sst s0;
	s0 =	simm.s32 @!p2 $0x0  }
0x16: {  	s3 =	sld [smem:$0x3FDB];
	s0 =	simm.s32 @p2 $0x1  }
0x17: {  	s4 =	simm.s32 $0x1BF5;
	[smem:$0x3FB6] =	sst s0  }
0x18: {  	s0 =	sld [smem:$0x3F99];
	_ =	swait.ge [sflag:s4], $0x0  }
0x19: {  	s7 =	sld [smem:$0x3F9A]  }
0x1a: {  	s8 =	sadd.s32 $0xFFFFE003, lr  }
0x1b: {  	s9 =	sadd.s32 $0xFFFFFEF7, lr;
	s5 =	simm.s32 $0xFFFFFFFF;
	p2 =	slt.u32 s8, $0xFFFFF086  }
0x1c: {  	p1 =	slt.u32 s9, $0xF7A;
	s5 =	simm.s32 @!p2 $0x0  }
0x1d: {  	s5 =	simm.s32 @p1 $0x1;
	p0 =	seq.s32 s7, s2  }
0x1e: {  	s7 =	smul.u32 @!p0 $0xF7A, s2;
	p2 =	seq.s32 @!p0 s5, $0x0  }
0x1f: {  	s9 =	smul.u32 $0xF7A, s1;
	s8 =	simm.s32 @!p0 $0x1BF5;
	p2 =	por !p2, p0  }
0x20: {  	[sflag:s8] =	ssyncset.s32 @!p0 $0xFFFFF086;
	s6 =	sadd.s32 @!p0 s3, s7;
	s7 =	simm.s32 @!p0 $0x108  }
0x21: {  	s3 =	sadd.s32 s3, s9;
	s6 =	sadd.s32 @!p0 $0x88, s6;
	s7 =	simm.s32 @p2 $0x1082  }
0x22: {  	[simem:s7], [sflag:s8] =	dma.local @!p0 [hbm:s6], $0xF7A  }
0x23: {  	s9 =	sor.u32 $0xD0000000, s2;
	s6 =	simm.s32 $0x108;
	_ =	swait.ge @!p0 [sflag:s8], $0x0  }
0x24: {  	s3 =	sadd.s32 $0x88, s3;
	s6 =	simm.s32 @!p1 $0x1082;
	[sflag:s4] =	ssyncset.s32 $0xFFFFF086  }
0x25: {  	[simem:s6], [sflag:s4] =	dma.local [hbm:s3], $0xF7A  }
0x26: {  	[smem:$0x3F9A] =	sst s1;
	(tag) =	ssettag s2;
	_ =	strace s9  }
0x27: {  	s1 =	sld [smem:$0x3FAA]  }
0x28: {  	s2 =	sld [smem:$0x3FAB]  }
0x29: {  	s4 =	sld [smem:$0x3FAD]  }
0x2a: {  	p0 =	seq.s32 s5, $0x0;
	s5 =	sld [smem:$0x3FAE]  }
0x2b: {  	s6 =	sld [smem:$0x3FAF]  }
0x2c: {  	s7 =	sld [smem:$0x3FB0]  }
0x2d: {  	s3 =	simm.s32 $0x108;
	s8 =	sld [smem:$0x3FB1]  }
0x2e: {  	s3 =	simm.s32 @!p0 $0x1082;
	s9 =	sld [smem:$0x3FB2]  }
0x2f: {  	lr =	sadd.s32 s0, s3;
	s0 =	sld [smem:$0x3FA9]  }
0x30: {  	s3 =	sld [smem:$0x3FAC]  }
0x31: {  	[smem:$0x3FB5] =	sst s10  }
0x32: {  	s10 =	sld [smem:$0x3FB3];
	_ =	sdelay $0x3  }
0x33: {  	p0 =	seq.s32 s10, $0x1;
	s10 =	sld [smem:$0x3FB5];
	_ =	sdelay $0x3  }
0x34: {  	[smem:$0x3FB5] =	sst s10  }
0x35: {  	s10 =	sld [smem:$0x3FB4];
	_ =	sdelay $0x3  }
0x36: {  	p1 =	seq.s32 s10, $0x1;
	s10 =	sld [smem:$0x3FB5];
	_ =	sdelay $0x3  }
0x37: {  	[smem:$0x3FB5] =	sst s10  }
0x38: {  	s10 =	sld [smem:$0x3FB6]  }
0x39: {  	_ = 	snop;
	(pc) =	sbr.ind lr, $3  }
0x3a: {  	_ = 	snop  }
0x3b: {  	_ = 	snop  }
0x3c: {  	p2 =	seq.s32 s10, $0x1;
	s10 =	sld [smem:$0x3FB5]  }
0x3d: {  	_ =	shalt  }
0x3e: {  	_ =	shalt  }
0x3f: {  	_ =	shalt  }
0x40: {  	_ =	shalt  }
0x41: {  	_ =	shalt  }
0x42: {  	_ =	shalt  }
0x43: {  	_ =	shalt  }
0x44: {  	_ =	shalt  }
0x45: {  	_ =	shalt  }
0x46: {  	_ =	shalt  }
0x47: {  	_ =	shalt  }
0x48: {  	_ =	shalt  }
0x49: {  	_ =	shalt  }
0x4a: {  	_ =	shalt  }
0x4b: {  	_ =	shalt  }
0x4c: {  	_ =	shalt  }
0x4d: {  	_ =	shalt  }
0x4e: {  	_ =	shalt  }
0x4f: {  	_ =	shalt  }
0x50: {  	_ =	shalt  }
0x51: {  	_ =	shalt  }
0x52: {  	_ =	shalt  }
0x53: {  	_ =	shalt  }
0x54: {  	_ =	shalt  }
0x55: {  	_ =	shalt  }
0x56: {  	_ =	shalt  }
0x57: {  	_ =	shalt  }
0x58: {  	_ =	shalt  }
0x59: {  	_ =	shalt  }
0x5a: {  	_ =	shalt  }
0x5b: {  	_ =	shalt  }
0x5c: {  	_ =	shalt  }
0x5d: {  	_ =	shalt  }
0x5e: {  	_ =	shalt  }
0x5f: {  	_ =	shalt  }
0x60: {  	_ =	shalt  }
0x61: {  	_ =	shalt  }
0x62: {  	_ =	shalt  }
0x63: {  	_ =	shalt  }
0x64: {  	_ =	shalt  }
0x65: {  	_ =	shalt  }
0x66: {  	_ =	shalt  }
0x67: {  	_ =	shalt  }
0x68: {  	_ =	shalt  }
0x69: {  	_ =	shalt  }
0x6a: {  	_ =	shalt  }
0x6b: {  	_ =	shalt  }
0x6c: {  	_ =	shalt  }
0x6d: {  	_ =	shalt  }
0x6e: {  	_ =	shalt  }
0x6f: {  	_ =	shalt  }
0x70: {  	_ =	shalt  }
0x71: {  	_ =	shalt  }
0x72: {  	_ =	shalt  }
0x73: {  	_ =	shalt  }
0x74: {  	_ =	shalt  }
0x75: {  	_ =	shalt  }
0x76: {  	_ =	shalt  }
0x77: {  	_ =	shalt  }
0x78: {  	_ =	shalt  }
0x79: {  	_ =	shalt  }
0x7a: {  	_ =	shalt  }
0x7b: {  	_ =	shalt  }
0x7c: {  	_ =	shalt  }
0x7d: {  	_ =	shalt  }
0x7e: {  	_ =	shalt  }
0x7f: {  	_ =	shalt  }
0x80: {  	_ =	shalt  }
0x81: {  	_ =	shalt  }
0x82: {  	_ =	shalt  }
0x83: {  	_ =	shalt  }
0x84: {  	_ =	shalt  }
0x85: {  	_ =	shalt  }
0x86: {  	_ =	shalt  }
0x87: {  	_ =	shalt  }
.Lfunc_end0:
.L_simem_size_0:
called_computation.3_lowered:
.L_overlay_start_0:
0x88: {  	s2 =	sld [smem:$0x3FD9]  }
0x89: {  	s3 =	sld [smem:$0x3FFE];
	_ =	sdelay $0x1  }
0x8a: {  	s1 =	srdreg.scid  }
0x8b: {  	s0 =	sand.u32 $0x1, s1  }
0x8c: {  	s17 =	sshll.u32 s0, $0xA;
	s2 =	sadd.s32 s3, s2  }
0x8d: {  	s2 =	sadd.s32 s2, s17  }
0x8e: {  	[smem:$0x3FC1] =	sst s2  }
0x8f: {  	_ = 	snop  }
0x90: {  	(tm) =	ssettm $0x1  }
0x91: {  	s18 =	sld [smem:$0x3FFB];
	_ =	sdelay $0x3  }
0x92: {  	_ =	strace s18  }
0x93: {  	s2 =	sld [smem:$0x3FFC];
	_ =	sdelay $0x3  }
0x94: {  	_ =	strace s2  }
0x95: {  	s2 =	sld [smem:$0x3FFD];
	_ =	sdelay $0x3  }
0x96: {  	_ =	strace s2  }
0x97: {  	_ =	strace $0x8FFFFFFF  }
0x98: {  	s19 =	sld [smem:$0x3FDB];
	_ =	sdelay $0x1  }
0x99: {  	s20 =	simm.s32 $_scs_section_size  }
0x9a: {  	s4 =	simm.s32 $_size__tile_overlayer_lowered;
	s5 =	simm.s32 $_tile_overlayer_lowered  }
0x9b: {  	s6 =	simm.s32 $0x1BFF;
	s21 =	sshll.u32 s5, $0x1;
	s3 =	sadd.s32 s20, s19  }
0x9c: {  	s22 =	simm.s32 $0x0;
	s4 =	sshll.u32 s4, $0x1;
	s5 =	sadd.s32 s21, s3  }
0x9d: {  	[timem:s22], [sflag:s6] =	dma.local [hbm:s5], s4  }
0x9e: {  	_ =	swait.ge [sflag:s6], s4  }
0x9f: {  	s4 =	ssub.s32 $0x0, s4;
	[sflag:s6] =	ssyncset.done $0x0  }
0xa0: {  	[sflag:s6] =	ssyncadd.s32 s4;
	_ =	sdelay $0x1  }
0xa1: {  	s23 =	simm.s32 $0x1B8B  }
0xa2: {  	_ =	swait.ge [sflag:s23], $0x1  }
0xa3: {  	[sflag:s23] =	ssyncset.done $0x0  }
0xa4: {  	[sflag:s23] =	ssyncadd.s32 $0xFFFFFFFF  }
0xa5: {  	s4 =	sld [smem:$0x0]  }
0xa6: {  	s5 =	sand.u32 $0xFFFFFFFE, s1  }
0xa7: {  	p0 =	sne.s32 s1, s5  }
0xa8: {  	s5 =	sshll.u32 @p0 s5, $0xE  }
0xa9: {  	s5 =	sadd.s32 @p0 $0x11B8D, s5;
	s6 =	sshll.u32 @p0 s4, $0x11  }
0xaa: {  	s5 =	sor.u32 @p0 s6, s5  }
0xab: {  	[sflag:s5] =	ssyncadd.remote.s32 @p0 $0x1;
	_ =	sdelay $0x1  }
0xac: {  	s5 =	simm.s32 @p0 $0x1B8D  }
0xad: {  	_ =	swait.eq @p0 [sflag:s5], $0x1  }
0xae: {  	[sflag:s5] =	ssyncadd.s32 @p0 $0xFFFFFFFF  }
0xaf: {  	s6 =	sshll.u32 @!p0 s1, $0xE  }
0xb0: {  	s6 =	sor.u32 @!p0 $0x4000, s6;
	s5 =	simm.s32 @!p0 $0x1B8D  }
0xb1: {  	s4 =	sshll.u32 @!p0 s4, $0x11;
	s6 =	sadd.s32 @!p0 $0x11B8D, s6;
	_ =	swait.eq @!p0 [sflag:s5], $0x1  }
0xb2: {  	s4 =	sor.u32 @!p0 s4, s6;
	[sflag:s5] =	ssyncadd.s32 @!p0 $0xFFFFFFFF  }
0xb3: {  	s25 =	simm.s32 $0x1B8E;
	s24 =	sld [smem:$0x3FFE];
	[sflag:s4] =	ssyncadd.remote.s32 @!p0 $0x1  }
0xb4: {  	s26 =	simm.s32 $execute0_lowered;
	[smem:$0x3FD2] =	sst s25  }
0xb5: {  	s5 =	sshll.u32 s26, $0x1;
	_ =	strace $0x8000004F;
	[dreg:$0x1] =	wrdreg $0xFFFFFFFF  }
0xb6: {  	s28 =	simm.s32 $_size_execute0_lowered;
	s3 =	sadd.s32 s3, s5;
	[dreg:$0x0] =	wrdreg $0x0  }
0xb7: {  	s5 =	sshll.u32 s28, $0x1;
	[dreg:$0x2] =	wrdreg s3  }
0xb8: {  	[dreg:$0x3] =	wrdreg s5  }
0xb9: {  	[dreg:$0x4] =	wrdreg $0xC0  }
0xba: {  	_ =	task [dreg:s22], $0x5FFFF  }
0xbb: {  	[dreg:$0x1] =	wrdreg $0xFFFFFFFF  }
0xbc: {  	[dreg:$0x0] =	wrdreg $0x60  }
0xbd: {  	[dreg:$0x2] =	wrdreg s24  }
0xbe: {  	[dreg:$0x3] =	wrdreg $0xC  }
0xbf: {  	_ =	task.clear_ibuf [dreg:s22], $0x4FFFF;
	_ =	strace $0x9000004F  }
0xc0: {  	s29 =	simm.s32 $0xC;
	_ =	strace $0x80000051  }
0xc1: {  	_ =	swait.ge [sflag:s29], $0x1  }
0xc2: {  	[sflag:s29] =	ssyncadd.s32 $0xFFFFFFFF  }
0xc3: {  	_ =	strace $0x90000051  }
0xc4: {  	_ =	sfence  }
0xc5: {  	s30 =	sld [smem:$0x0];
	_ =	sdelay $0x2  }
0xc6: {  	s31 =	sshll.u32 s1, $0xD;
	s1 =	sshrl.u32 s1, $0x2  }
0xc7: {  	s4 =	sand.u32 $0x4000, s31;
	s1 =	sadd.s32 s1, s30  }
0xc8: {  	s0 =	sor.u32 s4, s0;
	s1 =	sshll.u32 s1, $0x11  }
0xc9: {  	s0 =	sor.u32 s1, s0  }
0xca: {  	s0 =	sadd.s32 $0x8F2B, s0  }
0xcb: {  	[sflag:s0] =	ssyncadd.remote.s32 $0x1  }
0xcc: {  	_ =	sfence.sel $0xFFFF  }
0xcd: {  	[dreg:$0x0] =	wrdreg $0xFFFFFFFF;
	(pc) =	sbr.abs _section_cstart, $3  }
0xce: {  	[dreg:$0x1] =	wrdreg $0xFFFFFFFF  }
0xcf: {  	_ =	task.clear_ibuf [dreg:s22], $0x2FFFF;
	_ =	strace $0x9FFFFFFF  }
0xd0: {  	(tm) =	ssettm $0x7FFFFFFF  }
0xd1: {  	_ =	shalt  }
tec
execute0_lowered:
.L_overlay_start_1:
0x0: {  	(tag) =	ssettag $0x1  }
0x1: {  	s4 =	rddreg [dreg:$0x0]  }
0x2: {  	s0 =	rddreg [dreg:$0x1];
	s2 =	simm.s32 $0x0;
	s1 =	stileid.u32  }
0x3: {  	s3 =	srdreg.scid;
	s12 =	simm.s32 $0x4200;
	s13 =	simm.s32 $0x180  }
0x4: {  	s14 =	simm.s32 $0x6200;
	s15 =	simm.s32 $0x1;
	s16 =	simm.s32 $0x40  }
0x5: {  	s17 =	simm.s32 $0x0;
	[smem:$0x7FF] =	sst s2;
	s5 =	smul.u32 $0x500, s1  }
0x6: {  	s6 =	smul.u32 $0x14000, s1;
	s7 =	sand.u32 $0x1, s3;
	s3 =	sadd.s32 $0xF52A00, s4  }
0x7: {  	_ =	strace $0x80000050;
	s8 =	ssub.s32 $0x2, s7;
	s9 =	smul.u32 $0xA000, s7  }
0x8: {  	s7 =	smul.u32 $0x280, s7;
	s6 =	sadd.s32 s6, s4;
	s10 =	sshrl.u32 s8, $0x1  }
0x9: {  	s11 =	sadd.s32 s5, s4;
	s29 =	ssub.s32 s8, s10;
	s30 =	sadd.s32 s9, s6  }
0xa: {  	s31 =	sadd.s32 s7, s11;
	s7 =	simm.s32 $0x2;
	s8 =	simm.s32 $0x80  }
0xb: {  	s9 =	simm.s32 $0x200;
	s10 =	simm.s32 $0x2200;
	s11 =	simm.s32 $0x100  }
0xc: {  	s4 =	smax.u32 s29, $0x1;
	s5 =	sadd.s32 $0x3DEE08, s30;
	s6 =	sadd.s32 $0x154E00, s31  }
.LBB2_1:
0xd: {  	s18 =	sadd.s32 $0x0, s6  }
0xe: {  	[tilespmem:s2], [sflag:$0x2] =	stream.linear.gather [hbm4b:s18+s2], $0x200, $0x38;
	[tilespmem:$0x8200] =	vst v63  }
0xf: {  	_ =	swait.ge [sflag:s7], $0x200  }
0x10: {  	[sflag:s7] =	ssyncset.done $0x0  }
0x11: {  	[sflag:s7] =	ssyncadd.s32 $0xFFFFFE00  }
0x12: {  	[tilespmem:s9], [sflag:$0x1] =	stream.indirect.gather [hbm4b:s3+s8], $0x40, s2, s8, $0xb8;
	[tilespmem:$0x8200] =	vst v63  }
0x13: {  	_ = 	snop  }
0x14: {  	[tilespmem:s10], [sflag:$0x1] =	stream.indirect.gather [hbm4b:s3+s8], $0x40, s8, s8, $0xb8;
	[tilespmem:$0x8200] =	vst v63  }
0x15: {  	_ = 	snop  }
0x16: {  	[tilespmem:s12], [sflag:$0x1] =	stream.indirect.gather [hbm4b:s3+s8], $0x40, s11, s8, $0xb8;
	[tilespmem:$0x8200] =	vst v63  }
0x17: {  	_ = 	snop  }
0x18: {  	[tilespmem:s14], [sflag:$0x1] =	stream.indirect.gather [hbm4b:s3+s8], $0x40, s13, s8, $0xb8;
	[tilespmem:$0x8200] =	vst v63  }
0x19: {  	_ =	swait.ge [sflag:s15], $0x2000  }
0x1a: {  	[sflag:s15] =	ssyncset.done $0x0  }
0x1b: {  	[sflag:s15] =	ssyncadd.s32 $0xFFFFE000  }
0x1c: {  	_ =	swait.ge [sflag:s15], $0x2000  }
0x1d: {  	[sflag:s15] =	ssyncset.done $0x0  }
0x1e: {  	[sflag:s15] =	ssyncadd.s32 $0xFFFFE000  }
0x1f: {  	_ =	swait.ge [sflag:s15], $0x2000  }
0x20: {  	[sflag:s15] =	ssyncset.done $0x0  }
0x21: {  	[sflag:s15] =	ssyncadd.s32 $0xFFFFE000  }
0x22: {  	_ =	swait.ge [sflag:s15], $0x2000  }
0x23: {  	[sflag:s15] =	ssyncset.done $0x0  }
0x24: {  	s31 =	sadd.s32 $0xFFFFFFF8, s5;
	[sflag:s15] =	ssyncadd.s32 $0xFFFFE000  }
0x25: {  	[hbm4b:s31+s16] =	stream.strided.scatter [tilespmem:s9], [sflag:$0x2], $0x4000, s8, s16, $0x38;
	[tilespmem:$0x8200] =	vst v63  }
0x26: {  	_ =	swait.ge [sflag:s7], $0x4000  }
0x27: {  	[sflag:s7] =	ssyncset.done $0x0  }
0x28: {  	[sflag:s7] =	ssyncadd.s32 $0xFFFFC000  }
0x29: {  	[hbm4b:s5+s16] =	stream.strided.scatter [tilespmem:s12], [sflag:$0x2], $0x4000, s8, s16, $0x38;
	[tilespmem:$0x8200] =	vst v63  }
0x2a: {  	s19 =	simm.s32 $0x40;
	_ =	swait.ge [sflag:s7], $0x4000  }
0x2b: {  	s20 =	simm.s32 $0x80;
	s18 =	sadd.s32 $0x1000, s5;
	[sflag:s7] =	ssyncset.done $0x0  }
.LBB2_2:
0x2c: {  	s21 =	sadd.s32 s19, s6  }
0x2d: {  	[sflag:s7] =	ssyncadd.s32 $0xFFFFC000;
	s19 =	smov.u32 s20;
	s22 =	sadd.s32 $0x40, s20  }
0x2e: {  	[tilespmem:s2], [sflag:$0x2] =	stream.linear.gather [hbm4b:s21+s2], $0x200, $0x38;
	[tilespmem:$0x8200] =	vst v63  }
0x2f: {  	p0 =	sne.s32 s20, $0x240;
	_ =	swait.ge [sflag:s7], $0x200  }
0x30: {  	[sflag:s7] =	ssyncset.done $0x0  }
0x31: {  	[sflag:s7] =	ssyncadd.s32 $0xFFFFFE00  }
0x32: {  	[tilespmem:s9], [sflag:$0x1] =	stream.indirect.gather [hbm4b:s3+s8], $0x40, s2, s8, $0xb8;
	[tilespmem:$0x8200] =	vst v63  }
0x33: {  	_ = 	snop  }
0x34: {  	[tilespmem:s10], [sflag:$0x1] =	stream.indirect.gather [hbm4b:s3+s8], $0x40, s8, s8, $0xb8;
	[tilespmem:$0x8200] =	vst v63  }
0x35: {  	_ = 	snop  }
0x36: {  	[tilespmem:s12], [sflag:$0x1] =	stream.indirect.gather [hbm4b:s3+s8], $0x40, s11, s8, $0xb8;
	[tilespmem:$0x8200] =	vst v63  }
0x37: {  	_ = 	snop  }
0x38: {  	[tilespmem:s14], [sflag:$0x1] =	stream.indirect.gather [hbm4b:s3+s8], $0x40, s13, s8, $0xb8;
	[tilespmem:$0x8200] =	vst v63  }
0x39: {  	_ =	swait.ge [sflag:s15], $0x2000  }
0x3a: {  	[sflag:s15] =	ssyncset.done $0x0  }
0x3b: {  	[sflag:s15] =	ssyncadd.s32 $0xFFFFE000  }
0x3c: {  	_ =	swait.ge [sflag:s15], $0x2000  }
0x3d: {  	[sflag:s15] =	ssyncset.done $0x0  }
0x3e: {  	[sflag:s15] =	ssyncadd.s32 $0xFFFFE000  }
0x3f: {  	_ =	swait.ge [sflag:s15], $0x2000  }
0x40: {  	[sflag:s15] =	ssyncset.done $0x0  }
0x41: {  	[sflag:s15] =	ssyncadd.s32 $0xFFFFE000  }
0x42: {  	_ =	swait.ge [sflag:s15], $0x2000  }
0x43: {  	[sflag:s15] =	ssyncset.done $0x0  }
0x44: {  	s20 =	sadd.s32 $0xFFFFFFF8, s18;
	[sflag:s15] =	ssyncadd.s32 $0xFFFFE000  }
0x45: {  	[hbm4b:s20+s16] =	stream.strided.scatter [tilespmem:s9], [sflag:$0x2], $0x4000, s8, s16, $0x38;
	[tilespmem:$0x8200] =	vst v63  }
0x46: {  	_ =	swait.ge [sflag:s7], $0x4000  }
.Ltmp0:
0x47: {  	[sflag:s7] =	ssyncset.done $0x0;
	(pc) =	sbr.rel @p0 .LBB2_2-.Ltmp0, $4  }
0x48: {  	[sflag:s7] =	ssyncadd.s32 $0xFFFFC000  }
0x49: {  	[hbm4b:s18+s16] =	stream.strided.scatter [tilespmem:s12], [sflag:$0x2], $0x4000, s8, s16, $0x38;
	[tilespmem:$0x8200] =	vst v63  }
0x4a: {  	_ =	swait.ge [sflag:s7], $0x4000  }
0x4b: {  	s20 =	smov.u32 s22;
	s18 =	sadd.s32 $0x1000, s18;
	[sflag:s7] =	ssyncset.done $0x0  }
0x4c: {  	s19 =	sadd.s32 s19, s6;
	[sflag:s7] =	ssyncadd.s32 $0xFFFFC000  }
0x4d: {  	[tilespmem:s2], [sflag:$0x2] =	stream.linear.gather [hbm4b:s19+s2], $0x200, $0x38;
	[tilespmem:$0x8200] =	vst v63  }
0x4e: {  	_ =	swait.ge [sflag:s7], $0x200  }
0x4f: {  	[sflag:s7] =	ssyncset.done $0x0  }
0x50: {  	[sflag:s7] =	ssyncadd.s32 $0xFFFFFE00  }
0x51: {  	[tilespmem:s9], [sflag:$0x1] =	stream.indirect.gather [hbm4b:s3+s8], $0x40, s2, s8, $0xb8;
	[tilespmem:$0x8200] =	vst v63  }
0x52: {  	_ = 	snop  }
0x53: {  	[tilespmem:s10], [sflag:$0x1] =	stream.indirect.gather [hbm4b:s3+s8], $0x40, s8, s8, $0xb8;
	[tilespmem:$0x8200] =	vst v63  }
0x54: {  	_ = 	snop  }
0x55: {  	[tilespmem:s12], [sflag:$0x1] =	stream.indirect.gather [hbm4b:s3+s8], $0x40, s11, s8, $0xb8;
	[tilespmem:$0x8200] =	vst v63  }
0x56: {  	_ = 	snop  }
0x57: {  	[tilespmem:s14], [sflag:$0x1] =	stream.indirect.gather [hbm4b:s3+s8], $0x40, s13, s8, $0xb8;
	[tilespmem:$0x8200] =	vst v63  }
0x58: {  	_ =	swait.ge [sflag:s15], $0x2000  }
0x59: {  	[sflag:s15] =	ssyncset.done $0x0  }
0x5a: {  	[sflag:s15] =	ssyncadd.s32 $0xFFFFE000  }
0x5b: {  	_ =	swait.ge [sflag:s15], $0x2000  }
0x5c: {  	[sflag:s15] =	ssyncset.done $0x0  }
0x5d: {  	[sflag:s15] =	ssyncadd.s32 $0xFFFFE000  }
0x5e: {  	_ =	swait.ge [sflag:s15], $0x2000  }
0x5f: {  	[sflag:s15] =	ssyncset.done $0x0  }
0x60: {  	[sflag:s15] =	ssyncadd.s32 $0xFFFFE000  }
0x61: {  	_ =	swait.ge [sflag:s15], $0x2000  }
0x62: {  	[sflag:s15] =	ssyncset.done $0x0  }
0x63: {  	s31 =	sadd.s32 $0xFFFFFFF8, s18;
	[sflag:s15] =	ssyncadd.s32 $0xFFFFE000  }
0x64: {  	[hbm4b:s31+s16] =	stream.strided.scatter [tilespmem:s9], [sflag:$0x2], $0x4000, s8, s16, $0x38;
	[tilespmem:$0x8200] =	vst v63  }
0x65: {  	s17 =	sadd.s32 $0x1, s17;
	_ =	swait.ge [sflag:s7], $0x4000  }
0x66: {  	p0 =	sne.s32 s17, s4;
	[sflag:s7] =	ssyncset.done $0x0  }
.Ltmp1:
0x67: {  	[sflag:s7] =	ssyncadd.s32 $0xFFFFC000;
	(pc) =	sbr.rel @p0 .LBB2_1-.Ltmp1, $4  }
0x68: {  	[hbm4b:s18+s16] =	stream.strided.scatter [tilespmem:s12], [sflag:$0x2], $0x4000, s8, s16, $0x38;
	[tilespmem:$0x8200] =	vst v63  }
0x69: {  	_ =	swait.ge [sflag:s7], $0x4000  }
0x6a: {  	[sflag:s7] =	ssyncset.done $0x0  }
0x6b: {  	[sflag:s7] =	ssyncadd.s32 $0xFFFFC000  }
0x6c: {  	_ =	sfence.sel $0x180000  }
0x6d: {  	[bflag:$0x0] =	sbarrier.arrive $0xFFFF  }
0x6e: {  	p0 =	sne.s32 s1, $0x0;
	_ =	strace $0x90000050  }
0x6f: {  	s0 =	sadd.s32 @!p0 $0x100000, s0;
	[bflag:$0x2] =	sbarrier.arrive $0xFFFF  }
0x70: {  	[sflag:s0] =	ssyncadd.tile.s32 @!p0 $0x1;
	_ =	shalt  }
.Lfunc_end2:
_tile_overlayer_lowered:
.L_overlay_start_2:
0x71: {  	(tag) =	ssettag $0x2  }
0x72: {  	s0 =	rddreg [dreg:$0x0];
	s2 =	stileid.u32  }
0x73: {  	s1 =	rddreg [dreg:$0x1];
	p0 =	sne.s32 s2, $0x0  }
0x74: {  	s3 =	rddreg [dreg:$0x2];
	[bflag:$0x3] =	sbarrier.arrive $0xFFFF;
	s2 =	simm.s32 @!p0 $0x1C02  }
0x75: {  	[timem:s3], [sflag:s2] =	dma.local @!p0 [hbm:s0], s1  }
0x76: {  	s0 =	simm.s32 @!p0 $0x2  }
0x77: {  	_ =	swait.ge @!p0 [sflag:s0], s1  }
0x78: {  	s1 =	ssub.s32 @!p0 $0x0, s1;
	[sflag:s0] =	ssyncset.done @!p0 $0x0  }
0x79: {  	[sflag:s0] =	ssyncadd.s32 @!p0 s1  }
0x7a: {  	[bflag:$0x3] =	sbarrier.arrive $0xFFFF  }
0x7b: {  	_ =	shalt  }

// kernel: kernel.24.cloned.1.call-start
scs
__scs_entry_jumppad:
0x0: {  	(pc) =	sbr.rel $0x88, $3  }
0x1: {  	(tag) =	ssettag $0x0;
	lr =	simm.s32 $0x1  }
0x2: {  	[smem:$0x3F9A] =	sst lr;
	_ =	strace $0xD0000000  }
0x3: {  	_ = 	snop  }
0x4: {  	_ = 	snop  }
0x5: {  	_ = 	snop  }
0x6: {  	_ = 	snop  }
0x7: {  	_ = 	snop  }
__scs_overlays_trampoline_lowered:
0x8: {  	[smem:$0x3FA9] =	sst s0  }
0x9: {  	[smem:$0x3FAA] =	sst s1  }
0xa: {  	[smem:$0x3FAB] =	sst s2  }
0xb: {  	[smem:$0x3FAC] =	sst s3  }
0xc: {  	[smem:$0x3FAD] =	sst s4  }
0xd: {  	[smem:$0x3FAE] =	sst s5  }
0xe: {  	[smem:$0x3FAF] =	sst s6  }
0xf: {  	[smem:$0x3FB0] =	sst s7  }
0x10: {  	[smem:$0x3FB1] =	sst s8  }
0x11: {  	[smem:$0x3FB2] =	sst s9;
	s0 =	simm.s32 @!p0 $0x0  }
0x12: {  	s1 =	sld [smem:$0x3F98];
	s0 =	simm.s32 @p0 $0x1  }
0x13: {  	[smem:$0x3FB3] =	sst s0;
	s0 =	simm.s32 @!p1 $0x0  }
0x14: {  	s2 =	sld [smem:$0x3F97];
	s0 =	simm.s32 @p1 $0x1  }
0x15: {  	[smem:$0x3FB4] =	sst s0;
	s0 =	simm.s32 @!p2 $0x0  }
0x16: {  	s3 =	sld [smem:$0x3FDB];
	s0 =	simm.s32 @p2 $0x1  }
0x17: {  	s4 =	simm.s32 $0x1BF5;
	[smem:$0x3FB6] =	sst s0  }
0x18: {  	s0 =	sld [smem:$0x3F99];
	_ =	swait.ge [sflag:s4], $0x0  }
0x19: {  	s7 =	sld [smem:$0x3F9A]  }
0x1a: {  	s8 =	sadd.s32 $0xFFFFE003, lr  }
0x1b: {  	s9 =	sadd.s32 $0xFFFFFEF7, lr;
	s5 =	simm.s32 $0xFFFFFFFF;
	p2 =	slt.u32 s8, $0xFFFFF086  }
0x1c: {  	p1 =	slt.u32 s9, $0xF7A;
	s5 =	simm.s32 @!p2 $0x0  }
0x1d: {  	s5 =	simm.s32 @p1 $0x1;
	p0 =	seq.s32 s7, s2  }
0x1e: {  	s7 =	smul.u32 @!p0 $0xF7A, s2;
	p2 =	seq.s32 @!p0 s5, $0x0  }
0x1f: {  	s9 =	smul.u32 $0xF7A, s1;
	s8 =	simm.s32 @!p0 $0x1BF5;
	p2 =	por !p2, p0  }
0x20: {  	[sflag:s8] =	ssyncset.s32 @!p0 $0xFFFFF086;
	s6 =	sadd.s32 @!p0 s3, s7;
	s7 =	simm.s32 @!p0 $0x108  }
0x21: {  	s3 =	sadd.s32 s3, s9;
	s6 =	sadd.s32 @!p0 $0x88, s6;
	s7 =	simm.s32 @p2 $0x1082  }
0x22: {  	[simem:s7], [sflag:s8] =	dma.local @!p0 [hbm:s6], $0xF7A  }
0x23: {  	s9 =	sor.u32 $0xD0000000, s2;
	s6 =	simm.s32 $0x108;
	_ =	swait.ge @!p0 [sflag:s8], $0x0  }
0x24: {  	s3 =	sadd.s32 $0x88, s3;
	s6 =	simm.s32 @!p1 $0x1082;
	[sflag:s4] =	ssyncset.s32 $0xFFFFF086  }
0x25: {  	[simem:s6], [sflag:s4] =	dma.local [hbm:s3], $0xF7A  }
0x26: {  	[smem:$0x3F9A] =	sst s1;
	(tag) =	ssettag s2;
	_ =	strace s9  }
0x27: {  	s1 =	sld [smem:$0x3FAA]  }
0x28: {  	s2 =	sld [smem:$0x3FAB]  }
0x29: {  	s4 =	sld [smem:$0x3FAD]  }
0x2a: {  	p0 =	seq.s32 s5, $0x0;
	s5 =	sld [smem:$0x3FAE]  }
0x2b: {  	s6 =	sld [smem:$0x3FAF]  }
0x2c: {  	s7 =	sld [smem:$0x3FB0]  }
0x2d: {  	s3 =	simm.s32 $0x108;
	s8 =	sld [smem:$0x3FB1]  }
0x2e: {  	s3 =	simm.s32 @!p0 $0x1082;
	s9 =	sld [smem:$0x3FB2]  }
0x2f: {  	lr =	sadd.s32 s0, s3;
	s0 =	sld [smem:$0x3FA9]  }
0x30: {  	s3 =	sld [smem:$0x3FAC]  }
0x31: {  	[smem:$0x3FB5] =	sst s10  }
0x32: {  	s10 =	sld [smem:$0x3FB3];
	_ =	sdelay $0x3  }
0x33: {  	p0 =	seq.s32 s10, $0x1;
	s10 =	sld [smem:$0x3FB5];
	_ =	sdelay $0x3  }
0x34: {  	[smem:$0x3FB5] =	sst s10  }
0x35: {  	s10 =	sld [smem:$0x3FB4];
	_ =	sdelay $0x3  }
0x36: {  	p1 =	seq.s32 s10, $0x1;
	s10 =	sld [smem:$0x3FB5];
	_ =	sdelay $0x3  }
0x37: {  	[smem:$0x3FB5] =	sst s10  }
0x38: {  	s10 =	sld [smem:$0x3FB6]  }
0x39: {  	_ = 	snop;
	(pc) =	sbr.ind lr, $3  }
0x3a: {  	_ = 	snop  }
0x3b: {  	_ = 	snop  }
0x3c: {  	p2 =	seq.s32 s10, $0x1;
	s10 =	sld [smem:$0x3FB5]  }
0x3d: {  	_ =	shalt  }
0x3e: {  	_ =	shalt  }
0x3f: {  	_ =	shalt  }
0x40: {  	_ =	shalt  }
0x41: {  	_ =	shalt  }
0x42: {  	_ =	shalt  }
0x43: {  	_ =	shalt  }
0x44: {  	_ =	shalt  }
0x45: {  	_ =	shalt  }
0x46: {  	_ =	shalt  }
0x47: {  	_ =	shalt  }
0x48: {  	_ =	shalt  }
0x49: {  	_ =	shalt  }
0x4a: {  	_ =	shalt  }
0x4b: {  	_ =	shalt  }
0x4c: {  	_ =	shalt  }
0x4d: {  	_ =	shalt  }
0x4e: {  	_ =	shalt  }
0x4f: {  	_ =	shalt  }
0x50: {  	_ =	shalt  }
0x51: {  	_ =	shalt  }
0x52: {  	_ =	shalt  }
0x53: {  	_ =	shalt  }
0x54: {  	_ =	shalt  }
0x55: {  	_ =	shalt  }
0x56: {  	_ =	shalt  }
0x57: {  	_ =	shalt  }
0x58: {  	_ =	shalt  }
0x59: {  	_ =	shalt  }
0x5a: {  	_ =	shalt  }
0x5b: {  	_ =	shalt  }
0x5c: {  	_ =	shalt  }
0x5d: {  	_ =	shalt  }
0x5e: {  	_ =	shalt  }
0x5f: {  	_ =	shalt  }
0x60: {  	_ =	shalt  }
0x61: {  	_ =	shalt  }
0x62: {  	_ =	shalt  }
0x63: {  	_ =	shalt  }
0x64: {  	_ =	shalt  }
0x65: {  	_ =	shalt  }
0x66: {  	_ =	shalt  }
0x67: {  	_ =	shalt  }
0x68: {  	_ =	shalt  }
0x69: {  	_ =	shalt  }
0x6a: {  	_ =	shalt  }
0x6b: {  	_ =	shalt  }
0x6c: {  	_ =	shalt  }
0x6d: {  	_ =	shalt  }
0x6e: {  	_ =	shalt  }
0x6f: {  	_ =	shalt  }
0x70: {  	_ =	shalt  }
0x71: {  	_ =	shalt  }
0x72: {  	_ =	shalt  }
0x73: {  	_ =	shalt  }
0x74: {  	_ =	shalt  }
0x75: {  	_ =	shalt  }
0x76: {  	_ =	shalt  }
0x77: {  	_ =	shalt  }
0x78: {  	_ =	shalt  }
0x79: {  	_ =	shalt  }
0x7a: {  	_ =	shalt  }
0x7b: {  	_ =	shalt  }
0x7c: {  	_ =	shalt  }
0x7d: {  	_ =	shalt  }
0x7e: {  	_ =	shalt  }
0x7f: {  	_ =	shalt  }
0x80: {  	_ =	shalt  }
0x81: {  	_ =	shalt  }
0x82: {  	_ =	shalt  }
0x83: {  	_ =	shalt  }
0x84: {  	_ =	shalt  }
0x85: {  	_ =	shalt  }
0x86: {  	_ =	shalt  }
0x87: {  	_ =	shalt  }
.Lfunc_end0:
.L_simem_size_0:
called_computation.4_lowered:
.L_overlay_start_0:
0x88: {  	s2 =	sld [smem:$0x3FD9]  }
0x89: {  	s3 =	sld [smem:$0x3FFE];
	_ =	sdelay $0x1  }
0x8a: {  	s1 =	srdreg.scid  }
0x8b: {  	s0 =	sand.u32 $0x1, s1  }
0x8c: {  	s17 =	sshll.u32 s0, $0xA;
	s2 =	sadd.s32 s3, s2  }
0x8d: {  	s2 =	sadd.s32 s2, s17  }
0x8e: {  	[smem:$0x3FC1] =	sst s2  }
0x8f: {  	_ = 	snop  }
0x90: {  	(tm) =	ssettm $0x1  }
0x91: {  	s18 =	sld [smem:$0x3FFB];
	_ =	sdelay $0x3  }
0x92: {  	_ =	strace s18  }
0x93: {  	s2 =	sld [smem:$0x3FFC];
	_ =	sdelay $0x3  }
0x94: {  	_ =	strace s2  }
0x95: {  	s2 =	sld [smem:$0x3FFD];
	_ =	sdelay $0x3  }
0x96: {  	_ =	strace s2  }
0x97: {  	_ =	strace $0x8FFFFFFF  }
0x98: {  	s19 =	sld [smem:$0x3FDB];
	_ =	sdelay $0x1  }
0x99: {  	s20 =	simm.s32 $_scs_section_size  }
0x9a: {  	s4 =	simm.s32 $_size__tile_overlayer_lowered;
	s5 =	simm.s32 $_tile_overlayer_lowered  }
0x9b: {  	s6 =	simm.s32 $0x1BFF;
	s21 =	sshll.u32 s5, $0x1;
	s3 =	sadd.s32 s20, s19  }
0x9c: {  	s22 =	simm.s32 $0x0;
	s4 =	sshll.u32 s4, $0x1;
	s5 =	sadd.s32 s21, s3  }
0x9d: {  	[timem:s22], [sflag:s6] =	dma.local [hbm:s5], s4  }
0x9e: {  	_ =	swait.ge [sflag:s6], s4  }
0x9f: {  	s4 =	ssub.s32 $0x0, s4;
	[sflag:s6] =	ssyncset.done $0x0  }
0xa0: {  	[sflag:s6] =	ssyncadd.s32 s4;
	_ =	sdelay $0x1  }
0xa1: {  	s23 =	simm.s32 $0x1B8B  }
0xa2: {  	_ =	swait.ge [sflag:s23], $0x1  }
0xa3: {  	[sflag:s23] =	ssyncset.done $0x0  }
0xa4: {  	[sflag:s23] =	ssyncadd.s32 $0xFFFFFFFF  }
0xa5: {  	s4 =	sld [smem:$0x0]  }
0xa6: {  	s5 =	sand.u32 $0xFFFFFFFE, s1  }
0xa7: {  	p0 =	sne.s32 s1, s5  }
0xa8: {  	s5 =	sshll.u32 @p0 s5, $0xE  }
0xa9: {  	s5 =	sadd.s32 @p0 $0x11B8D, s5;
	s6 =	sshll.u32 @p0 s4, $0x11  }
0xaa: {  	s5 =	sor.u32 @p0 s6, s5  }
0xab: {  	[sflag:s5] =	ssyncadd.remote.s32 @p0 $0x1;
	_ =	sdelay $0x1  }
0xac: {  	s5 =	simm.s32 @p0 $0x1B8D  }
0xad: {  	_ =	swait.eq @p0 [sflag:s5], $0x1  }
0xae: {  	[sflag:s5] =	ssyncadd.s32 @p0 $0xFFFFFFFF  }
0xaf: {  	s6 =	sshll.u32 @!p0 s1, $0xE  }
0xb0: {  	s6 =	sor.u32 @!p0 $0x4000, s6;
	s5 =	simm.s32 @!p0 $0x1B8D  }
0xb1: {  	s4 =	sshll.u32 @!p0 s4, $0x11;
	s6 =	sadd.s32 @!p0 $0x11B8D, s6;
	_ =	swait.eq @!p0 [sflag:s5], $0x1  }
0xb2: {  	s4 =	sor.u32 @!p0 s4, s6;
	[sflag:s5] =	ssyncadd.s32 @!p0 $0xFFFFFFFF  }
0xb3: {  	s25 =	simm.s32 $0x1B8E;
	s24 =	sld [smem:$0x3FFE];
	[sflag:s4] =	ssyncadd.remote.s32 @!p0 $0x1  }
0xb4: {  	s26 =	simm.s32 $execute0_lowered;
	[smem:$0x3FD2] =	sst s25  }
0xb5: {  	s5 =	sshll.u32 s26, $0x1;
	_ =	strace $0x80000052;
	[dreg:$0x1] =	wrdreg $0xFFFFFFFF  }
0xb6: {  	s28 =	simm.s32 $_size_execute0_lowered;
	s3 =	sadd.s32 s3, s5;
	[dreg:$0x0] =	wrdreg $0x0  }
0xb7: {  	s5 =	sshll.u32 s28, $0x1;
	[dreg:$0x2] =	wrdreg s3  }
0xb8: {  	[dreg:$0x3] =	wrdreg s5  }
0xb9: {  	[dreg:$0x4] =	wrdreg $0xC0  }
0xba: {  	_ =	task [dreg:s22], $0x5FFFF  }
0xbb: {  	[dreg:$0x1] =	wrdreg $0xFFFFFFFF  }
0xbc: {  	[dreg:$0x0] =	wrdreg $0x60  }
0xbd: {  	[dreg:$0x2] =	wrdreg s24  }
0xbe: {  	[dreg:$0x3] =	wrdreg $0xD  }
0xbf: {  	_ =	task.clear_ibuf [dreg:s22], $0x4FFFF;
	_ =	strace $0x90000052  }
0xc0: {  	s29 =	simm.s32 $0xD;
	_ =	strace $0x80000054  }
0xc1: {  	_ =	swait.ge [sflag:s29], $0x1  }
0xc2: {  	[sflag:s29] =	ssyncadd.s32 $0xFFFFFFFF  }
0xc3: {  	_ =	strace $0x90000054  }
0xc4: {  	_ =	sfence  }
0xc5: {  	s30 =	sld [smem:$0x0];
	_ =	sdelay $0x2  }
0xc6: {  	s31 =	sshll.u32 s1, $0xD;
	s1 =	sshrl.u32 s1, $0x2  }
0xc7: {  	s4 =	sand.u32 $0x4000, s31;
	s1 =	sadd.s32 s1, s30  }
0xc8: {  	s0 =	sor.u32 s4, s0;
	s1 =	sshll.u32 s1, $0x11  }
0xc9: {  	s0 =	sor.u32 s1, s0  }
0xca: {  	s0 =	sadd.s32 $0x8F2B, s0  }
0xcb: {  	[sflag:s0] =	ssyncadd.remote.s32 $0x1  }
0xcc: {  	_ =	sfence.sel $0xFFFF  }
0xcd: {  	[dreg:$0x0] =	wrdreg $0xFFFFFFFF;
	(pc) =	sbr.abs _section_cstart, $3  }
0xce: {  	[dreg:$0x1] =	wrdreg $0xFFFFFFFF  }
0xcf: {  	_ =	task.clear_ibuf [dreg:s22], $0x2FFFF;
	_ =	strace $0x9FFFFFFF  }
0xd0: {  	(tm) =	ssettm $0x7FFFFFFF  }
0xd1: {  	_ =	shalt  }
tec
execute0_lowered:
.L_overlay_start_1:
0x0: {  	(tag) =	ssettag $0x1  }
0x1: {  	s4 =	rddreg [dreg:$0x0]  }
0x2: {  	s0 =	rddreg [dreg:$0x1];
	s2 =	simm.s32 $0x0;
	s1 =	stileid.u32  }
0x3: {  	s3 =	srdreg.scid;
	s12 =	simm.s32 $0x4200;
	s13 =	simm.s32 $0x180  }
0x4: {  	s14 =	simm.s32 $0x6200;
	s15 =	simm.s32 $0x1;
	s16 =	simm.s32 $0x40  }
0x5: {  	s17 =	simm.s32 $0x0;
	[smem:$0x7FF] =	sst s2;
	s5 =	smul.u32 $0x500, s1  }
0x6: {  	s6 =	smul.u32 $0x14000, s1;
	s7 =	sand.u32 $0x1, s3;
	s3 =	sadd.s32 $0xF52A00, s4  }
0x7: {  	_ =	strace $0x80000053;
	s8 =	ssub.s32 $0x2, s7;
	s9 =	smul.u32 $0xA000, s7  }
0x8: {  	s7 =	smul.u32 $0x280, s7;
	s6 =	sadd.s32 s6, s4;
	s10 =	sshrl.u32 s8, $0x1  }
0x9: {  	s11 =	sadd.s32 s5, s4;
	s29 =	ssub.s32 s8, s10;
	s30 =	sadd.s32 s9, s6  }
0xa: {  	s31 =	sadd.s32 s7, s11;
	s7 =	simm.s32 $0x2;
	s8 =	simm.s32 $0x80  }
0xb: {  	s9 =	simm.s32 $0x200;
	s10 =	simm.s32 $0x2200;
	s11 =	simm.s32 $0x100  }
0xc: {  	s4 =	smax.u32 s29, $0x1;
	s5 =	sadd.s32 $0x51EE08, s30;
	s6 =	sadd.s32 $0x159E00, s31  }
.LBB2_1:
0xd: {  	s18 =	sadd.s32 $0x0, s6  }
0xe: {  	[tilespmem:s2], [sflag:$0x2] =	stream.linear.gather [hbm4b:s18+s2], $0x200, $0x38;
	[tilespmem:$0x8200] =	vst v63  }
0xf: {  	_ =	swait.ge [sflag:s7], $0x200  }
0x10: {  	[sflag:s7] =	ssyncset.done $0x0  }
0x11: {  	[sflag:s7] =	ssyncadd.s32 $0xFFFFFE00  }
0x12: {  	[tilespmem:s9], [sflag:$0x1] =	stream.indirect.gather [hbm4b:s3+s8], $0x40, s2, s8, $0xb8;
	[tilespmem:$0x8200] =	vst v63  }
0x13: {  	_ = 	snop  }
0x14: {  	[tilespmem:s10], [sflag:$0x1] =	stream.indirect.gather [hbm4b:s3+s8], $0x40, s8, s8, $0xb8;
	[tilespmem:$0x8200] =	vst v63  }
0x15: {  	_ = 	snop  }
0x16: {  	[tilespmem:s12], [sflag:$0x1] =	stream.indirect.gather [hbm4b:s3+s8], $0x40, s11, s8, $0xb8;
	[tilespmem:$0x8200] =	vst v63  }
0x17: {  	_ = 	snop  }
0x18: {  	[tilespmem:s14], [sflag:$0x1] =	stream.indirect.gather [hbm4b:s3+s8], $0x40, s13, s8, $0xb8;
	[tilespmem:$0x8200] =	vst v63  }
0x19: {  	_ =	swait.ge [sflag:s15], $0x2000  }
0x1a: {  	[sflag:s15] =	ssyncset.done $0x0  }
0x1b: {  	[sflag:s15] =	ssyncadd.s32 $0xFFFFE000  }
0x1c: {  	_ =	swait.ge [sflag:s15], $0x2000  }
0x1d: {  	[sflag:s15] =	ssyncset.done $0x0  }
0x1e: {  	[sflag:s15] =	ssyncadd.s32 $0xFFFFE000  }
0x1f: {  	_ =	swait.ge [sflag:s15], $0x2000  }
0x20: {  	[sflag:s15] =	ssyncset.done $0x0  }
0x21: {  	[sflag:s15] =	ssyncadd.s32 $0xFFFFE000  }
0x22: {  	_ =	swait.ge [sflag:s15], $0x2000  }
0x23: {  	[sflag:s15] =	ssyncset.done $0x0  }
0x24: {  	s31 =	sadd.s32 $0xFFFFFFF8, s5;
	[sflag:s15] =	ssyncadd.s32 $0xFFFFE000  }
0x25: {  	[hbm4b:s31+s16] =	stream.strided.scatter [tilespmem:s9], [sflag:$0x2], $0x4000, s8, s16, $0x38;
	[tilespmem:$0x8200] =	vst v63  }
0x26: {  	_ =	swait.ge [sflag:s7], $0x4000  }
0x27: {  	[sflag:s7] =	ssyncset.done $0x0  }
0x28: {  	[sflag:s7] =	ssyncadd.s32 $0xFFFFC000  }
0x29: {  	[hbm4b:s5+s16] =	stream.strided.scatter [tilespmem:s12], [sflag:$0x2], $0x4000, s8, s16, $0x38;
	[tilespmem:$0x8200] =	vst v63  }
0x2a: {  	s19 =	simm.s32 $0x40;
	_ =	swait.ge [sflag:s7], $0x4000  }
0x2b: {  	s20 =	simm.s32 $0x80;
	s18 =	sadd.s32 $0x1000, s5;
	[sflag:s7] =	ssyncset.done $0x0  }
.LBB2_2:
0x2c: {  	s21 =	sadd.s32 s19, s6  }
0x2d: {  	[sflag:s7] =	ssyncadd.s32 $0xFFFFC000;
	s19 =	smov.u32 s20;
	s22 =	sadd.s32 $0x40, s20  }
0x2e: {  	[tilespmem:s2], [sflag:$0x2] =	stream.linear.gather [hbm4b:s21+s2], $0x200, $0x38;
	[tilespmem:$0x8200] =	vst v63  }
0x2f: {  	p0 =	sne.s32 s20, $0x240;
	_ =	swait.ge [sflag:s7], $0x200  }
0x30: {  	[sflag:s7] =	ssyncset.done $0x0  }
0x31: {  	[sflag:s7] =	ssyncadd.s32 $0xFFFFFE00  }
0x32: {  	[tilespmem:s9], [sflag:$0x1] =	stream.indirect.gather [hbm4b:s3+s8], $0x40, s2, s8, $0xb8;
	[tilespmem:$0x8200] =	vst v63  }
0x33: {  	_ = 	snop  }
0x34: {  	[tilespmem:s10], [sflag:$0x1] =	stream.indirect.gather [hbm4b:s3+s8], $0x40, s8, s8, $0xb8;
	[tilespmem:$0x8200] =	vst v63  }
0x35: {  	_ = 	snop  }
0x36: {  	[tilespmem:s12], [sflag:$0x1] =	stream.indirect.gather [hbm4b:s3+s8], $0x40, s11, s8, $0xb8;
	[tilespmem:$0x8200] =	vst v63  }
0x37: {  	_ = 	snop  }
0x38: {  	[tilespmem:s14], [sflag:$0x1] =	stream.indirect.gather [hbm4b:s3+s8], $0x40, s13, s8, $0xb8;
	[tilespmem:$0x8200] =	vst v63  }
0x39: {  	_ =	swait.ge [sflag:s15], $0x2000  }
0x3a: {  	[sflag:s15] =	ssyncset.done $0x0  }
0x3b: {  	[sflag:s15] =	ssyncadd.s32 $0xFFFFE000  }
0x3c: {  	_ =	swait.ge [sflag:s15], $0x2000  }
0x3d: {  	[sflag:s15] =	ssyncset.done $0x0  }
0x3e: {  	[sflag:s15] =	ssyncadd.s32 $0xFFFFE000  }
0x3f: {  	_ =	swait.ge [sflag:s15], $0x2000  }
0x40: {  	[sflag:s15] =	ssyncset.done $0x0  }
0x41: {  	[sflag:s15] =	ssyncadd.s32 $0xFFFFE000  }
0x42: {  	_ =	swait.ge [sflag:s15], $0x2000  }
0x43: {  	[sflag:s15] =	ssyncset.done $0x0  }
0x44: {  	s20 =	sadd.s32 $0xFFFFFFF8, s18;
	[sflag:s15] =	ssyncadd.s32 $0xFFFFE000  }
0x45: {  	[hbm4b:s20+s16] =	stream.strided.scatter [tilespmem:s9], [sflag:$0x2], $0x4000, s8, s16, $0x38;
	[tilespmem:$0x8200] =	vst v63  }
0x46: {  	_ =	swait.ge [sflag:s7], $0x4000  }
.Ltmp0:
0x47: {  	[sflag:s7] =	ssyncset.done $0x0;
	(pc) =	sbr.rel @p0 .LBB2_2-.Ltmp0, $4  }
0x48: {  	[sflag:s7] =	ssyncadd.s32 $0xFFFFC000  }
0x49: {  	[hbm4b:s18+s16] =	stream.strided.scatter [tilespmem:s12], [sflag:$0x2], $0x4000, s8, s16, $0x38;
	[tilespmem:$0x8200] =	vst v63  }
0x4a: {  	_ =	swait.ge [sflag:s7], $0x4000  }
0x4b: {  	s20 =	smov.u32 s22;
	s18 =	sadd.s32 $0x1000, s18;
	[sflag:s7] =	ssyncset.done $0x0  }
0x4c: {  	s19 =	sadd.s32 s19, s6;
	[sflag:s7] =	ssyncadd.s32 $0xFFFFC000  }
0x4d: {  	[tilespmem:s2], [sflag:$0x2] =	stream.linear.gather [hbm4b:s19+s2], $0x200, $0x38;
	[tilespmem:$0x8200] =	vst v63  }
0x4e: {  	_ =	swait.ge [sflag:s7], $0x200  }
0x4f: {  	[sflag:s7] =	ssyncset.done $0x0  }
0x50: {  	[sflag:s7] =	ssyncadd.s32 $0xFFFFFE00  }
0x51: {  	[tilespmem:s9], [sflag:$0x1] =	stream.indirect.gather [hbm4b:s3+s8], $0x40, s2, s8, $0xb8;
	[tilespmem:$0x8200] =	vst v63  }
0x52: {  	_ = 	snop  }
0x53: {  	[tilespmem:s10], [sflag:$0x1] =	stream.indirect.gather [hbm4b:s3+s8], $0x40, s8, s8, $0xb8;
	[tilespmem:$0x8200] =	vst v63  }
0x54: {  	_ = 	snop  }
0x55: {  	[tilespmem:s12], [sflag:$0x1] =	stream.indirect.gather [hbm4b:s3+s8], $0x40, s11, s8, $0xb8;
	[tilespmem:$0x8200] =	vst v63  }
0x56: {  	_ = 	snop  }
0x57: {  	[tilespmem:s14], [sflag:$0x1] =	stream.indirect.gather [hbm4b:s3+s8], $0x40, s13, s8, $0xb8;
	[tilespmem:$0x8200] =	vst v63  }
0x58: {  	_ =	swait.ge [sflag:s15], $0x2000  }
0x59: {  	[sflag:s15] =	ssyncset.done $0x0  }
0x5a: {  	[sflag:s15] =	ssyncadd.s32 $0xFFFFE000  }
0x5b: {  	_ =	swait.ge [sflag:s15], $0x2000  }
0x5c: {  	[sflag:s15] =	ssyncset.done $0x0  }
0x5d: {  	[sflag:s15] =	ssyncadd.s32 $0xFFFFE000  }
0x5e: {  	_ =	swait.ge [sflag:s15], $0x2000  }
0x5f: {  	[sflag:s15] =	ssyncset.done $0x0  }
0x60: {  	[sflag:s15] =	ssyncadd.s32 $0xFFFFE000  }
0x61: {  	_ =	swait.ge [sflag:s15], $0x2000  }
0x62: {  	[sflag:s15] =	ssyncset.done $0x0  }
0x63: {  	s31 =	sadd.s32 $0xFFFFFFF8, s18;
	[sflag:s15] =	ssyncadd.s32 $0xFFFFE000  }
0x64: {  	[hbm4b:s31+s16] =	stream.strided.scatter [tilespmem:s9], [sflag:$0x2], $0x4000, s8, s16, $0x38;
	[tilespmem:$0x8200] =	vst v63  }
0x65: {  	s17 =	sadd.s32 $0x1, s17;
	_ =	swait.ge [sflag:s7], $0x4000  }
0x66: {  	p0 =	sne.s32 s17, s4;
	[sflag:s7] =	ssyncset.done $0x0  }
.Ltmp1:
0x67: {  	[sflag:s7] =	ssyncadd.s32 $0xFFFFC000;
	(pc) =	sbr.rel @p0 .LBB2_1-.Ltmp1, $4  }
0x68: {  	[hbm4b:s18+s16] =	stream.strided.scatter [tilespmem:s12], [sflag:$0x2], $0x4000, s8, s16, $0x38;
	[tilespmem:$0x8200] =	vst v63  }
0x69: {  	_ =	swait.ge [sflag:s7], $0x4000  }
0x6a: {  	[sflag:s7] =	ssyncset.done $0x0  }
0x6b: {  	[sflag:s7] =	ssyncadd.s32 $0xFFFFC000  }
0x6c: {  	_ =	sfence.sel $0x180000  }
0x6d: {  	[bflag:$0x0] =	sbarrier.arrive $0xFFFF  }
0x6e: {  	p0 =	sne.s32 s1, $0x0;
	_ =	strace $0x90000053  }
0x6f: {  	s0 =	sadd.s32 @!p0 $0x100000, s0;
	[bflag:$0x2] =	sbarrier.arrive $0xFFFF  }
0x70: {  	[sflag:s0] =	ssyncadd.tile.s32 @!p0 $0x1;
	_ =	shalt  }
.Lfunc_end2:
_tile_overlayer_lowered:
.L_overlay_start_2:
0x71: {  	(tag) =	ssettag $0x2  }
0x72: {  	s0 =	rddreg [dreg:$0x0];
	s2 =	stileid.u32  }
0x73: {  	s1 =	rddreg [dreg:$0x1];
	p0 =	sne.s32 s2, $0x0  }
0x74: {  	s3 =	rddreg [dreg:$0x2];
	[bflag:$0x3] =	sbarrier.arrive $0xFFFF;
	s2 =	simm.s32 @!p0 $0x1C02  }
0x75: {  	[timem:s3], [sflag:s2] =	dma.local @!p0 [hbm:s0], s1  }
0x76: {  	s0 =	simm.s32 @!p0 $0x2  }
0x77: {  	_ =	swait.ge @!p0 [sflag:s0], s1  }
0x78: {  	s1 =	ssub.s32 @!p0 $0x0, s1;
	[sflag:s0] =	ssyncset.done @!p0 $0x0  }
0x79: {  	[sflag:s0] =	ssyncadd.s32 @!p0 s1  }
0x7a: {  	[bflag:$0x3] =	sbarrier.arrive $0xFFFF  }
0x7b: {  	_ =	shalt  }

</sc_bundles>
